<compile_context>
chip_gen: v7x
topology: tpu7x:2x2x1
jax: 0.10.2.dev20260603
libtpu: 0.0.44.dev20260713+nightly
codegen_flags: <defaults>
</compile_context>

<pallas_src>
import functools

import jax
import jax.numpy as jnp
from jax import lax
from jax.experimental import pallas as pl
from jax.experimental.pallas import tpu as pltpu
from jax.experimental.pallas import tpu_sc as plsc

V, F, N = 4096, 64, 512
NC, NS, L = 2, 16, 16
NW = NC * NS
ROWS_PER_TILE = V // NS
PIXROWS_PER_TILE = N // NW
GROUPS = ROWS_PER_TILE // L
COLS = N // L

_f32 = jnp.float32
_i32 = jnp.int32


def _sc_body(outm, seg, tgt, part,
             rows_v, cls_loc, cls_all, seg_v, tgt_v, hist_v, hist2_v,
             spmem_cls, sem_s, sem_t):
  cid = lax.axis_index("c")
  sid = lax.axis_index("s")
  wid = sid * NC + cid

  lane = jnp.arange(L, dtype=_i32)
  ones = jnp.ones((L,), _f32)
  zeros16 = jnp.zeros((L,), _f32)

  rbase = wid * PIXROWS_PER_TILE
  d_seg = pltpu.async_copy(seg.at[pl.ds(rbase, PIXROWS_PER_TILE)], seg_v,
                           sem_s)
  d_tgt = pltpu.async_copy(tgt.at[pl.ds(rbase, PIXROWS_PER_TILE)], tgt_v,
                           sem_t)

  pltpu.sync_copy(outm.at[pl.ds(sid * ROWS_PER_TILE, ROWS_PER_TILE)], rows_v)

  def group_body(g, _):
    rows = g * L + lane
    m = jnp.full((L,), -jnp.inf, _f32)
    am = jnp.zeros((L,), _i32)
    for j in range(F):
      v = plsc.load_gather(rows_v, [rows, jnp.full((L,), j, _i32)])
      upd = v > m
      am = jnp.where(upd, jnp.full((L,), j, _i32), am)
      m = jnp.where(upd, v, m)
    cls_loc[pl.ds(g * L, L)] = am
    return 0
  lax.fori_loop(0, GROUPS, group_body, 0)

  pltpu.sync_copy(cls_loc, spmem_cls.at[pl.ds(sid * ROWS_PER_TILE,
                                              ROWS_PER_TILE)])
  plsc.subcore_barrier()

  pltpu.sync_copy(spmem_cls, cls_all)

  for r in range(3 * F):
    hist_v[pl.ds(r * L, L)] = zeros16

  d_seg.wait()
  d_tgt.wait()

  def pix_body(r, _):
    for c in range(COLS):
      s = seg_v[r, pl.ds(c * L, L)]
      t = tgt_v[r, pl.ds(c * L, L)]
      g = plsc.load_gather(cls_all, [s])
      t16 = t * L + lane
      plsc.addupdate_scatter(hist_v, [t16], ones)
      plsc.addupdate_scatter(hist_v, [(g + F) * L + lane], ones)
      plsc.addupdate_scatter(hist_v, [t16 + 2 * F * L], ones, mask=g == t)
    return 0
  lax.fori_loop(0, PIXROWS_PER_TILE, pix_body, 0)

  def restage_body(r, _):
    hist2_v[r, :] = hist_v[pl.ds(r * L, L)]
    return 0
  lax.fori_loop(0, 3 * F, restage_body, 0)
  pltpu.sync_copy(hist2_v, part.at[cid, sid])


_sc_hist = functools.partial(
    pl.kernel,
    out_type=jax.ShapeDtypeStruct((NC, NS, 3 * F, L), _f32),
    mesh=plsc.VectorSubcoreMesh(core_axis_name="c", subcore_axis_name="s",
                                num_cores=NC, num_subcores=NS),
    compiler_params=pltpu.CompilerParams(needs_layout_passes=False),
    scratch_types=[
        pltpu.VMEM((ROWS_PER_TILE, F), _f32),
        pltpu.VMEM((ROWS_PER_TILE,), _i32),
        pltpu.VMEM((V,), _i32),
        pltpu.VMEM((PIXROWS_PER_TILE, N), _i32),
        pltpu.VMEM((PIXROWS_PER_TILE, N), _i32),
        pltpu.VMEM((3 * F * L,), _f32),
        pltpu.VMEM((3 * F, L), _f32),
        pltpu.VMEM_SHARED((V,), _i32),
        pltpu.SemaphoreType.DMA,
        pltpu.SemaphoreType.DMA,
    ],
)(_sc_body)


def _dice_body(part_ref, out_ref):
  x = part_ref[...]
  s = jnp.sum(jnp.sum(jnp.sum(x, axis=3), axis=1), axis=0)
  t = s[0:F]
  o = s[F:2 * F]
  inter = s[2 * F:3 * F]
  out_ref[...] = 2.0 * inter / (o + t + 1e-10)


_dice_reduce = pl.pallas_call(
    _dice_body,
    out_shape=jax.ShapeDtypeStruct((F,), _f32),
)


@jax.jit
def kernel(output, target, segments):
  part = _sc_hist(output, segments, target)
  return _dice_reduce(part)

# --- scband reference (transcript-rebuilt; emitter-appended) ---
"""Pipeline reference for scband-dice-40810779246984 (READ-ONLY COPY).

The authoritative reference and input builder live on the scoring server;
editing this copy changes nothing except your own understanding.
"""

import jax, jax.numpy as jnp
import numpy as np

V, F, N = 4096, 64, 512

def setup_inputs(seed: int = 0) -> dict:
    key = jax.random.key(seed)
    k1, k2, k3 = jax.random.split(key, 3)
    output = jax.random.normal(k1, (V, F), dtype=jnp.float32)
    target = jax.random.randint(k2, (N, N), 0, F, dtype=jnp.int32)
    segments = jax.random.randint(k3, (N, N), 0, V, dtype=jnp.int32)
    return {"output": output, "target": target, "segments": segments}

def _onehot_scatter(idx, n_class):
    # zeros(n_class, H, W).scatter_(0, idx, 1) equivalent
    H, W = idx.shape
    ii, jj = jnp.meshgrid(jnp.arange(H), jnp.arange(W), indexing='ij')
    oh = jnp.zeros((n_class, H, W), dtype=jnp.float32)
    return oh.at[idx, ii, jj].set(1.0)

def reference(output, target, segments):
    n_class = output.shape[1]
    # argmax class per superpixel
    cls = jnp.argmax(output, axis=1)
    # the per-segment loop  output_img += where(segments == i, output[i], 0)
    # assigns each pixel the argmax class of its segment -> a gather
    output_img = jnp.take(cls, segments)
    # one-hot encode (scatter 1s along class dim)
    target_oh = _onehot_scatter(target, n_class)
    output_oh = _onehot_scatter(output_img, n_class)
    reduced_dims = (1, 2)
    intersection = 2.0 * jnp.sum(output_oh * target_oh, axis=reduced_dims)
    union = jnp.sum(output_oh ** 2, axis=reduced_dims) + jnp.sum(target_oh ** 2, axis=reduced_dims)
    score = intersection / (union + 1e-10)
    return score

if __name__ == "__main__":
    import jax
    _d = setup_inputs()
    print(jax.jit(kernel)(*tuple(_d.values())))

</pallas_src>

<mosaic_0001>
#map = affine_map<(d0, d1) -> (0, 0)>
#map1 = affine_map<(d0, d1) -> (0, 0, 0, 0)>
module attributes {stable_mosaic.version = 14 : i64} {
  func.func @_sc_body(%arg0: i32, %arg1: i32, %arg2: memref<4096x64xf32, #tpu.memory_space<hbm>>, %arg3: memref<512x512xi32, #tpu.memory_space<hbm>>, %arg4: memref<512x512xi32, #tpu.memory_space<hbm>>, %arg5: memref<2x16x192x16xf32, #tpu.memory_space<hbm>>, %arg6: memref<256x64xf32, #tpu.memory_space<vmem>>, %arg7: memref<256xi32, #tpu.memory_space<vmem>>, %arg8: memref<4096xi32, #tpu.memory_space<vmem>>, %arg9: memref<16x512xi32, #tpu.memory_space<vmem>>, %arg10: memref<16x512xi32, #tpu.memory_space<vmem>>, %arg11: memref<3072xf32, #tpu.memory_space<vmem>>, %arg12: memref<192x16xf32, #tpu.memory_space<vmem>>, %arg13: memref<4096xi32, #tpu.memory_space<vmem_shared>>, %arg14: memref<!tpu.dma_semaphore, #tpu.memory_space<semaphore_mem>>, %arg15: memref<!tpu.dma_semaphore, #tpu.memory_space<semaphore_mem>>) attributes {dimension_semantics = [#tpu.dimension_semantics<core_parallel>, #tpu.dimension_semantics<subcore_parallel>], iteration_bounds = array<i64: 2, 16>, scalar_prefetch = 0 : i64, scratch_operands = 10 : i64, tpu.core_type = #tpu.core_type<sc_vector_subcore>, window_params = [{transform_indices = #map}, {transform_indices = #map}, {transform_indices = #map}, {transform_indices = #map1}]} {
    %mul3A = arith.constant 2 : i32
    %mul3A_0 = arith.muli %arg1, %mul3A : i32
    %add3A = arith.addi %mul3A_0, %arg0 : i32
    %iota3A = tpu.iota {dimensions = array<i32: 0>} : vector<16xi32>
    %broadcast_in_dim3A = arith.constant 1.000000e+00 : f32
    %broadcast_in_dim3A_1 = vector.broadcast %broadcast_in_dim3A : f32 to vector<16xf32>
    %broadcast_in_dim3A_2 = arith.constant 0.000000e+00 : f32
    %broadcast_in_dim3A_3 = vector.broadcast %broadcast_in_dim3A_2 : f32 to vector<16xf32>
    %mul3A_4 = arith.constant 16 : i32
    %mul3A_5 = arith.muli %add3A, %mul3A_4 : i32
    %dma_start3A = arith.constant 0 : i32
    %dma_start3A_6 = tpu.memref_slice %arg3[%mul3A_5, %dma_start3A] : memref<512x512xi32, #tpu.memory_space<hbm>> -> memref<16x512xi32, #tpu.memory_space<hbm>>
    %dma_start3A_7 = arith.constant 0 : i32
    %dma_start3A_8 = tpu.memref_slice %arg3[%mul3A_5, %dma_start3A_7] : memref<512x512xi32, #tpu.memory_space<hbm>> -> memref<16x512xi32, #tpu.memory_space<hbm>>
    tpu.enqueue_dma source(%dma_start3A_8 : memref<16x512xi32, #tpu.memory_space<hbm>>) target(%arg9 : memref<16x512xi32, #tpu.memory_space<vmem>>) target_semaphore(%arg14 : memref<!tpu.dma_semaphore, #tpu.memory_space<semaphore_mem>>)
    %dma_start3A_9 = arith.constant 0 : i32
    %dma_start3A_10 = tpu.memref_slice %arg4[%mul3A_5, %dma_start3A_9] : memref<512x512xi32, #tpu.memory_space<hbm>> -> memref<16x512xi32, #tpu.memory_space<hbm>>
    %dma_start3A_11 = arith.constant 0 : i32
    %dma_start3A_12 = tpu.memref_slice %arg4[%mul3A_5, %dma_start3A_11] : memref<512x512xi32, #tpu.memory_space<hbm>> -> memref<16x512xi32, #tpu.memory_space<hbm>>
    tpu.enqueue_dma source(%dma_start3A_12 : memref<16x512xi32, #tpu.memory_space<hbm>>) target(%arg10 : memref<16x512xi32, #tpu.memory_space<vmem>>) target_semaphore(%arg15 : memref<!tpu.dma_semaphore, #tpu.memory_space<semaphore_mem>>)
    %mul3A_13 = arith.constant 256 : i32
    %mul3A_14 = arith.muli %arg1, %mul3A_13 : i32
    "tpu.region"() ({
      %run_scoped3A = tpu.sem_alloc : memref<!tpu.dma_semaphore, #tpu.memory_space<semaphore_mem>>
      %dma_start3A_427 = arith.constant 0 : i32
      %dma_start3A_428 = tpu.memref_slice %arg2[%mul3A_14, %dma_start3A_427] : memref<4096x64xf32, #tpu.memory_space<hbm>> -> memref<256x64xf32, #tpu.memory_space<hbm>>
      %dma_start3A_429 = arith.constant 0 : i32
      %dma_start3A_430 = tpu.memref_slice %arg2[%mul3A_14, %dma_start3A_429] : memref<4096x64xf32, #tpu.memory_space<hbm>> -> memref<256x64xf32, #tpu.memory_space<hbm>>
      tpu.enqueue_dma source(%dma_start3A_430 : memref<256x64xf32, #tpu.memory_space<hbm>>) target(%arg6 : memref<256x64xf32, #tpu.memory_space<vmem>>) target_semaphore(%run_scoped3A : memref<!tpu.dma_semaphore, #tpu.memory_space<semaphore_mem>>)
      %dma_wait3A_431 = arith.constant 0 : i32
      %dma_wait3A_432 = tpu.memref_slice %arg2[%mul3A_14, %dma_wait3A_431] : memref<4096x64xf32, #tpu.memory_space<hbm>> -> memref<256x64xf32, #tpu.memory_space<hbm>>
      %dma_wait3A_433 = arith.constant 0 : i32
      %dma_wait3A_434 = tpu.memref_slice %arg2[%mul3A_14, %dma_wait3A_433] : memref<4096x64xf32, #tpu.memory_space<hbm>> -> memref<256x64xf32, #tpu.memory_space<hbm>>
      tpu.wait_dma2 semaphore(%run_scoped3A : memref<!tpu.dma_semaphore, #tpu.memory_space<semaphore_mem>>) src(%dma_wait3A_434 : memref<256x64xf32, #tpu.memory_space<hbm>>) dst(%arg6 : memref<256x64xf32, #tpu.memory_space<vmem>>)
      tpu.yield
    }) : () -> ()
    %scan3A = arith.constant 0 : i32
    %scan3A_15 = arith.constant 0 : i32
    %scan3A_16 = arith.constant 16 : i32
    %scan3A_17 = arith.addi %scan3A_15, %scan3A_16 : i32
    %scan3A_18 = arith.constant 1 : i32
    %scan3A_19 = scf.for %scan3A_427 = %scan3A_15 to %scan3A_17 step %scan3A_18 iter_args(%scan3A_428 = %scan3A) -> (i32)  : i32 {
      %mul3A_429 = arith.constant 16 : i32
      %mul3A_430 = arith.muli %scan3A_427, %mul3A_429 : i32
      %add3A_431 = vector.broadcast %mul3A_430 : i32 to vector<16xi32>
      %add3A_432 = arith.addi %add3A_431, %iota3A : vector<16xi32>
      %broadcast_in_dim3A_433 = arith.constant 0xFF800000 : f32
      %broadcast_in_dim3A_434 = vector.broadcast %broadcast_in_dim3A_433 : f32 to vector<16xf32>
      %broadcast_in_dim3A_435 = arith.constant 0 : i32
      %broadcast_in_dim3A_436 = vector.broadcast %broadcast_in_dim3A_435 : i32 to vector<16xi32>
      %broadcast_in_dim3A_437 = arith.constant 0 : i32
      %broadcast_in_dim3A_438 = vector.broadcast %broadcast_in_dim3A_437 : i32 to vector<16xi32>
      %gather3A = tpu.vector_load_idx %arg6[%add3A_432, %broadcast_in_dim3A_438] : memref<256x64xf32, #tpu.memory_space<vmem>>[vector<16xi32>, vector<16xi32>], vector<16xf32>,
      %gt3A = arith.cmpf ogt, %gather3A, %broadcast_in_dim3A_434 : vector<16xf32>
      %broadcast_in_dim3A_439 = arith.constant 0 : i32
      %broadcast_in_dim3A_440 = vector.broadcast %broadcast_in_dim3A_439 : i32 to vector<16xi32>
      %select_n3A = arith.select %gt3A, %broadcast_in_dim3A_440, %broadcast_in_dim3A_436 : vector<16xi1>, vector<16xi32>
      %select_n3A_441 = arith.select %gt3A, %gather3A, %broadcast_in_dim3A_434 : vector<16xi1>, vector<16xf32>
      %broadcast_in_dim3A_442 = arith.constant 1 : i32
      %broadcast_in_dim3A_443 = vector.broadcast %broadcast_in_dim3A_442 : i32 to vector<16xi32>
      %gather3A_444 = tpu.vector_load_idx %arg6[%add3A_432, %broadcast_in_dim3A_443] : memref<256x64xf32, #tpu.memory_space<vmem>>[vector<16xi32>, vector<16xi32>], vector<16xf32>,
      %gt3A_445 = arith.cmpf ogt, %gather3A_444, %select_n3A_441 : vector<16xf32>
      %broadcast_in_dim3A_446 = arith.constant 1 : i32
      %broadcast_in_dim3A_447 = vector.broadcast %broadcast_in_dim3A_446 : i32 to vector<16xi32>
      %select_n3A_448 = arith.select %gt3A_445, %broadcast_in_dim3A_447, %select_n3A : vector<16xi1>, vector<16xi32>
      %select_n3A_449 = arith.select %gt3A_445, %gather3A_444, %select_n3A_441 : vector<16xi1>, vector<16xf32>
      %broadcast_in_dim3A_450 = arith.constant 2 : i32
      %broadcast_in_dim3A_451 = vector.broadcast %broadcast_in_dim3A_450 : i32 to vector<16xi32>
      %gather3A_452 = tpu.vector_load_idx %arg6[%add3A_432, %broadcast_in_dim3A_451] : memref<256x64xf32, #tpu.memory_space<vmem>>[vector<16xi32>, vector<16xi32>], vector<16xf32>,
      %gt3A_453 = arith.cmpf ogt, %gather3A_452, %select_n3A_449 : vector<16xf32>
      %broadcast_in_dim3A_454 = arith.constant 2 : i32
      %broadcast_in_dim3A_455 = vector.broadcast %broadcast_in_dim3A_454 : i32 to vector<16xi32>
      %select_n3A_456 = arith.select %gt3A_453, %broadcast_in_dim3A_455, %select_n3A_448 : vector<16xi1>, vector<16xi32>
      %select_n3A_457 = arith.select %gt3A_453, %gather3A_452, %select_n3A_449 : vector<16xi1>, vector<16xf32>
      %broadcast_in_dim3A_458 = arith.constant 3 : i32
      %broadcast_in_dim3A_459 = vector.broadcast %broadcast_in_dim3A_458 : i32 to vector<16xi32>
      %gather3A_460 = tpu.vector_load_idx %arg6[%add3A_432, %broadcast_in_dim3A_459] : memref<256x64xf32, #tpu.memory_space<vmem>>[vector<16xi32>, vector<16xi32>], vector<16xf32>,
      %gt3A_461 = arith.cmpf ogt, %gather3A_460, %select_n3A_457 : vector<16xf32>
      %broadcast_in_dim3A_462 = arith.constant 3 : i32
      %broadcast_in_dim3A_463 = vector.broadcast %broadcast_in_dim3A_462 : i32 to vector<16xi32>
      %select_n3A_464 = arith.select %gt3A_461, %broadcast_in_dim3A_463, %select_n3A_456 : vector<16xi1>, vector<16xi32>
      %select_n3A_465 = arith.select %gt3A_461, %gather3A_460, %select_n3A_457 : vector<16xi1>, vector<16xf32>
      %broadcast_in_dim3A_466 = arith.constant 4 : i32
      %broadcast_in_dim3A_467 = vector.broadcast %broadcast_in_dim3A_466 : i32 to vector<16xi32>
      %gather3A_468 = tpu.vector_load_idx %arg6[%add3A_432, %broadcast_in_dim3A_467] : memref<256x64xf32, #tpu.memory_space<vmem>>[vector<16xi32>, vector<16xi32>], vector<16xf32>,
      %gt3A_469 = arith.cmpf ogt, %gather3A_468, %select_n3A_465 : vector<16xf32>
      %broadcast_in_dim3A_470 = arith.constant 4 : i32
      %broadcast_in_dim3A_471 = vector.broadcast %broadcast_in_dim3A_470 : i32 to vector<16xi32>
      %select_n3A_472 = arith.select %gt3A_469, %broadcast_in_dim3A_471, %select_n3A_464 : vector<16xi1>, vector<16xi32>
      %select_n3A_473 = arith.select %gt3A_469, %gather3A_468, %select_n3A_465 : vector<16xi1>, vector<16xf32>
      %broadcast_in_dim3A_474 = arith.constant 5 : i32
      %broadcast_in_dim3A_475 = vector.broadcast %broadcast_in_dim3A_474 : i32 to vector<16xi32>
      %gather3A_476 = tpu.vector_load_idx %arg6[%add3A_432, %broadcast_in_dim3A_475] : memref<256x64xf32, #tpu.memory_space<vmem>>[vector<16xi32>, vector<16xi32>], vector<16xf32>,
      %gt3A_477 = arith.cmpf ogt, %gather3A_476, %select_n3A_473 : vector<16xf32>
      %broadcast_in_dim3A_478 = arith.constant 5 : i32
      %broadcast_in_dim3A_479 = vector.broadcast %broadcast_in_dim3A_478 : i32 to vector<16xi32>
      %select_n3A_480 = arith.select %gt3A_477, %broadcast_in_dim3A_479, %select_n3A_472 : vector<16xi1>, vector<16xi32>
      %select_n3A_481 = arith.select %gt3A_477, %gather3A_476, %select_n3A_473 : vector<16xi1>, vector<16xf32>
      %broadcast_in_dim3A_482 = arith.constant 6 : i32
      %broadcast_in_dim3A_483 = vector.broadcast %broadcast_in_dim3A_482 : i32 to vector<16xi32>
      %gather3A_484 = tpu.vector_load_idx %arg6[%add3A_432, %broadcast_in_dim3A_483] : memref<256x64xf32, #tpu.memory_space<vmem>>[vector<16xi32>, vector<16xi32>], vector<16xf32>,
      %gt3A_485 = arith.cmpf ogt, %gather3A_484, %select_n3A_481 : vector<16xf32>
      %broadcast_in_dim3A_486 = arith.constant 6 : i32
      %broadcast_in_dim3A_487 = vector.broadcast %broadcast_in_dim3A_486 : i32 to vector<16xi32>
      %select_n3A_488 = arith.select %gt3A_485, %broadcast_in_dim3A_487, %select_n3A_480 : vector<16xi1>, vector<16xi32>
      %select_n3A_489 = arith.select %gt3A_485, %gather3A_484, %select_n3A_481 : vector<16xi1>, vector<16xf32>
      %broadcast_in_dim3A_490 = arith.constant 7 : i32
      %broadcast_in_dim3A_491 = vector.broadcast %broadcast_in_dim3A_490 : i32 to vector<16xi32>
      %gather3A_492 = tpu.vector_load_idx %arg6[%add3A_432, %broadcast_in_dim3A_491] : memref<256x64xf32, #tpu.memory_space<vmem>>[vector<16xi32>, vector<16xi32>], vector<16xf32>,
      %gt3A_493 = arith.cmpf ogt, %gather3A_492, %select_n3A_489 : vector<16xf32>
      %broadcast_in_dim3A_494 = arith.constant 7 : i32
      %broadcast_in_dim3A_495 = vector.broadcast %broadcast_in_dim3A_494 : i32 to vector<16xi32>
      %select_n3A_496 = arith.select %gt3A_493, %broadcast_in_dim3A_495, %select_n3A_488 : vector<16xi1>, vector<16xi32>
      %select_n3A_497 = arith.select %gt3A_493, %gather3A_492, %select_n3A_489 : vector<16xi1>, vector<16xf32>
      %broadcast_in_dim3A_498 = arith.constant 8 : i32
      %broadcast_in_dim3A_499 = vector.broadcast %broadcast_in_dim3A_498 : i32 to vector<16xi32>
      %gather3A_500 = tpu.vector_load_idx %arg6[%add3A_432, %broadcast_in_dim3A_499] : memref<256x64xf32, #tpu.memory_space<vmem>>[vector<16xi32>, vector<16xi32>], vector<16xf32>,
      %gt3A_501 = arith.cmpf ogt, %gather3A_500, %select_n3A_497 : vector<16xf32>
      %broadcast_in_dim3A_502 = arith.constant 8 : i32
      %broadcast_in_dim3A_503 = vector.broadcast %broadcast_in_dim3A_502 : i32 to vector<16xi32>
      %select_n3A_504 = arith.select %gt3A_501, %broadcast_in_dim3A_503, %select_n3A_496 : vector<16xi1>, vector<16xi32>
      %select_n3A_505 = arith.select %gt3A_501, %gather3A_500, %select_n3A_497 : vector<16xi1>, vector<16xf32>
      %broadcast_in_dim3A_506 = arith.constant 9 : i32
      %broadcast_in_dim3A_507 = vector.broadcast %broadcast_in_dim3A_506 : i32 to vector<16xi32>
      %gather3A_508 = tpu.vector_load_idx %arg6[%add3A_432, %broadcast_in_dim3A_507] : memref<256x64xf32, #tpu.memory_space<vmem>>[vector<16xi32>, vector<16xi32>], vector<16xf32>,
      %gt3A_509 = arith.cmpf ogt, %gather3A_508, %select_n3A_505 : vector<16xf32>
      %broadcast_in_dim3A_510 = arith.constant 9 : i32
      %broadcast_in_dim3A_511 = vector.broadcast %broadcast_in_dim3A_510 : i32 to vector<16xi32>
      %select_n3A_512 = arith.select %gt3A_509, %broadcast_in_dim3A_511, %select_n3A_504 : vector<16xi1>, vector<16xi32>
      %select_n3A_513 = arith.select %gt3A_509, %gather3A_508, %select_n3A_505 : vector<16xi1>, vector<16xf32>
      %broadcast_in_dim3A_514 = arith.constant 10 : i32
      %broadcast_in_dim3A_515 = vector.broadcast %broadcast_in_dim3A_514 : i32 to vector<16xi32>
      %gather3A_516 = tpu.vector_load_idx %arg6[%add3A_432, %broadcast_in_dim3A_515] : memref<256x64xf32, #tpu.memory_space<vmem>>[vector<16xi32>, vector<16xi32>], vector<16xf32>,
      %gt3A_517 = arith.cmpf ogt, %gather3A_516, %select_n3A_513 : vector<16xf32>
      %broadcast_in_dim3A_518 = arith.constant 10 : i32
      %broadcast_in_dim3A_519 = vector.broadcast %broadcast_in_dim3A_518 : i32 to vector<16xi32>
      %select_n3A_520 = arith.select %gt3A_517, %broadcast_in_dim3A_519, %select_n3A_512 : vector<16xi1>, vector<16xi32>
      %select_n3A_521 = arith.select %gt3A_517, %gather3A_516, %select_n3A_513 : vector<16xi1>, vector<16xf32>
      %broadcast_in_dim3A_522 = arith.constant 11 : i32
      %broadcast_in_dim3A_523 = vector.broadcast %broadcast_in_dim3A_522 : i32 to vector<16xi32>
      %gather3A_524 = tpu.vector_load_idx %arg6[%add3A_432, %broadcast_in_dim3A_523] : memref<256x64xf32, #tpu.memory_space<vmem>>[vector<16xi32>, vector<16xi32>], vector<16xf32>,
      %gt3A_525 = arith.cmpf ogt, %gather3A_524, %select_n3A_521 : vector<16xf32>
      %broadcast_in_dim3A_526 = arith.constant 11 : i32
      %broadcast_in_dim3A_527 = vector.broadcast %broadcast_in_dim3A_526 : i32 to vector<16xi32>
      %select_n3A_528 = arith.select %gt3A_525, %broadcast_in_dim3A_527, %select_n3A_520 : vector<16xi1>, vector<16xi32>
      %select_n3A_529 = arith.select %gt3A_525, %gather3A_524, %select_n3A_521 : vector<16xi1>, vector<16xf32>
      %broadcast_in_dim3A_530 = arith.constant 12 : i32
      %broadcast_in_dim3A_531 = vector.broadcast %broadcast_in_dim3A_530 : i32 to vector<16xi32>
      %gather3A_532 = tpu.vector_load_idx %arg6[%add3A_432, %broadcast_in_dim3A_531] : memref<256x64xf32, #tpu.memory_space<vmem>>[vector<16xi32>, vector<16xi32>], vector<16xf32>,
      %gt3A_533 = arith.cmpf ogt, %gather3A_532, %select_n3A_529 : vector<16xf32>
      %broadcast_in_dim3A_534 = arith.constant 12 : i32
      %broadcast_in_dim3A_535 = vector.broadcast %broadcast_in_dim3A_534 : i32 to vector<16xi32>
      %select_n3A_536 = arith.select %gt3A_533, %broadcast_in_dim3A_535, %select_n3A_528 : vector<16xi1>, vector<16xi32>
      %select_n3A_537 = arith.select %gt3A_533, %gather3A_532, %select_n3A_529 : vector<16xi1>, vector<16xf32>
      %broadcast_in_dim3A_538 = arith.constant 13 : i32
      %broadcast_in_dim3A_539 = vector.broadcast %broadcast_in_dim3A_538 : i32 to vector<16xi32>
      %gather3A_540 = tpu.vector_load_idx %arg6[%add3A_432, %broadcast_in_dim3A_539] : memref<256x64xf32, #tpu.memory_space<vmem>>[vector<16xi32>, vector<16xi32>], vector<16xf32>,
      %gt3A_541 = arith.cmpf ogt, %gather3A_540, %select_n3A_537 : vector<16xf32>
      %broadcast_in_dim3A_542 = arith.constant 13 : i32
      %broadcast_in_dim3A_543 = vector.broadcast %broadcast_in_dim3A_542 : i32 to vector<16xi32>
      %select_n3A_544 = arith.select %gt3A_541, %broadcast_in_dim3A_543, %select_n3A_536 : vector<16xi1>, vector<16xi32>
      %select_n3A_545 = arith.select %gt3A_541, %gather3A_540, %select_n3A_537 : vector<16xi1>, vector<16xf32>
      %broadcast_in_dim3A_546 = arith.constant 14 : i32
      %broadcast_in_dim3A_547 = vector.broadcast %broadcast_in_dim3A_546 : i32 to vector<16xi32>
      %gather3A_548 = tpu.vector_load_idx %arg6[%add3A_432, %broadcast_in_dim3A_547] : memref<256x64xf32, #tpu.memory_space<vmem>>[vector<16xi32>, vector<16xi32>], vector<16xf32>,
      %gt3A_549 = arith.cmpf ogt, %gather3A_548, %select_n3A_545 : vector<16xf32>
      %broadcast_in_dim3A_550 = arith.constant 14 : i32
      %broadcast_in_dim3A_551 = vector.broadcast %broadcast_in_dim3A_550 : i32 to vector<16xi32>
      %select_n3A_552 = arith.select %gt3A_549, %broadcast_in_dim3A_551, %select_n3A_544 : vector<16xi1>, vector<16xi32>
      %select_n3A_553 = arith.select %gt3A_549, %gather3A_548, %select_n3A_545 : vector<16xi1>, vector<16xf32>
      %broadcast_in_dim3A_554 = arith.constant 15 : i32
      %broadcast_in_dim3A_555 = vector.broadcast %broadcast_in_dim3A_554 : i32 to vector<16xi32>
      %gather3A_556 = tpu.vector_load_idx %arg6[%add3A_432, %broadcast_in_dim3A_555] : memref<256x64xf32, #tpu.memory_space<vmem>>[vector<16xi32>, vector<16xi32>], vector<16xf32>,
      %gt3A_557 = arith.cmpf ogt, %gather3A_556, %select_n3A_553 : vector<16xf32>
      %broadcast_in_dim3A_558 = arith.constant 15 : i32
      %broadcast_in_dim3A_559 = vector.broadcast %broadcast_in_dim3A_558 : i32 to vector<16xi32>
      %select_n3A_560 = arith.select %gt3A_557, %broadcast_in_dim3A_559, %select_n3A_552 : vector<16xi1>, vector<16xi32>
      %select_n3A_561 = arith.select %gt3A_557, %gather3A_556, %select_n3A_553 : vector<16xi1>, vector<16xf32>
      %broadcast_in_dim3A_562 = arith.constant 16 : i32
      %broadcast_in_dim3A_563 = vector.broadcast %broadcast_in_dim3A_562 : i32 to vector<16xi32>
      %gather3A_564 = tpu.vector_load_idx %arg6[%add3A_432, %broadcast_in_dim3A_563] : memref<256x64xf32, #tpu.memory_space<vmem>>[vector<16xi32>, vector<16xi32>], vector<16xf32>,
      %gt3A_565 = arith.cmpf ogt, %gather3A_564, %select_n3A_561 : vector<16xf32>
      %broadcast_in_dim3A_566 = arith.constant 16 : i32
      %broadcast_in_dim3A_567 = vector.broadcast %broadcast_in_dim3A_566 : i32 to vector<16xi32>
      %select_n3A_568 = arith.select %gt3A_565, %broadcast_in_dim3A_567, %select_n3A_560 : vector<16xi1>, vector<16xi32>
      %select_n3A_569 = arith.select %gt3A_565, %gather3A_564, %select_n3A_561 : vector<16xi1>, vector<16xf32>
      %broadcast_in_dim3A_570 = arith.constant 17 : i32
      %broadcast_in_dim3A_571 = vector.broadcast %broadcast_in_dim3A_570 : i32 to vector<16xi32>
      %gather3A_572 = tpu.vector_load_idx %arg6[%add3A_432, %broadcast_in_dim3A_571] : memref<256x64xf32, #tpu.memory_space<vmem>>[vector<16xi32>, vector<16xi32>], vector<16xf32>,
      %gt3A_573 = arith.cmpf ogt, %gather3A_572, %select_n3A_569 : vector<16xf32>
      %broadcast_in_dim3A_574 = arith.constant 17 : i32
      %broadcast_in_dim3A_575 = vector.broadcast %broadcast_in_dim3A_574 : i32 to vector<16xi32>
      %select_n3A_576 = arith.select %gt3A_573, %broadcast_in_dim3A_575, %select_n3A_568 : vector<16xi1>, vector<16xi32>
      %select_n3A_577 = arith.select %gt3A_573, %gather3A_572, %select_n3A_569 : vector<16xi1>, vector<16xf32>
      %broadcast_in_dim3A_578 = arith.constant 18 : i32
      %broadcast_in_dim3A_579 = vector.broadcast %broadcast_in_dim3A_578 : i32 to vector<16xi32>
      %gather3A_580 = tpu.vector_load_idx %arg6[%add3A_432, %broadcast_in_dim3A_579] : memref<256x64xf32, #tpu.memory_space<vmem>>[vector<16xi32>, vector<16xi32>], vector<16xf32>,
      %gt3A_581 = arith.cmpf ogt, %gather3A_580, %select_n3A_577 : vector<16xf32>
      %broadcast_in_dim3A_582 = arith.constant 18 : i32
      %broadcast_in_dim3A_583 = vector.broadcast %broadcast_in_dim3A_582 : i32 to vector<16xi32>
      %select_n3A_584 = arith.select %gt3A_581, %broadcast_in_dim3A_583, %select_n3A_576 : vector<16xi1>, vector<16xi32>
      %select_n3A_585 = arith.select %gt3A_581, %gather3A_580, %select_n3A_577 : vector<16xi1>, vector<16xf32>
      %broadcast_in_dim3A_586 = arith.constant 19 : i32
      %broadcast_in_dim3A_587 = vector.broadcast %broadcast_in_dim3A_586 : i32 to vector<16xi32>
      %gather3A_588 = tpu.vector_load_idx %arg6[%add3A_432, %broadcast_in_dim3A_587] : memref<256x64xf32, #tpu.memory_space<vmem>>[vector<16xi32>, vector<16xi32>], vector<16xf32>,
      %gt3A_589 = arith.cmpf ogt, %gather3A_588, %select_n3A_585 : vector<16xf32>
      %broadcast_in_dim3A_590 = arith.constant 19 : i32
      %broadcast_in_dim3A_591 = vector.broadcast %broadcast_in_dim3A_590 : i32 to vector<16xi32>
      %select_n3A_592 = arith.select %gt3A_589, %broadcast_in_dim3A_591, %select_n3A_584 : vector<16xi1>, vector<16xi32>
      %select_n3A_593 = arith.select %gt3A_589, %gather3A_588, %select_n3A_585 : vector<16xi1>, vector<16xf32>
      %broadcast_in_dim3A_594 = arith.constant 20 : i32
      %broadcast_in_dim3A_595 = vector.broadcast %broadcast_in_dim3A_594 : i32 to vector<16xi32>
      %gather3A_596 = tpu.vector_load_idx %arg6[%add3A_432, %broadcast_in_dim3A_595] : memref<256x64xf32, #tpu.memory_space<vmem>>[vector<16xi32>, vector<16xi32>], vector<16xf32>,
      %gt3A_597 = arith.cmpf ogt, %gather3A_596, %select_n3A_593 : vector<16xf32>
      %broadcast_in_dim3A_598 = arith.constant 20 : i32
      %broadcast_in_dim3A_599 = vector.broadcast %broadcast_in_dim3A_598 : i32 to vector<16xi32>
      %select_n3A_600 = arith.select %gt3A_597, %broadcast_in_dim3A_599, %select_n3A_592 : vector<16xi1>, vector<16xi32>
      %select_n3A_601 = arith.select %gt3A_597, %gather3A_596, %select_n3A_593 : vector<16xi1>, vector<16xf32>
      %broadcast_in_dim3A_602 = arith.constant 21 : i32
      %broadcast_in_dim3A_603 = vector.broadcast %broadcast_in_dim3A_602 : i32 to vector<16xi32>
      %gather3A_604 = tpu.vector_load_idx %arg6[%add3A_432, %broadcast_in_dim3A_603] : memref<256x64xf32, #tpu.memory_space<vmem>>[vector<16xi32>, vector<16xi32>], vector<16xf32>,
      %gt3A_605 = arith.cmpf ogt, %gather3A_604, %select_n3A_601 : vector<16xf32>
      %broadcast_in_dim3A_606 = arith.constant 21 : i32
      %broadcast_in_dim3A_607 = vector.broadcast %broadcast_in_dim3A_606 : i32 to vector<16xi32>
      %select_n3A_608 = arith.select %gt3A_605, %broadcast_in_dim3A_607, %select_n3A_600 : vector<16xi1>, vector<16xi32>
      %select_n3A_609 = arith.select %gt3A_605, %gather3A_604, %select_n3A_601 : vector<16xi1>, vector<16xf32>
      %broadcast_in_dim3A_610 = arith.constant 22 : i32
      %broadcast_in_dim3A_611 = vector.broadcast %broadcast_in_dim3A_610 : i32 to vector<16xi32>
      %gather3A_612 = tpu.vector_load_idx %arg6[%add3A_432, %broadcast_in_dim3A_611] : memref<256x64xf32, #tpu.memory_space<vmem>>[vector<16xi32>, vector<16xi32>], vector<16xf32>,
      %gt3A_613 = arith.cmpf ogt, %gather3A_612, %select_n3A_609 : vector<16xf32>
      %broadcast_in_dim3A_614 = arith.constant 22 : i32
      %broadcast_in_dim3A_615 = vector.broadcast %broadcast_in_dim3A_614 : i32 to vector<16xi32>
      %select_n3A_616 = arith.select %gt3A_613, %broadcast_in_dim3A_615, %select_n3A_608 : vector<16xi1>, vector<16xi32>
      %select_n3A_617 = arith.select %gt3A_613, %gather3A_612, %select_n3A_609 : vector<16xi1>, vector<16xf32>
      %broadcast_in_dim3A_618 = arith.constant 23 : i32
      %broadcast_in_dim3A_619 = vector.broadcast %broadcast_in_dim3A_618 : i32 to vector<16xi32>
      %gather3A_620 = tpu.vector_load_idx %arg6[%add3A_432, %broadcast_in_dim3A_619] : memref<256x64xf32, #tpu.memory_space<vmem>>[vector<16xi32>, vector<16xi32>], vector<16xf32>,
      %gt3A_621 = arith.cmpf ogt, %gather3A_620, %select_n3A_617 : vector<16xf32>
      %broadcast_in_dim3A_622 = arith.constant 23 : i32
      %broadcast_in_dim3A_623 = vector.broadcast %broadcast_in_dim3A_622 : i32 to vector<16xi32>
      %select_n3A_624 = arith.select %gt3A_621, %broadcast_in_dim3A_623, %select_n3A_616 : vector<16xi1>, vector<16xi32>
      %select_n3A_625 = arith.select %gt3A_621, %gather3A_620, %select_n3A_617 : vector<16xi1>, vector<16xf32>
      %broadcast_in_dim3A_626 = arith.constant 24 : i32
      %broadcast_in_dim3A_627 = vector.broadcast %broadcast_in_dim3A_626 : i32 to vector<16xi32>
      %gather3A_628 = tpu.vector_load_idx %arg6[%add3A_432, %broadcast_in_dim3A_627] : memref<256x64xf32, #tpu.memory_space<vmem>>[vector<16xi32>, vector<16xi32>], vector<16xf32>,
      %gt3A_629 = arith.cmpf ogt, %gather3A_628, %select_n3A_625 : vector<16xf32>
      %broadcast_in_dim3A_630 = arith.constant 24 : i32
      %broadcast_in_dim3A_631 = vector.broadcast %broadcast_in_dim3A_630 : i32 to vector<16xi32>
      %select_n3A_632 = arith.select %gt3A_629, %broadcast_in_dim3A_631, %select_n3A_624 : vector<16xi1>, vector<16xi32>
      %select_n3A_633 = arith.select %gt3A_629, %gather3A_628, %select_n3A_625 : vector<16xi1>, vector<16xf32>
      %broadcast_in_dim3A_634 = arith.constant 25 : i32
      %broadcast_in_dim3A_635 = vector.broadcast %broadcast_in_dim3A_634 : i32 to vector<16xi32>
      %gather3A_636 = tpu.vector_load_idx %arg6[%add3A_432, %broadcast_in_dim3A_635] : memref<256x64xf32, #tpu.memory_space<vmem>>[vector<16xi32>, vector<16xi32>], vector<16xf32>,
      %gt3A_637 = arith.cmpf ogt, %gather3A_636, %select_n3A_633 : vector<16xf32>
      %broadcast_in_dim3A_638 = arith.constant 25 : i32
      %broadcast_in_dim3A_639 = vector.broadcast %broadcast_in_dim3A_638 : i32 to vector<16xi32>
      %select_n3A_640 = arith.select %gt3A_637, %broadcast_in_dim3A_639, %select_n3A_632 : vector<16xi1>, vector<16xi32>
      %select_n3A_641 = arith.select %gt3A_637, %gather3A_636, %select_n3A_633 : vector<16xi1>, vector<16xf32>
      %broadcast_in_dim3A_642 = arith.constant 26 : i32
      %broadcast_in_dim3A_643 = vector.broadcast %broadcast_in_dim3A_642 : i32 to vector<16xi32>
      %gather3A_644 = tpu.vector_load_idx %arg6[%add3A_432, %broadcast_in_dim3A_643] : memref<256x64xf32, #tpu.memory_space<vmem>>[vector<16xi32>, vector<16xi32>], vector<16xf32>,
      %gt3A_645 = arith.cmpf ogt, %gather3A_644, %select_n3A_641 : vector<16xf32>
      %broadcast_in_dim3A_646 = arith.constant 26 : i32
      %broadcast_in_dim3A_647 = vector.broadcast %broadcast_in_dim3A_646 : i32 to vector<16xi32>
      %select_n3A_648 = arith.select %gt3A_645, %broadcast_in_dim3A_647, %select_n3A_640 : vector<16xi1>, vector<16xi32>
      %select_n3A_649 = arith.select %gt3A_645, %gather3A_644, %select_n3A_641 : vector<16xi1>, vector<16xf32>
      %broadcast_in_dim3A_650 = arith.constant 27 : i32
      %broadcast_in_dim3A_651 = vector.broadcast %broadcast_in_dim3A_650 : i32 to vector<16xi32>
      %gather3A_652 = tpu.vector_load_idx %arg6[%add3A_432, %broadcast_in_dim3A_651] : memref<256x64xf32, #tpu.memory_space<vmem>>[vector<16xi32>, vector<16xi32>], vector<16xf32>,
      %gt3A_653 = arith.cmpf ogt, %gather3A_652, %select_n3A_649 : vector<16xf32>
      %broadcast_in_dim3A_654 = arith.constant 27 : i32
      %broadcast_in_dim3A_655 = vector.broadcast %broadcast_in_dim3A_654 : i32 to vector<16xi32>
      %select_n3A_656 = arith.select %gt3A_653, %broadcast_in_dim3A_655, %select_n3A_648 : vector<16xi1>, vector<16xi32>
      %select_n3A_657 = arith.select %gt3A_653, %gather3A_652, %select_n3A_649 : vector<16xi1>, vector<16xf32>
      %broadcast_in_dim3A_658 = arith.constant 28 : i32
      %broadcast_in_dim3A_659 = vector.broadcast %broadcast_in_dim3A_658 : i32 to vector<16xi32>
      %gather3A_660 = tpu.vector_load_idx %arg6[%add3A_432, %broadcast_in_dim3A_659] : memref<256x64xf32, #tpu.memory_space<vmem>>[vector<16xi32>, vector<16xi32>], vector<16xf32>,
      %gt3A_661 = arith.cmpf ogt, %gather3A_660, %select_n3A_657 : vector<16xf32>
      %broadcast_in_dim3A_662 = arith.constant 28 : i32
      %broadcast_in_dim3A_663 = vector.broadcast %broadcast_in_dim3A_662 : i32 to vector<16xi32>
      %select_n3A_664 = arith.select %gt3A_661, %broadcast_in_dim3A_663, %select_n3A_656 : vector<16xi1>, vector<16xi32>
      %select_n3A_665 = arith.select %gt3A_661, %gather3A_660, %select_n3A_657 : vector<16xi1>, vector<16xf32>
      %broadcast_in_dim3A_666 = arith.constant 29 : i32
      %broadcast_in_dim3A_667 = vector.broadcast %broadcast_in_dim3A_666 : i32 to vector<16xi32>
      %gather3A_668 = tpu.vector_load_idx %arg6[%add3A_432, %broadcast_in_dim3A_667] : memref<256x64xf32, #tpu.memory_space<vmem>>[vector<16xi32>, vector<16xi32>], vector<16xf32>,
      %gt3A_669 = arith.cmpf ogt, %gather3A_668, %select_n3A_665 : vector<16xf32>
      %broadcast_in_dim3A_670 = arith.constant 29 : i32
      %broadcast_in_dim3A_671 = vector.broadcast %broadcast_in_dim3A_670 : i32 to vector<16xi32>
      %select_n3A_672 = arith.select %gt3A_669, %broadcast_in_dim3A_671, %select_n3A_664 : vector<16xi1>, vector<16xi32>
      %select_n3A_673 = arith.select %gt3A_669, %gather3A_668, %select_n3A_665 : vector<16xi1>, vector<16xf32>
      %broadcast_in_dim3A_674 = arith.constant 30 : i32
      %broadcast_in_dim3A_675 = vector.broadcast %broadcast_in_dim3A_674 : i32 to vector<16xi32>
      %gather3A_676 = tpu.vector_load_idx %arg6[%add3A_432, %broadcast_in_dim3A_675] : memref<256x64xf32, #tpu.memory_space<vmem>>[vector<16xi32>, vector<16xi32>], vector<16xf32>,
      %gt3A_677 = arith.cmpf ogt, %gather3A_676, %select_n3A_673 : vector<16xf32>
      %broadcast_in_dim3A_678 = arith.constant 30 : i32
      %broadcast_in_dim3A_679 = vector.broadcast %broadcast_in_dim3A_678 : i32 to vector<16xi32>
      %select_n3A_680 = arith.select %gt3A_677, %broadcast_in_dim3A_679, %select_n3A_672 : vector<16xi1>, vector<16xi32>
      %select_n3A_681 = arith.select %gt3A_677, %gather3A_676, %select_n3A_673 : vector<16xi1>, vector<16xf32>
      %broadcast_in_dim3A_682 = arith.constant 31 : i32
      %broadcast_in_dim3A_683 = vector.broadcast %broadcast_in_dim3A_682 : i32 to vector<16xi32>
      %gather3A_684 = tpu.vector_load_idx %arg6[%add3A_432, %broadcast_in_dim3A_683] : memref<256x64xf32, #tpu.memory_space<vmem>>[vector<16xi32>, vector<16xi32>], vector<16xf32>,
      %gt3A_685 = arith.cmpf ogt, %gather3A_684, %select_n3A_681 : vector<16xf32>
      %broadcast_in_dim3A_686 = arith.constant 31 : i32
      %broadcast_in_dim3A_687 = vector.broadcast %broadcast_in_dim3A_686 : i32 to vector<16xi32>
      %select_n3A_688 = arith.select %gt3A_685, %broadcast_in_dim3A_687, %select_n3A_680 : vector<16xi1>, vector<16xi32>
      %select_n3A_689 = arith.select %gt3A_685, %gather3A_684, %select_n3A_681 : vector<16xi1>, vector<16xf32>
      %broadcast_in_dim3A_690 = arith.constant 32 : i32
      %broadcast_in_dim3A_691 = vector.broadcast %broadcast_in_dim3A_690 : i32 to vector<16xi32>
      %gather3A_692 = tpu.vector_load_idx %arg6[%add3A_432, %broadcast_in_dim3A_691] : memref<256x64xf32, #tpu.memory_space<vmem>>[vector<16xi32>, vector<16xi32>], vector<16xf32>,
      %gt3A_693 = arith.cmpf ogt, %gather3A_692, %select_n3A_689 : vector<16xf32>
      %broadcast_in_dim3A_694 = arith.constant 32 : i32
      %broadcast_in_dim3A_695 = vector.broadcast %broadcast_in_dim3A_694 : i32 to vector<16xi32>
      %select_n3A_696 = arith.select %gt3A_693, %broadcast_in_dim3A_695, %select_n3A_688 : vector<16xi1>, vector<16xi32>
      %select_n3A_697 = arith.select %gt3A_693, %gather3A_692, %select_n3A_689 : vector<16xi1>, vector<16xf32>
      %broadcast_in_dim3A_698 = arith.constant 33 : i32
      %broadcast_in_dim3A_699 = vector.broadcast %broadcast_in_dim3A_698 : i32 to vector<16xi32>
      %gather3A_700 = tpu.vector_load_idx %arg6[%add3A_432, %broadcast_in_dim3A_699] : memref<256x64xf32, #tpu.memory_space<vmem>>[vector<16xi32>, vector<16xi32>], vector<16xf32>,
      %gt3A_701 = arith.cmpf ogt, %gather3A_700, %select_n3A_697 : vector<16xf32>
      %broadcast_in_dim3A_702 = arith.constant 33 : i32
      %broadcast_in_dim3A_703 = vector.broadcast %broadcast_in_dim3A_702 : i32 to vector<16xi32>
      %select_n3A_704 = arith.select %gt3A_701, %broadcast_in_dim3A_703, %select_n3A_696 : vector<16xi1>, vector<16xi32>
      %select_n3A_705 = arith.select %gt3A_701, %gather3A_700, %select_n3A_697 : vector<16xi1>, vector<16xf32>
      %broadcast_in_dim3A_706 = arith.constant 34 : i32
      %broadcast_in_dim3A_707 = vector.broadcast %broadcast_in_dim3A_706 : i32 to vector<16xi32>
      %gather3A_708 = tpu.vector_load_idx %arg6[%add3A_432, %broadcast_in_dim3A_707] : memref<256x64xf32, #tpu.memory_space<vmem>>[vector<16xi32>, vector<16xi32>], vector<16xf32>,
      %gt3A_709 = arith.cmpf ogt, %gather3A_708, %select_n3A_705 : vector<16xf32>
      %broadcast_in_dim3A_710 = arith.constant 34 : i32
      %broadcast_in_dim3A_711 = vector.broadcast %broadcast_in_dim3A_710 : i32 to vector<16xi32>
      %select_n3A_712 = arith.select %gt3A_709, %broadcast_in_dim3A_711, %select_n3A_704 : vector<16xi1>, vector<16xi32>
      %select_n3A_713 = arith.select %gt3A_709, %gather3A_708, %select_n3A_705 : vector<16xi1>, vector<16xf32>
      %broadcast_in_dim3A_714 = arith.constant 35 : i32
      %broadcast_in_dim3A_715 = vector.broadcast %broadcast_in_dim3A_714 : i32 to vector<16xi32>
      %gather3A_716 = tpu.vector_load_idx %arg6[%add3A_432, %broadcast_in_dim3A_715] : memref<256x64xf32, #tpu.memory_space<vmem>>[vector<16xi32>, vector<16xi32>], vector<16xf32>,
      %gt3A_717 = arith.cmpf ogt, %gather3A_716, %select_n3A_713 : vector<16xf32>
      %broadcast_in_dim3A_718 = arith.constant 35 : i32
      %broadcast_in_dim3A_719 = vector.broadcast %broadcast_in_dim3A_718 : i32 to vector<16xi32>
      %select_n3A_720 = arith.select %gt3A_717, %broadcast_in_dim3A_719, %select_n3A_712 : vector<16xi1>, vector<16xi32>
      %select_n3A_721 = arith.select %gt3A_717, %gather3A_716, %select_n3A_713 : vector<16xi1>, vector<16xf32>
      %broadcast_in_dim3A_722 = arith.constant 36 : i32
      %broadcast_in_dim3A_723 = vector.broadcast %broadcast_in_dim3A_722 : i32 to vector<16xi32>
      %gather3A_724 = tpu.vector_load_idx %arg6[%add3A_432, %broadcast_in_dim3A_723] : memref<256x64xf32, #tpu.memory_space<vmem>>[vector<16xi32>, vector<16xi32>], vector<16xf32>,
      %gt3A_725 = arith.cmpf ogt, %gather3A_724, %select_n3A_721 : vector<16xf32>
      %broadcast_in_dim3A_726 = arith.constant 36 : i32
      %broadcast_in_dim3A_727 = vector.broadcast %broadcast_in_dim3A_726 : i32 to vector<16xi32>
      %select_n3A_728 = arith.select %gt3A_725, %broadcast_in_dim3A_727, %select_n3A_720 : vector<16xi1>, vector<16xi32>
      %select_n3A_729 = arith.select %gt3A_725, %gather3A_724, %select_n3A_721 : vector<16xi1>, vector<16xf32>
      %broadcast_in_dim3A_730 = arith.constant 37 : i32
      %broadcast_in_dim3A_731 = vector.broadcast %broadcast_in_dim3A_730 : i32 to vector<16xi32>
      %gather3A_732 = tpu.vector_load_idx %arg6[%add3A_432, %broadcast_in_dim3A_731] : memref<256x64xf32, #tpu.memory_space<vmem>>[vector<16xi32>, vector<16xi32>], vector<16xf32>,
      %gt3A_733 = arith.cmpf ogt, %gather3A_732, %select_n3A_729 : vector<16xf32>
      %broadcast_in_dim3A_734 = arith.constant 37 : i32
      %broadcast_in_dim3A_735 = vector.broadcast %broadcast_in_dim3A_734 : i32 to vector<16xi32>
      %select_n3A_736 = arith.select %gt3A_733, %broadcast_in_dim3A_735, %select_n3A_728 : vector<16xi1>, vector<16xi32>
      %select_n3A_737 = arith.select %gt3A_733, %gather3A_732, %select_n3A_729 : vector<16xi1>, vector<16xf32>
      %broadcast_in_dim3A_738 = arith.constant 38 : i32
      %broadcast_in_dim3A_739 = vector.broadcast %broadcast_in_dim3A_738 : i32 to vector<16xi32>
      %gather3A_740 = tpu.vector_load_idx %arg6[%add3A_432, %broadcast_in_dim3A_739] : memref<256x64xf32, #tpu.memory_space<vmem>>[vector<16xi32>, vector<16xi32>], vector<16xf32>,
      %gt3A_741 = arith.cmpf ogt, %gather3A_740, %select_n3A_737 : vector<16xf32>
      %broadcast_in_dim3A_742 = arith.constant 38 : i32
      %broadcast_in_dim3A_743 = vector.broadcast %broadcast_in_dim3A_742 : i32 to vector<16xi32>
      %select_n3A_744 = arith.select %gt3A_741, %broadcast_in_dim3A_743, %select_n3A_736 : vector<16xi1>, vector<16xi32>
      %select_n3A_745 = arith.select %gt3A_741, %gather3A_740, %select_n3A_737 : vector<16xi1>, vector<16xf32>
      %broadcast_in_dim3A_746 = arith.constant 39 : i32
      %broadcast_in_dim3A_747 = vector.broadcast %broadcast_in_dim3A_746 : i32 to vector<16xi32>
      %gather3A_748 = tpu.vector_load_idx %arg6[%add3A_432, %broadcast_in_dim3A_747] : memref<256x64xf32, #tpu.memory_space<vmem>>[vector<16xi32>, vector<16xi32>], vector<16xf32>,
      %gt3A_749 = arith.cmpf ogt, %gather3A_748, %select_n3A_745 : vector<16xf32>
      %broadcast_in_dim3A_750 = arith.constant 39 : i32
      %broadcast_in_dim3A_751 = vector.broadcast %broadcast_in_dim3A_750 : i32 to vector<16xi32>
      %select_n3A_752 = arith.select %gt3A_749, %broadcast_in_dim3A_751, %select_n3A_744 : vector<16xi1>, vector<16xi32>
      %select_n3A_753 = arith.select %gt3A_749, %gather3A_748, %select_n3A_745 : vector<16xi1>, vector<16xf32>
      %broadcast_in_dim3A_754 = arith.constant 40 : i32
      %broadcast_in_dim3A_755 = vector.broadcast %broadcast_in_dim3A_754 : i32 to vector<16xi32>
      %gather3A_756 = tpu.vector_load_idx %arg6[%add3A_432, %broadcast_in_dim3A_755] : memref<256x64xf32, #tpu.memory_space<vmem>>[vector<16xi32>, vector<16xi32>], vector<16xf32>,
      %gt3A_757 = arith.cmpf ogt, %gather3A_756, %select_n3A_753 : vector<16xf32>
      %broadcast_in_dim3A_758 = arith.constant 40 : i32
      %broadcast_in_dim3A_759 = vector.broadcast %broadcast_in_dim3A_758 : i32 to vector<16xi32>
      %select_n3A_760 = arith.select %gt3A_757, %broadcast_in_dim3A_759, %select_n3A_752 : vector<16xi1>, vector<16xi32>
      %select_n3A_761 = arith.select %gt3A_757, %gather3A_756, %select_n3A_753 : vector<16xi1>, vector<16xf32>
      %broadcast_in_dim3A_762 = arith.constant 41 : i32
      %broadcast_in_dim3A_763 = vector.broadcast %broadcast_in_dim3A_762 : i32 to vector<16xi32>
      %gather3A_764 = tpu.vector_load_idx %arg6[%add3A_432, %broadcast_in_dim3A_763] : memref<256x64xf32, #tpu.memory_space<vmem>>[vector<16xi32>, vector<16xi32>], vector<16xf32>,
      %gt3A_765 = arith.cmpf ogt, %gather3A_764, %select_n3A_761 : vector<16xf32>
      %broadcast_in_dim3A_766 = arith.constant 41 : i32
      %broadcast_in_dim3A_767 = vector.broadcast %broadcast_in_dim3A_766 : i32 to vector<16xi32>
      %select_n3A_768 = arith.select %gt3A_765, %broadcast_in_dim3A_767, %select_n3A_760 : vector<16xi1>, vector<16xi32>
      %select_n3A_769 = arith.select %gt3A_765, %gather3A_764, %select_n3A_761 : vector<16xi1>, vector<16xf32>
      %broadcast_in_dim3A_770 = arith.constant 42 : i32
      %broadcast_in_dim3A_771 = vector.broadcast %broadcast_in_dim3A_770 : i32 to vector<16xi32>
      %gather3A_772 = tpu.vector_load_idx %arg6[%add3A_432, %broadcast_in_dim3A_771] : memref<256x64xf32, #tpu.memory_space<vmem>>[vector<16xi32>, vector<16xi32>], vector<16xf32>,
      %gt3A_773 = arith.cmpf ogt, %gather3A_772, %select_n3A_769 : vector<16xf32>
      %broadcast_in_dim3A_774 = arith.constant 42 : i32
      %broadcast_in_dim3A_775 = vector.broadcast %broadcast_in_dim3A_774 : i32 to vector<16xi32>
      %select_n3A_776 = arith.select %gt3A_773, %broadcast_in_dim3A_775, %select_n3A_768 : vector<16xi1>, vector<16xi32>
      %select_n3A_777 = arith.select %gt3A_773, %gather3A_772, %select_n3A_769 : vector<16xi1>, vector<16xf32>
      %broadcast_in_dim3A_778 = arith.constant 43 : i32
      %broadcast_in_dim3A_779 = vector.broadcast %broadcast_in_dim3A_778 : i32 to vector<16xi32>
      %gather3A_780 = tpu.vector_load_idx %arg6[%add3A_432, %broadcast_in_dim3A_779] : memref<256x64xf32, #tpu.memory_space<vmem>>[vector<16xi32>, vector<16xi32>], vector<16xf32>,
      %gt3A_781 = arith.cmpf ogt, %gather3A_780, %select_n3A_777 : vector<16xf32>
      %broadcast_in_dim3A_782 = arith.constant 43 : i32
      %broadcast_in_dim3A_783 = vector.broadcast %broadcast_in_dim3A_782 : i32 to vector<16xi32>
      %select_n3A_784 = arith.select %gt3A_781, %broadcast_in_dim3A_783, %select_n3A_776 : vector<16xi1>, vector<16xi32>
      %select_n3A_785 = arith.select %gt3A_781, %gather3A_780, %select_n3A_777 : vector<16xi1>, vector<16xf32>
      %broadcast_in_dim3A_786 = arith.constant 44 : i32
      %broadcast_in_dim3A_787 = vector.broadcast %broadcast_in_dim3A_786 : i32 to vector<16xi32>
      %gather3A_788 = tpu.vector_load_idx %arg6[%add3A_432, %broadcast_in_dim3A_787] : memref<256x64xf32, #tpu.memory_space<vmem>>[vector<16xi32>, vector<16xi32>], vector<16xf32>,
      %gt3A_789 = arith.cmpf ogt, %gather3A_788, %select_n3A_785 : vector<16xf32>
      %broadcast_in_dim3A_790 = arith.constant 44 : i32
      %broadcast_in_dim3A_791 = vector.broadcast %broadcast_in_dim3A_790 : i32 to vector<16xi32>
      %select_n3A_792 = arith.select %gt3A_789, %broadcast_in_dim3A_791, %select_n3A_784 : vector<16xi1>, vector<16xi32>
      %select_n3A_793 = arith.select %gt3A_789, %gather3A_788, %select_n3A_785 : vector<16xi1>, vector<16xf32>
      %broadcast_in_dim3A_794 = arith.constant 45 : i32
      %broadcast_in_dim3A_795 = vector.broadcast %broadcast_in_dim3A_794 : i32 to vector<16xi32>
      %gather3A_796 = tpu.vector_load_idx %arg6[%add3A_432, %broadcast_in_dim3A_795] : memref<256x64xf32, #tpu.memory_space<vmem>>[vector<16xi32>, vector<16xi32>], vector<16xf32>,
      %gt3A_797 = arith.cmpf ogt, %gather3A_796, %select_n3A_793 : vector<16xf32>
      %broadcast_in_dim3A_798 = arith.constant 45 : i32
      %broadcast_in_dim3A_799 = vector.broadcast %broadcast_in_dim3A_798 : i32 to vector<16xi32>
      %select_n3A_800 = arith.select %gt3A_797, %broadcast_in_dim3A_799, %select_n3A_792 : vector<16xi1>, vector<16xi32>
      %select_n3A_801 = arith.select %gt3A_797, %gather3A_796, %select_n3A_793 : vector<16xi1>, vector<16xf32>
      %broadcast_in_dim3A_802 = arith.constant 46 : i32
      %broadcast_in_dim3A_803 = vector.broadcast %broadcast_in_dim3A_802 : i32 to vector<16xi32>
      %gather3A_804 = tpu.vector_load_idx %arg6[%add3A_432, %broadcast_in_dim3A_803] : memref<256x64xf32, #tpu.memory_space<vmem>>[vector<16xi32>, vector<16xi32>], vector<16xf32>,
      %gt3A_805 = arith.cmpf ogt, %gather3A_804, %select_n3A_801 : vector<16xf32>
      %broadcast_in_dim3A_806 = arith.constant 46 : i32
      %broadcast_in_dim3A_807 = vector.broadcast %broadcast_in_dim3A_806 : i32 to vector<16xi32>
      %select_n3A_808 = arith.select %gt3A_805, %broadcast_in_dim3A_807, %select_n3A_800 : vector<16xi1>, vector<16xi32>
      %select_n3A_809 = arith.select %gt3A_805, %gather3A_804, %select_n3A_801 : vector<16xi1>, vector<16xf32>
      %broadcast_in_dim3A_810 = arith.constant 47 : i32
      %broadcast_in_dim3A_811 = vector.broadcast %broadcast_in_dim3A_810 : i32 to vector<16xi32>
      %gather3A_812 = tpu.vector_load_idx %arg6[%add3A_432, %broadcast_in_dim3A_811] : memref<256x64xf32, #tpu.memory_space<vmem>>[vector<16xi32>, vector<16xi32>], vector<16xf32>,
      %gt3A_813 = arith.cmpf ogt, %gather3A_812, %select_n3A_809 : vector<16xf32>
      %broadcast_in_dim3A_814 = arith.constant 47 : i32
      %broadcast_in_dim3A_815 = vector.broadcast %broadcast_in_dim3A_814 : i32 to vector<16xi32>
      %select_n3A_816 = arith.select %gt3A_813, %broadcast_in_dim3A_815, %select_n3A_808 : vector<16xi1>, vector<16xi32>
      %select_n3A_817 = arith.select %gt3A_813, %gather3A_812, %select_n3A_809 : vector<16xi1>, vector<16xf32>
      %broadcast_in_dim3A_818 = arith.constant 48 : i32
      %broadcast_in_dim3A_819 = vector.broadcast %broadcast_in_dim3A_818 : i32 to vector<16xi32>
      %gather3A_820 = tpu.vector_load_idx %arg6[%add3A_432, %broadcast_in_dim3A_819] : memref<256x64xf32, #tpu.memory_space<vmem>>[vector<16xi32>, vector<16xi32>], vector<16xf32>,
      %gt3A_821 = arith.cmpf ogt, %gather3A_820, %select_n3A_817 : vector<16xf32>
      %broadcast_in_dim3A_822 = arith.constant 48 : i32
      %broadcast_in_dim3A_823 = vector.broadcast %broadcast_in_dim3A_822 : i32 to vector<16xi32>
      %select_n3A_824 = arith.select %gt3A_821, %broadcast_in_dim3A_823, %select_n3A_816 : vector<16xi1>, vector<16xi32>
      %select_n3A_825 = arith.select %gt3A_821, %gather3A_820, %select_n3A_817 : vector<16xi1>, vector<16xf32>
      %broadcast_in_dim3A_826 = arith.constant 49 : i32
      %broadcast_in_dim3A_827 = vector.broadcast %broadcast_in_dim3A_826 : i32 to vector<16xi32>
      %gather3A_828 = tpu.vector_load_idx %arg6[%add3A_432, %broadcast_in_dim3A_827] : memref<256x64xf32, #tpu.memory_space<vmem>>[vector<16xi32>, vector<16xi32>], vector<16xf32>,
      %gt3A_829 = arith.cmpf ogt, %gather3A_828, %select_n3A_825 : vector<16xf32>
      %broadcast_in_dim3A_830 = arith.constant 49 : i32
      %broadcast_in_dim3A_831 = vector.broadcast %broadcast_in_dim3A_830 : i32 to vector<16xi32>
      %select_n3A_832 = arith.select %gt3A_829, %broadcast_in_dim3A_831, %select_n3A_824 : vector<16xi1>, vector<16xi32>
      %select_n3A_833 = arith.select %gt3A_829, %gather3A_828, %select_n3A_825 : vector<16xi1>, vector<16xf32>
      %broadcast_in_dim3A_834 = arith.constant 50 : i32
      %broadcast_in_dim3A_835 = vector.broadcast %broadcast_in_dim3A_834 : i32 to vector<16xi32>
      %gather3A_836 = tpu.vector_load_idx %arg6[%add3A_432, %broadcast_in_dim3A_835] : memref<256x64xf32, #tpu.memory_space<vmem>>[vector<16xi32>, vector<16xi32>], vector<16xf32>,
      %gt3A_837 = arith.cmpf ogt, %gather3A_836, %select_n3A_833 : vector<16xf32>
      %broadcast_in_dim3A_838 = arith.constant 50 : i32
      %broadcast_in_dim3A_839 = vector.broadcast %broadcast_in_dim3A_838 : i32 to vector<16xi32>
      %select_n3A_840 = arith.select %gt3A_837, %broadcast_in_dim3A_839, %select_n3A_832 : vector<16xi1>, vector<16xi32>
      %select_n3A_841 = arith.select %gt3A_837, %gather3A_836, %select_n3A_833 : vector<16xi1>, vector<16xf32>
      %broadcast_in_dim3A_842 = arith.constant 51 : i32
      %broadcast_in_dim3A_843 = vector.broadcast %broadcast_in_dim3A_842 : i32 to vector<16xi32>
      %gather3A_844 = tpu.vector_load_idx %arg6[%add3A_432, %broadcast_in_dim3A_843] : memref<256x64xf32, #tpu.memory_space<vmem>>[vector<16xi32>, vector<16xi32>], vector<16xf32>,
      %gt3A_845 = arith.cmpf ogt, %gather3A_844, %select_n3A_841 : vector<16xf32>
      %broadcast_in_dim3A_846 = arith.constant 51 : i32
      %broadcast_in_dim3A_847 = vector.broadcast %broadcast_in_dim3A_846 : i32 to vector<16xi32>
      %select_n3A_848 = arith.select %gt3A_845, %broadcast_in_dim3A_847, %select_n3A_840 : vector<16xi1>, vector<16xi32>
      %select_n3A_849 = arith.select %gt3A_845, %gather3A_844, %select_n3A_841 : vector<16xi1>, vector<16xf32>
      %broadcast_in_dim3A_850 = arith.constant 52 : i32
      %broadcast_in_dim3A_851 = vector.broadcast %broadcast_in_dim3A_850 : i32 to vector<16xi32>
      %gather3A_852 = tpu.vector_load_idx %arg6[%add3A_432, %broadcast_in_dim3A_851] : memref<256x64xf32, #tpu.memory_space<vmem>>[vector<16xi32>, vector<16xi32>], vector<16xf32>,
      %gt3A_853 = arith.cmpf ogt, %gather3A_852, %select_n3A_849 : vector<16xf32>
      %broadcast_in_dim3A_854 = arith.constant 52 : i32
      %broadcast_in_dim3A_855 = vector.broadcast %broadcast_in_dim3A_854 : i32 to vector<16xi32>
      %select_n3A_856 = arith.select %gt3A_853, %broadcast_in_dim3A_855, %select_n3A_848 : vector<16xi1>, vector<16xi32>
      %select_n3A_857 = arith.select %gt3A_853, %gather3A_852, %select_n3A_849 : vector<16xi1>, vector<16xf32>
      %broadcast_in_dim3A_858 = arith.constant 53 : i32
      %broadcast_in_dim3A_859 = vector.broadcast %broadcast_in_dim3A_858 : i32 to vector<16xi32>
      %gather3A_860 = tpu.vector_load_idx %arg6[%add3A_432, %broadcast_in_dim3A_859] : memref<256x64xf32, #tpu.memory_space<vmem>>[vector<16xi32>, vector<16xi32>], vector<16xf32>,
      %gt3A_861 = arith.cmpf ogt, %gather3A_860, %select_n3A_857 : vector<16xf32>
      %broadcast_in_dim3A_862 = arith.constant 53 : i32
      %broadcast_in_dim3A_863 = vector.broadcast %broadcast_in_dim3A_862 : i32 to vector<16xi32>
      %select_n3A_864 = arith.select %gt3A_861, %broadcast_in_dim3A_863, %select_n3A_856 : vector<16xi1>, vector<16xi32>
      %select_n3A_865 = arith.select %gt3A_861, %gather3A_860, %select_n3A_857 : vector<16xi1>, vector<16xf32>
      %broadcast_in_dim3A_866 = arith.constant 54 : i32
      %broadcast_in_dim3A_867 = vector.broadcast %broadcast_in_dim3A_866 : i32 to vector<16xi32>
      %gather3A_868 = tpu.vector_load_idx %arg6[%add3A_432, %broadcast_in_dim3A_867] : memref<256x64xf32, #tpu.memory_space<vmem>>[vector<16xi32>, vector<16xi32>], vector<16xf32>,
      %gt3A_869 = arith.cmpf ogt, %gather3A_868, %select_n3A_865 : vector<16xf32>
      %broadcast_in_dim3A_870 = arith.constant 54 : i32
      %broadcast_in_dim3A_871 = vector.broadcast %broadcast_in_dim3A_870 : i32 to vector<16xi32>
      %select_n3A_872 = arith.select %gt3A_869, %broadcast_in_dim3A_871, %select_n3A_864 : vector<16xi1>, vector<16xi32>
      %select_n3A_873 = arith.select %gt3A_869, %gather3A_868, %select_n3A_865 : vector<16xi1>, vector<16xf32>
      %broadcast_in_dim3A_874 = arith.constant 55 : i32
      %broadcast_in_dim3A_875 = vector.broadcast %broadcast_in_dim3A_874 : i32 to vector<16xi32>
      %gather3A_876 = tpu.vector_load_idx %arg6[%add3A_432, %broadcast_in_dim3A_875] : memref<256x64xf32, #tpu.memory_space<vmem>>[vector<16xi32>, vector<16xi32>], vector<16xf32>,
      %gt3A_877 = arith.cmpf ogt, %gather3A_876, %select_n3A_873 : vector<16xf32>
      %broadcast_in_dim3A_878 = arith.constant 55 : i32
      %broadcast_in_dim3A_879 = vector.broadcast %broadcast_in_dim3A_878 : i32 to vector<16xi32>
      %select_n3A_880 = arith.select %gt3A_877, %broadcast_in_dim3A_879, %select_n3A_872 : vector<16xi1>, vector<16xi32>
      %select_n3A_881 = arith.select %gt3A_877, %gather3A_876, %select_n3A_873 : vector<16xi1>, vector<16xf32>
      %broadcast_in_dim3A_882 = arith.constant 56 : i32
      %broadcast_in_dim3A_883 = vector.broadcast %broadcast_in_dim3A_882 : i32 to vector<16xi32>
      %gather3A_884 = tpu.vector_load_idx %arg6[%add3A_432, %broadcast_in_dim3A_883] : memref<256x64xf32, #tpu.memory_space<vmem>>[vector<16xi32>, vector<16xi32>], vector<16xf32>,
      %gt3A_885 = arith.cmpf ogt, %gather3A_884, %select_n3A_881 : vector<16xf32>
      %broadcast_in_dim3A_886 = arith.constant 56 : i32
      %broadcast_in_dim3A_887 = vector.broadcast %broadcast_in_dim3A_886 : i32 to vector<16xi32>
      %select_n3A_888 = arith.select %gt3A_885, %broadcast_in_dim3A_887, %select_n3A_880 : vector<16xi1>, vector<16xi32>
      %select_n3A_889 = arith.select %gt3A_885, %gather3A_884, %select_n3A_881 : vector<16xi1>, vector<16xf32>
      %broadcast_in_dim3A_890 = arith.constant 57 : i32
      %broadcast_in_dim3A_891 = vector.broadcast %broadcast_in_dim3A_890 : i32 to vector<16xi32>
      %gather3A_892 = tpu.vector_load_idx %arg6[%add3A_432, %broadcast_in_dim3A_891] : memref<256x64xf32, #tpu.memory_space<vmem>>[vector<16xi32>, vector<16xi32>], vector<16xf32>,
      %gt3A_893 = arith.cmpf ogt, %gather3A_892, %select_n3A_889 : vector<16xf32>
      %broadcast_in_dim3A_894 = arith.constant 57 : i32
      %broadcast_in_dim3A_895 = vector.broadcast %broadcast_in_dim3A_894 : i32 to vector<16xi32>
      %select_n3A_896 = arith.select %gt3A_893, %broadcast_in_dim3A_895, %select_n3A_888 : vector<16xi1>, vector<16xi32>
      %select_n3A_897 = arith.select %gt3A_893, %gather3A_892, %select_n3A_889 : vector<16xi1>, vector<16xf32>
      %broadcast_in_dim3A_898 = arith.constant 58 : i32
      %broadcast_in_dim3A_899 = vector.broadcast %broadcast_in_dim3A_898 : i32 to vector<16xi32>
      %gather3A_900 = tpu.vector_load_idx %arg6[%add3A_432, %broadcast_in_dim3A_899] : memref<256x64xf32, #tpu.memory_space<vmem>>[vector<16xi32>, vector<16xi32>], vector<16xf32>,
      %gt3A_901 = arith.cmpf ogt, %gather3A_900, %select_n3A_897 : vector<16xf32>
      %broadcast_in_dim3A_902 = arith.constant 58 : i32
      %broadcast_in_dim3A_903 = vector.broadcast %broadcast_in_dim3A_902 : i32 to vector<16xi32>
      %select_n3A_904 = arith.select %gt3A_901, %broadcast_in_dim3A_903, %select_n3A_896 : vector<16xi1>, vector<16xi32>
      %select_n3A_905 = arith.select %gt3A_901, %gather3A_900, %select_n3A_897 : vector<16xi1>, vector<16xf32>
      %broadcast_in_dim3A_906 = arith.constant 59 : i32
      %broadcast_in_dim3A_907 = vector.broadcast %broadcast_in_dim3A_906 : i32 to vector<16xi32>
      %gather3A_908 = tpu.vector_load_idx %arg6[%add3A_432, %broadcast_in_dim3A_907] : memref<256x64xf32, #tpu.memory_space<vmem>>[vector<16xi32>, vector<16xi32>], vector<16xf32>,
      %gt3A_909 = arith.cmpf ogt, %gather3A_908, %select_n3A_905 : vector<16xf32>
      %broadcast_in_dim3A_910 = arith.constant 59 : i32
      %broadcast_in_dim3A_911 = vector.broadcast %broadcast_in_dim3A_910 : i32 to vector<16xi32>
      %select_n3A_912 = arith.select %gt3A_909, %broadcast_in_dim3A_911, %select_n3A_904 : vector<16xi1>, vector<16xi32>
      %select_n3A_913 = arith.select %gt3A_909, %gather3A_908, %select_n3A_905 : vector<16xi1>, vector<16xf32>
      %broadcast_in_dim3A_914 = arith.constant 60 : i32
      %broadcast_in_dim3A_915 = vector.broadcast %broadcast_in_dim3A_914 : i32 to vector<16xi32>
      %gather3A_916 = tpu.vector_load_idx %arg6[%add3A_432, %broadcast_in_dim3A_915] : memref<256x64xf32, #tpu.memory_space<vmem>>[vector<16xi32>, vector<16xi32>], vector<16xf32>,
      %gt3A_917 = arith.cmpf ogt, %gather3A_916, %select_n3A_913 : vector<16xf32>
      %broadcast_in_dim3A_918 = arith.constant 60 : i32
      %broadcast_in_dim3A_919 = vector.broadcast %broadcast_in_dim3A_918 : i32 to vector<16xi32>
      %select_n3A_920 = arith.select %gt3A_917, %broadcast_in_dim3A_919, %select_n3A_912 : vector<16xi1>, vector<16xi32>
      %select_n3A_921 = arith.select %gt3A_917, %gather3A_916, %select_n3A_913 : vector<16xi1>, vector<16xf32>
      %broadcast_in_dim3A_922 = arith.constant 61 : i32
      %broadcast_in_dim3A_923 = vector.broadcast %broadcast_in_dim3A_922 : i32 to vector<16xi32>
      %gather3A_924 = tpu.vector_load_idx %arg6[%add3A_432, %broadcast_in_dim3A_923] : memref<256x64xf32, #tpu.memory_space<vmem>>[vector<16xi32>, vector<16xi32>], vector<16xf32>,
      %gt3A_925 = arith.cmpf ogt, %gather3A_924, %select_n3A_921 : vector<16xf32>
      %broadcast_in_dim3A_926 = arith.constant 61 : i32
      %broadcast_in_dim3A_927 = vector.broadcast %broadcast_in_dim3A_926 : i32 to vector<16xi32>
      %select_n3A_928 = arith.select %gt3A_925, %broadcast_in_dim3A_927, %select_n3A_920 : vector<16xi1>, vector<16xi32>
      %select_n3A_929 = arith.select %gt3A_925, %gather3A_924, %select_n3A_921 : vector<16xi1>, vector<16xf32>
      %broadcast_in_dim3A_930 = arith.constant 62 : i32
      %broadcast_in_dim3A_931 = vector.broadcast %broadcast_in_dim3A_930 : i32 to vector<16xi32>
      %gather3A_932 = tpu.vector_load_idx %arg6[%add3A_432, %broadcast_in_dim3A_931] : memref<256x64xf32, #tpu.memory_space<vmem>>[vector<16xi32>, vector<16xi32>], vector<16xf32>,
      %gt3A_933 = arith.cmpf ogt, %gather3A_932, %select_n3A_929 : vector<16xf32>
      %broadcast_in_dim3A_934 = arith.constant 62 : i32
      %broadcast_in_dim3A_935 = vector.broadcast %broadcast_in_dim3A_934 : i32 to vector<16xi32>
      %select_n3A_936 = arith.select %gt3A_933, %broadcast_in_dim3A_935, %select_n3A_928 : vector<16xi1>, vector<16xi32>
      %select_n3A_937 = arith.select %gt3A_933, %gather3A_932, %select_n3A_929 : vector<16xi1>, vector<16xf32>
      %broadcast_in_dim3A_938 = arith.constant 63 : i32
      %broadcast_in_dim3A_939 = vector.broadcast %broadcast_in_dim3A_938 : i32 to vector<16xi32>
      %gather3A_940 = tpu.vector_load_idx %arg6[%add3A_432, %broadcast_in_dim3A_939] : memref<256x64xf32, #tpu.memory_space<vmem>>[vector<16xi32>, vector<16xi32>], vector<16xf32>,
      %gt3A_941 = arith.cmpf ogt, %gather3A_940, %select_n3A_937 : vector<16xf32>
      %broadcast_in_dim3A_942 = arith.constant 63 : i32
      %broadcast_in_dim3A_943 = vector.broadcast %broadcast_in_dim3A_942 : i32 to vector<16xi32>
      %select_n3A_944 = arith.select %gt3A_941, %broadcast_in_dim3A_943, %select_n3A_936 : vector<16xi1>, vector<16xi32>
      %select_n3A_945 = arith.select %gt3A_941, %gather3A_940, %select_n3A_937 : vector<16xi1>, vector<16xf32>
      %mul3A_946 = arith.constant 16 : i32
      %mul3A_947 = arith.muli %scan3A_427, %mul3A_946 : i32
      %swap3A_948 = arith.index_cast %mul3A_947 : i32 to index
      %swap3A_949 = tpu.vector_load %arg7[%swap3A_948] {strides = array<i32>} : memref<256xi32, #tpu.memory_space<vmem>>, vector<16xi32>,
      tpu.vector_store %arg7[%swap3A_948], %select_n3A_944 {strides = array<i32>} : memref<256xi32, #tpu.memory_space<vmem>>, vector<16xi32>,
      %scan3A_950 = arith.constant 0 : i32
      scf.yield %scan3A_950 : i32
    }
    %scan3A_20 = arith.constant 16 : i32
    %mul3A_21 = arith.constant 256 : i32
    %mul3A_22 = arith.muli %arg1, %mul3A_21 : i32
    "tpu.region"() ({
      %run_scoped3A = tpu.sem_alloc : memref<!tpu.dma_semaphore, #tpu.memory_space<semaphore_mem>>
      %dma_start3A_427 = tpu.memref_slice %arg13[%mul3A_22] : memref<4096xi32, #tpu.memory_space<vmem_shared>> -> memref<256xi32, #tpu.memory_space<vmem_shared>>
      %dma_start3A_428 = tpu.memref_slice %arg13[%mul3A_22] : memref<4096xi32, #tpu.memory_space<vmem_shared>> -> memref<256xi32, #tpu.memory_space<vmem_shared>>
      tpu.enqueue_dma source(%arg7 : memref<256xi32, #tpu.memory_space<vmem>>) target(%dma_start3A_428 : memref<256xi32, #tpu.memory_space<vmem_shared>>) target_semaphore(%run_scoped3A : memref<!tpu.dma_semaphore, #tpu.memory_space<semaphore_mem>>)
      %dma_wait3A_429 = tpu.memref_slice %arg13[%mul3A_22] : memref<4096xi32, #tpu.memory_space<vmem_shared>> -> memref<256xi32, #tpu.memory_space<vmem_shared>>
      %dma_wait3A_430 = tpu.memref_slice %arg13[%mul3A_22] : memref<4096xi32, #tpu.memory_space<vmem_shared>> -> memref<256xi32, #tpu.memory_space<vmem_shared>>
      tpu.wait_dma2 semaphore(%run_scoped3A : memref<!tpu.dma_semaphore, #tpu.memory_space<semaphore_mem>>) src(%arg7 : memref<256xi32, #tpu.memory_space<vmem>>) dst(%dma_wait3A_430 : memref<256xi32, #tpu.memory_space<vmem_shared>>)
      tpu.yield
    }) : () -> ()
    %barrier3A = arith.constant 0 : index
    tpu.barrier barrier_id(%barrier3A)
    "tpu.region"() ({
      %run_scoped3A = tpu.sem_alloc : memref<!tpu.dma_semaphore, #tpu.memory_space<semaphore_mem>>
      tpu.enqueue_dma source(%arg13 : memref<4096xi32, #tpu.memory_space<vmem_shared>>) target(%arg8 : memref<4096xi32, #tpu.memory_space<vmem>>) target_semaphore(%run_scoped3A : memref<!tpu.dma_semaphore, #tpu.memory_space<semaphore_mem>>)
      tpu.wait_dma2 semaphore(%run_scoped3A : memref<!tpu.dma_semaphore, #tpu.memory_space<semaphore_mem>>) src(%arg13 : memref<4096xi32, #tpu.memory_space<vmem_shared>>) dst(%arg8 : memref<4096xi32, #tpu.memory_space<vmem>>)
      tpu.yield
    }) : () -> ()
    %swap3A = arith.constant 0 : index
    %swap3A_23 = tpu.vector_load %arg11[%swap3A] {strides = array<i32>} : memref<3072xf32, #tpu.memory_space<vmem>>, vector<16xf32>,
    tpu.vector_store %arg11[%swap3A], %broadcast_in_dim3A_3 {strides = array<i32>} : memref<3072xf32, #tpu.memory_space<vmem>>, vector<16xf32>,
    %swap3A_24 = arith.constant 16 : index
    %swap3A_25 = tpu.vector_load %arg11[%swap3A_24] {strides = array<i32>} : memref<3072xf32, #tpu.memory_space<vmem>>, vector<16xf32>,
    tpu.vector_store %arg11[%swap3A_24], %broadcast_in_dim3A_3 {strides = array<i32>} : memref<3072xf32, #tpu.memory_space<vmem>>, vector<16xf32>,
    %swap3A_26 = arith.constant 32 : index
    %swap3A_27 = tpu.vector_load %arg11[%swap3A_26] {strides = array<i32>} : memref<3072xf32, #tpu.memory_space<vmem>>, vector<16xf32>,
    tpu.vector_store %arg11[%swap3A_26], %broadcast_in_dim3A_3 {strides = array<i32>} : memref<3072xf32, #tpu.memory_space<vmem>>, vector<16xf32>,
    %swap3A_28 = arith.constant 48 : index
    %swap3A_29 = tpu.vector_load %arg11[%swap3A_28] {strides = array<i32>} : memref<3072xf32, #tpu.memory_space<vmem>>, vector<16xf32>,
    tpu.vector_store %arg11[%swap3A_28], %broadcast_in_dim3A_3 {strides = array<i32>} : memref<3072xf32, #tpu.memory_space<vmem>>, vector<16xf32>,
    %swap3A_30 = arith.constant 64 : index
    %swap3A_31 = tpu.vector_load %arg11[%swap3A_30] {strides = array<i32>} : memref<3072xf32, #tpu.memory_space<vmem>>, vector<16xf32>,
    tpu.vector_store %arg11[%swap3A_30], %broadcast_in_dim3A_3 {strides = array<i32>} : memref<3072xf32, #tpu.memory_space<vmem>>, vector<16xf32>,
    %swap3A_32 = arith.constant 80 : index
    %swap3A_33 = tpu.vector_load %arg11[%swap3A_32] {strides = array<i32>} : memref<3072xf32, #tpu.memory_space<vmem>>, vector<16xf32>,
    tpu.vector_store %arg11[%swap3A_32], %broadcast_in_dim3A_3 {strides = array<i32>} : memref<3072xf32, #tpu.memory_space<vmem>>, vector<16xf32>,
    %swap3A_34 = arith.constant 96 : index
    %swap3A_35 = tpu.vector_load %arg11[%swap3A_34] {strides = array<i32>} : memref<3072xf32, #tpu.memory_space<vmem>>, vector<16xf32>,
    tpu.vector_store %arg11[%swap3A_34], %broadcast_in_dim3A_3 {strides = array<i32>} : memref<3072xf32, #tpu.memory_space<vmem>>, vector<16xf32>,
    %swap3A_36 = arith.constant 112 : index
    %swap3A_37 = tpu.vector_load %arg11[%swap3A_36] {strides = array<i32>} : memref<3072xf32, #tpu.memory_space<vmem>>, vector<16xf32>,
    tpu.vector_store %arg11[%swap3A_36], %broadcast_in_dim3A_3 {strides = array<i32>} : memref<3072xf32, #tpu.memory_space<vmem>>, vector<16xf32>,
    %swap3A_38 = arith.constant 128 : index
    %swap3A_39 = tpu.vector_load %arg11[%swap3A_38] {strides = array<i32>} : memref<3072xf32, #tpu.memory_space<vmem>>, vector<16xf32>,
    tpu.vector_store %arg11[%swap3A_38], %broadcast_in_dim3A_3 {strides = array<i32>} : memref<3072xf32, #tpu.memory_space<vmem>>, vector<16xf32>,
    %swap3A_40 = arith.constant 144 : index
    %swap3A_41 = tpu.vector_load %arg11[%swap3A_40] {strides = array<i32>} : memref<3072xf32, #tpu.memory_space<vmem>>, vector<16xf32>,
    tpu.vector_store %arg11[%swap3A_40], %broadcast_in_dim3A_3 {strides = array<i32>} : memref<3072xf32, #tpu.memory_space<vmem>>, vector<16xf32>,
    %swap3A_42 = arith.constant 160 : index
    %swap3A_43 = tpu.vector_load %arg11[%swap3A_42] {strides = array<i32>} : memref<3072xf32, #tpu.memory_space<vmem>>, vector<16xf32>,
    tpu.vector_store %arg11[%swap3A_42], %broadcast_in_dim3A_3 {strides = array<i32>} : memref<3072xf32, #tpu.memory_space<vmem>>, vector<16xf32>,
    %swap3A_44 = arith.constant 176 : index
    %swap3A_45 = tpu.vector_load %arg11[%swap3A_44] {strides = array<i32>} : memref<3072xf32, #tpu.memory_space<vmem>>, vector<16xf32>,
    tpu.vector_store %arg11[%swap3A_44], %broadcast_in_dim3A_3 {strides = array<i32>} : memref<3072xf32, #tpu.memory_space<vmem>>, vector<16xf32>,
    %swap3A_46 = arith.constant 192 : index
    %swap3A_47 = tpu.vector_load %arg11[%swap3A_46] {strides = array<i32>} : memref<3072xf32, #tpu.memory_space<vmem>>, vector<16xf32>,
    tpu.vector_store %arg11[%swap3A_46], %broadcast_in_dim3A_3 {strides = array<i32>} : memref<3072xf32, #tpu.memory_space<vmem>>, vector<16xf32>,
    %swap3A_48 = arith.constant 208 : index
    %swap3A_49 = tpu.vector_load %arg11[%swap3A_48] {strides = array<i32>} : memref<3072xf32, #tpu.memory_space<vmem>>, vector<16xf32>,
    tpu.vector_store %arg11[%swap3A_48], %broadcast_in_dim3A_3 {strides = array<i32>} : memref<3072xf32, #tpu.memory_space<vmem>>, vector<16xf32>,
    %swap3A_50 = arith.constant 224 : index
    %swap3A_51 = tpu.vector_load %arg11[%swap3A_50] {strides = array<i32>} : memref<3072xf32, #tpu.memory_space<vmem>>, vector<16xf32>,
    tpu.vector_store %arg11[%swap3A_50], %broadcast_in_dim3A_3 {strides = array<i32>} : memref<3072xf32, #tpu.memory_space<vmem>>, vector<16xf32>,
    %swap3A_52 = arith.constant 240 : index
    %swap3A_53 = tpu.vector_load %arg11[%swap3A_52] {strides = array<i32>} : memref<3072xf32, #tpu.memory_space<vmem>>, vector<16xf32>,
    tpu.vector_store %arg11[%swap3A_52], %broadcast_in_dim3A_3 {strides = array<i32>} : memref<3072xf32, #tpu.memory_space<vmem>>, vector<16xf32>,
    %swap3A_54 = arith.constant 256 : index
    %swap3A_55 = tpu.vector_load %arg11[%swap3A_54] {strides = array<i32>} : memref<3072xf32, #tpu.memory_space<vmem>>, vector<16xf32>,
    tpu.vector_store %arg11[%swap3A_54], %broadcast_in_dim3A_3 {strides = array<i32>} : memref<3072xf32, #tpu.memory_space<vmem>>, vector<16xf32>,
    %swap3A_56 = arith.constant 272 : index
    %swap3A_57 = tpu.vector_load %arg11[%swap3A_56] {strides = array<i32>} : memref<3072xf32, #tpu.memory_space<vmem>>, vector<16xf32>,
    tpu.vector_store %arg11[%swap3A_56], %broadcast_in_dim3A_3 {strides = array<i32>} : memref<3072xf32, #tpu.memory_space<vmem>>, vector<16xf32>,
    %swap3A_58 = arith.constant 288 : index
    %swap3A_59 = tpu.vector_load %arg11[%swap3A_58] {strides = array<i32>} : memref<3072xf32, #tpu.memory_space<vmem>>, vector<16xf32>,
    tpu.vector_store %arg11[%swap3A_58], %broadcast_in_dim3A_3 {strides = array<i32>} : memref<3072xf32, #tpu.memory_space<vmem>>, vector<16xf32>,
    %swap3A_60 = arith.constant 304 : index
    %swap3A_61 = tpu.vector_load %arg11[%swap3A_60] {strides = array<i32>} : memref<3072xf32, #tpu.memory_space<vmem>>, vector<16xf32>,
    tpu.vector_store %arg11[%swap3A_60], %broadcast_in_dim3A_3 {strides = array<i32>} : memref<3072xf32, #tpu.memory_space<vmem>>, vector<16xf32>,
    %swap3A_62 = arith.constant 320 : index
    %swap3A_63 = tpu.vector_load %arg11[%swap3A_62] {strides = array<i32>} : memref<3072xf32, #tpu.memory_space<vmem>>, vector<16xf32>,
    tpu.vector_store %arg11[%swap3A_62], %broadcast_in_dim3A_3 {strides = array<i32>} : memref<3072xf32, #tpu.memory_space<vmem>>, vector<16xf32>,
    %swap3A_64 = arith.constant 336 : index
    %swap3A_65 = tpu.vector_load %arg11[%swap3A_64] {strides = array<i32>} : memref<3072xf32, #tpu.memory_space<vmem>>, vector<16xf32>,
    tpu.vector_store %arg11[%swap3A_64], %broadcast_in_dim3A_3 {strides = array<i32>} : memref<3072xf32, #tpu.memory_space<vmem>>, vector<16xf32>,
    %swap3A_66 = arith.constant 352 : index
    %swap3A_67 = tpu.vector_load %arg11[%swap3A_66] {strides = array<i32>} : memref<3072xf32, #tpu.memory_space<vmem>>, vector<16xf32>,
    tpu.vector_store %arg11[%swap3A_66], %broadcast_in_dim3A_3 {strides = array<i32>} : memref<3072xf32, #tpu.memory_space<vmem>>, vector<16xf32>,
    %swap3A_68 = arith.constant 368 : index
    %swap3A_69 = tpu.vector_load %arg11[%swap3A_68] {strides = array<i32>} : memref<3072xf32, #tpu.memory_space<vmem>>, vector<16xf32>,
    tpu.vector_store %arg11[%swap3A_68], %broadcast_in_dim3A_3 {strides = array<i32>} : memref<3072xf32, #tpu.memory_space<vmem>>, vector<16xf32>,
    %swap3A_70 = arith.constant 384 : index
    %swap3A_71 = tpu.vector_load %arg11[%swap3A_70] {strides = array<i32>} : memref<3072xf32, #tpu.memory_space<vmem>>, vector<16xf32>,
    tpu.vector_store %arg11[%swap3A_70], %broadcast_in_dim3A_3 {strides = array<i32>} : memref<3072xf32, #tpu.memory_space<vmem>>, vector<16xf32>,
    %swap3A_72 = arith.constant 400 : index
    %swap3A_73 = tpu.vector_load %arg11[%swap3A_72] {strides = array<i32>} : memref<3072xf32, #tpu.memory_space<vmem>>, vector<16xf32>,
    tpu.vector_store %arg11[%swap3A_72], %broadcast_in_dim3A_3 {strides = array<i32>} : memref<3072xf32, #tpu.memory_space<vmem>>, vector<16xf32>,
    %swap3A_74 = arith.constant 416 : index
    %swap3A_75 = tpu.vector_load %arg11[%swap3A_74] {strides = array<i32>} : memref<3072xf32, #tpu.memory_space<vmem>>, vector<16xf32>,
    tpu.vector_store %arg11[%swap3A_74], %broadcast_in_dim3A_3 {strides = array<i32>} : memref<3072xf32, #tpu.memory_space<vmem>>, vector<16xf32>,
    %swap3A_76 = arith.constant 432 : index
    %swap3A_77 = tpu.vector_load %arg11[%swap3A_76] {strides = array<i32>} : memref<3072xf32, #tpu.memory_space<vmem>>, vector<16xf32>,
    tpu.vector_store %arg11[%swap3A_76], %broadcast_in_dim3A_3 {strides = array<i32>} : memref<3072xf32, #tpu.memory_space<vmem>>, vector<16xf32>,
    %swap3A_78 = arith.constant 448 : index
    %swap3A_79 = tpu.vector_load %arg11[%swap3A_78] {strides = array<i32>} : memref<3072xf32, #tpu.memory_space<vmem>>, vector<16xf32>,
    tpu.vector_store %arg11[%swap3A_78], %broadcast_in_dim3A_3 {strides = array<i32>} : memref<3072xf32, #tpu.memory_space<vmem>>, vector<16xf32>,
    %swap3A_80 = arith.constant 464 : index
    %swap3A_81 = tpu.vector_load %arg11[%swap3A_80] {strides = array<i32>} : memref<3072xf32, #tpu.memory_space<vmem>>, vector<16xf32>,
    tpu.vector_store %arg11[%swap3A_80], %broadcast_in_dim3A_3 {strides = array<i32>} : memref<3072xf32, #tpu.memory_space<vmem>>, vector<16xf32>,
    %swap3A_82 = arith.constant 480 : index
    %swap3A_83 = tpu.vector_load %arg11[%swap3A_82] {strides = array<i32>} : memref<3072xf32, #tpu.memory_space<vmem>>, vector<16xf32>,
    tpu.vector_store %arg11[%swap3A_82], %broadcast_in_dim3A_3 {strides = array<i32>} : memref<3072xf32, #tpu.memory_space<vmem>>, vector<16xf32>,
    %swap3A_84 = arith.constant 496 : index
    %swap3A_85 = tpu.vector_load %arg11[%swap3A_84] {strides = array<i32>} : memref<3072xf32, #tpu.memory_space<vmem>>, vector<16xf32>,
    tpu.vector_store %arg11[%swap3A_84], %broadcast_in_dim3A_3 {strides = array<i32>} : memref<3072xf32, #tpu.memory_space<vmem>>, vector<16xf32>,
    %swap3A_86 = arith.constant 512 : index
    %swap3A_87 = tpu.vector_load %arg11[%swap3A_86] {strides = array<i32>} : memref<3072xf32, #tpu.memory_space<vmem>>, vector<16xf32>,
    tpu.vector_store %arg11[%swap3A_86], %broadcast_in_dim3A_3 {strides = array<i32>} : memref<3072xf32, #tpu.memory_space<vmem>>, vector<16xf32>,
    %swap3A_88 = arith.constant 528 : index
    %swap3A_89 = tpu.vector_load %arg11[%swap3A_88] {strides = array<i32>} : memref<3072xf32, #tpu.memory_space<vmem>>, vector<16xf32>,
    tpu.vector_store %arg11[%swap3A_88], %broadcast_in_dim3A_3 {strides = array<i32>} : memref<3072xf32, #tpu.memory_space<vmem>>, vector<16xf32>,
    %swap3A_90 = arith.constant 544 : index
    %swap3A_91 = tpu.vector_load %arg11[%swap3A_90] {strides = array<i32>} : memref<3072xf32, #tpu.memory_space<vmem>>, vector<16xf32>,
    tpu.vector_store %arg11[%swap3A_90], %broadcast_in_dim3A_3 {strides = array<i32>} : memref<3072xf32, #tpu.memory_space<vmem>>, vector<16xf32>,
    %swap3A_92 = arith.constant 560 : index
    %swap3A_93 = tpu.vector_load %arg11[%swap3A_92] {strides = array<i32>} : memref<3072xf32, #tpu.memory_space<vmem>>, vector<16xf32>,
    tpu.vector_store %arg11[%swap3A_92], %broadcast_in_dim3A_3 {strides = array<i32>} : memref<3072xf32, #tpu.memory_space<vmem>>, vector<16xf32>,
    %swap3A_94 = arith.constant 576 : index
    %swap3A_95 = tpu.vector_load %arg11[%swap3A_94] {strides = array<i32>} : memref<3072xf32, #tpu.memory_space<vmem>>, vector<16xf32>,
    tpu.vector_store %arg11[%swap3A_94], %broadcast_in_dim3A_3 {strides = array<i32>} : memref<3072xf32, #tpu.memory_space<vmem>>, vector<16xf32>,
    %swap3A_96 = arith.constant 592 : index
    %swap3A_97 = tpu.vector_load %arg11[%swap3A_96] {strides = array<i32>} : memref<3072xf32, #tpu.memory_space<vmem>>, vector<16xf32>,
    tpu.vector_store %arg11[%swap3A_96], %broadcast_in_dim3A_3 {strides = array<i32>} : memref<3072xf32, #tpu.memory_space<vmem>>, vector<16xf32>,
    %swap3A_98 = arith.constant 608 : index
    %swap3A_99 = tpu.vector_load %arg11[%swap3A_98] {strides = array<i32>} : memref<3072xf32, #tpu.memory_space<vmem>>, vector<16xf32>,
    tpu.vector_store %arg11[%swap3A_98], %broadcast_in_dim3A_3 {strides = array<i32>} : memref<3072xf32, #tpu.memory_space<vmem>>, vector<16xf32>,
    %swap3A_100 = arith.constant 624 : index
    %swap3A_101 = tpu.vector_load %arg11[%swap3A_100] {strides = array<i32>} : memref<3072xf32, #tpu.memory_space<vmem>>, vector<16xf32>,
    tpu.vector_store %arg11[%swap3A_100], %broadcast_in_dim3A_3 {strides = array<i32>} : memref<3072xf32, #tpu.memory_space<vmem>>, vector<16xf32>,
    %swap3A_102 = arith.constant 640 : index
    %swap3A_103 = tpu.vector_load %arg11[%swap3A_102] {strides = array<i32>} : memref<3072xf32, #tpu.memory_space<vmem>>, vector<16xf32>,
    tpu.vector_store %arg11[%swap3A_102], %broadcast_in_dim3A_3 {strides = array<i32>} : memref<3072xf32, #tpu.memory_space<vmem>>, vector<16xf32>,
    %swap3A_104 = arith.constant 656 : index
    %swap3A_105 = tpu.vector_load %arg11[%swap3A_104] {strides = array<i32>} : memref<3072xf32, #tpu.memory_space<vmem>>, vector<16xf32>,
    tpu.vector_store %arg11[%swap3A_104], %broadcast_in_dim3A_3 {strides = array<i32>} : memref<3072xf32, #tpu.memory_space<vmem>>, vector<16xf32>,
    %swap3A_106 = arith.constant 672 : index
    %swap3A_107 = tpu.vector_load %arg11[%swap3A_106] {strides = array<i32>} : memref<3072xf32, #tpu.memory_space<vmem>>, vector<16xf32>,
    tpu.vector_store %arg11[%swap3A_106], %broadcast_in_dim3A_3 {strides = array<i32>} : memref<3072xf32, #tpu.memory_space<vmem>>, vector<16xf32>,
    %swap3A_108 = arith.constant 688 : index
    %swap3A_109 = tpu.vector_load %arg11[%swap3A_108] {strides = array<i32>} : memref<3072xf32, #tpu.memory_space<vmem>>, vector<16xf32>,
    tpu.vector_store %arg11[%swap3A_108], %broadcast_in_dim3A_3 {strides = array<i32>} : memref<3072xf32, #tpu.memory_space<vmem>>, vector<16xf32>,
    %swap3A_110 = arith.constant 704 : index
    %swap3A_111 = tpu.vector_load %arg11[%swap3A_110] {strides = array<i32>} : memref<3072xf32, #tpu.memory_space<vmem>>, vector<16xf32>,
    tpu.vector_store %arg11[%swap3A_110], %broadcast_in_dim3A_3 {strides = array<i32>} : memref<3072xf32, #tpu.memory_space<vmem>>, vector<16xf32>,
    %swap3A_112 = arith.constant 720 : index
    %swap3A_113 = tpu.vector_load %arg11[%swap3A_112] {strides = array<i32>} : memref<3072xf32, #tpu.memory_space<vmem>>, vector<16xf32>,
    tpu.vector_store %arg11[%swap3A_112], %broadcast_in_dim3A_3 {strides = array<i32>} : memref<3072xf32, #tpu.memory_space<vmem>>, vector<16xf32>,
    %swap3A_114 = arith.constant 736 : index
    %swap3A_115 = tpu.vector_load %arg11[%swap3A_114] {strides = array<i32>} : memref<3072xf32, #tpu.memory_space<vmem>>, vector<16xf32>,
    tpu.vector_store %arg11[%swap3A_114], %broadcast_in_dim3A_3 {strides = array<i32>} : memref<3072xf32, #tpu.memory_space<vmem>>, vector<16xf32>,
    %swap3A_116 = arith.constant 752 : index
    %swap3A_117 = tpu.vector_load %arg11[%swap3A_116] {strides = array<i32>} : memref<3072xf32, #tpu.memory_space<vmem>>, vector<16xf32>,
    tpu.vector_store %arg11[%swap3A_116], %broadcast_in_dim3A_3 {strides = array<i32>} : memref<3072xf32, #tpu.memory_space<vmem>>, vector<16xf32>,
    %swap3A_118 = arith.constant 768 : index
    %swap3A_119 = tpu.vector_load %arg11[%swap3A_118] {strides = array<i32>} : memref<3072xf32, #tpu.memory_space<vmem>>, vector<16xf32>,
    tpu.vector_store %arg11[%swap3A_118], %broadcast_in_dim3A_3 {strides = array<i32>} : memref<3072xf32, #tpu.memory_space<vmem>>, vector<16xf32>,
    %swap3A_120 = arith.constant 784 : index
    %swap3A_121 = tpu.vector_load %arg11[%swap3A_120] {strides = array<i32>} : memref<3072xf32, #tpu.memory_space<vmem>>, vector<16xf32>,
    tpu.vector_store %arg11[%swap3A_120], %broadcast_in_dim3A_3 {strides = array<i32>} : memref<3072xf32, #tpu.memory_space<vmem>>, vector<16xf32>,
    %swap3A_122 = arith.constant 800 : index
    %swap3A_123 = tpu.vector_load %arg11[%swap3A_122] {strides = array<i32>} : memref<3072xf32, #tpu.memory_space<vmem>>, vector<16xf32>,
    tpu.vector_store %arg11[%swap3A_122], %broadcast_in_dim3A_3 {strides = array<i32>} : memref<3072xf32, #tpu.memory_space<vmem>>, vector<16xf32>,
    %swap3A_124 = arith.constant 816 : index
    %swap3A_125 = tpu.vector_load %arg11[%swap3A_124] {strides = array<i32>} : memref<3072xf32, #tpu.memory_space<vmem>>, vector<16xf32>,
    tpu.vector_store %arg11[%swap3A_124], %broadcast_in_dim3A_3 {strides = array<i32>} : memref<3072xf32, #tpu.memory_space<vmem>>, vector<16xf32>,
    %swap3A_126 = arith.constant 832 : index
    %swap3A_127 = tpu.vector_load %arg11[%swap3A_126] {strides = array<i32>} : memref<3072xf32, #tpu.memory_space<vmem>>, vector<16xf32>,
    tpu.vector_store %arg11[%swap3A_126], %broadcast_in_dim3A_3 {strides = array<i32>} : memref<3072xf32, #tpu.memory_space<vmem>>, vector<16xf32>,
    %swap3A_128 = arith.constant 848 : index
    %swap3A_129 = tpu.vector_load %arg11[%swap3A_128] {strides = array<i32>} : memref<3072xf32, #tpu.memory_space<vmem>>, vector<16xf32>,
    tpu.vector_store %arg11[%swap3A_128], %broadcast_in_dim3A_3 {strides = array<i32>} : memref<3072xf32, #tpu.memory_space<vmem>>, vector<16xf32>,
    %swap3A_130 = arith.constant 864 : index
    %swap3A_131 = tpu.vector_load %arg11[%swap3A_130] {strides = array<i32>} : memref<3072xf32, #tpu.memory_space<vmem>>, vector<16xf32>,
    tpu.vector_store %arg11[%swap3A_130], %broadcast_in_dim3A_3 {strides = array<i32>} : memref<3072xf32, #tpu.memory_space<vmem>>, vector<16xf32>,
    %swap3A_132 = arith.constant 880 : index
    %swap3A_133 = tpu.vector_load %arg11[%swap3A_132] {strides = array<i32>} : memref<3072xf32, #tpu.memory_space<vmem>>, vector<16xf32>,
    tpu.vector_store %arg11[%swap3A_132], %broadcast_in_dim3A_3 {strides = array<i32>} : memref<3072xf32, #tpu.memory_space<vmem>>, vector<16xf32>,
    %swap3A_134 = arith.constant 896 : index
    %swap3A_135 = tpu.vector_load %arg11[%swap3A_134] {strides = array<i32>} : memref<3072xf32, #tpu.memory_space<vmem>>, vector<16xf32>,
    tpu.vector_store %arg11[%swap3A_134], %broadcast_in_dim3A_3 {strides = array<i32>} : memref<3072xf32, #tpu.memory_space<vmem>>, vector<16xf32>,
    %swap3A_136 = arith.constant 912 : index
    %swap3A_137 = tpu.vector_load %arg11[%swap3A_136] {strides = array<i32>} : memref<3072xf32, #tpu.memory_space<vmem>>, vector<16xf32>,
    tpu.vector_store %arg11[%swap3A_136], %broadcast_in_dim3A_3 {strides = array<i32>} : memref<3072xf32, #tpu.memory_space<vmem>>, vector<16xf32>,
    %swap3A_138 = arith.constant 928 : index
    %swap3A_139 = tpu.vector_load %arg11[%swap3A_138] {strides = array<i32>} : memref<3072xf32, #tpu.memory_space<vmem>>, vector<16xf32>,
    tpu.vector_store %arg11[%swap3A_138], %broadcast_in_dim3A_3 {strides = array<i32>} : memref<3072xf32, #tpu.memory_space<vmem>>, vector<16xf32>,
    %swap3A_140 = arith.constant 944 : index
    %swap3A_141 = tpu.vector_load %arg11[%swap3A_140] {strides = array<i32>} : memref<3072xf32, #tpu.memory_space<vmem>>, vector<16xf32>,
    tpu.vector_store %arg11[%swap3A_140], %broadcast_in_dim3A_3 {strides = array<i32>} : memref<3072xf32, #tpu.memory_space<vmem>>, vector<16xf32>,
    %swap3A_142 = arith.constant 960 : index
    %swap3A_143 = tpu.vector_load %arg11[%swap3A_142] {strides = array<i32>} : memref<3072xf32, #tpu.memory_space<vmem>>, vector<16xf32>,
    tpu.vector_store %arg11[%swap3A_142], %broadcast_in_dim3A_3 {strides = array<i32>} : memref<3072xf32, #tpu.memory_space<vmem>>, vector<16xf32>,
    %swap3A_144 = arith.constant 976 : index
    %swap3A_145 = tpu.vector_load %arg11[%swap3A_144] {strides = array<i32>} : memref<3072xf32, #tpu.memory_space<vmem>>, vector<16xf32>,
    tpu.vector_store %arg11[%swap3A_144], %broadcast_in_dim3A_3 {strides = array<i32>} : memref<3072xf32, #tpu.memory_space<vmem>>, vector<16xf32>,
    %swap3A_146 = arith.constant 992 : index
    %swap3A_147 = tpu.vector_load %arg11[%swap3A_146] {strides = array<i32>} : memref<3072xf32, #tpu.memory_space<vmem>>, vector<16xf32>,
    tpu.vector_store %arg11[%swap3A_146], %broadcast_in_dim3A_3 {strides = array<i32>} : memref<3072xf32, #tpu.memory_space<vmem>>, vector<16xf32>,
    %swap3A_148 = arith.constant 1008 : index
    %swap3A_149 = tpu.vector_load %arg11[%swap3A_148] {strides = array<i32>} : memref<3072xf32, #tpu.memory_space<vmem>>, vector<16xf32>,
    tpu.vector_store %arg11[%swap3A_148], %broadcast_in_dim3A_3 {strides = array<i32>} : memref<3072xf32, #tpu.memory_space<vmem>>, vector<16xf32>,
    %swap3A_150 = arith.constant 1024 : index
    %swap3A_151 = tpu.vector_load %arg11[%swap3A_150] {strides = array<i32>} : memref<3072xf32, #tpu.memory_space<vmem>>, vector<16xf32>,
    tpu.vector_store %arg11[%swap3A_150], %broadcast_in_dim3A_3 {strides = array<i32>} : memref<3072xf32, #tpu.memory_space<vmem>>, vector<16xf32>,
    %swap3A_152 = arith.constant 1040 : index
    %swap3A_153 = tpu.vector_load %arg11[%swap3A_152] {strides = array<i32>} : memref<3072xf32, #tpu.memory_space<vmem>>, vector<16xf32>,
    tpu.vector_store %arg11[%swap3A_152], %broadcast_in_dim3A_3 {strides = array<i32>} : memref<3072xf32, #tpu.memory_space<vmem>>, vector<16xf32>,
    %swap3A_154 = arith.constant 1056 : index
    %swap3A_155 = tpu.vector_load %arg11[%swap3A_154] {strides = array<i32>} : memref<3072xf32, #tpu.memory_space<vmem>>, vector<16xf32>,
    tpu.vector_store %arg11[%swap3A_154], %broadcast_in_dim3A_3 {strides = array<i32>} : memref<3072xf32, #tpu.memory_space<vmem>>, vector<16xf32>,
    %swap3A_156 = arith.constant 1072 : index
    %swap3A_157 = tpu.vector_load %arg11[%swap3A_156] {strides = array<i32>} : memref<3072xf32, #tpu.memory_space<vmem>>, vector<16xf32>,
    tpu.vector_store %arg11[%swap3A_156], %broadcast_in_dim3A_3 {strides = array<i32>} : memref<3072xf32, #tpu.memory_space<vmem>>, vector<16xf32>,
    %swap3A_158 = arith.constant 1088 : index
    %swap3A_159 = tpu.vector_load %arg11[%swap3A_158] {strides = array<i32>} : memref<3072xf32, #tpu.memory_space<vmem>>, vector<16xf32>,
    tpu.vector_store %arg11[%swap3A_158], %broadcast_in_dim3A_3 {strides = array<i32>} : memref<3072xf32, #tpu.memory_space<vmem>>, vector<16xf32>,
    %swap3A_160 = arith.constant 1104 : index
    %swap3A_161 = tpu.vector_load %arg11[%swap3A_160] {strides = array<i32>} : memref<3072xf32, #tpu.memory_space<vmem>>, vector<16xf32>,
    tpu.vector_store %arg11[%swap3A_160], %broadcast_in_dim3A_3 {strides = array<i32>} : memref<3072xf32, #tpu.memory_space<vmem>>, vector<16xf32>,
    %swap3A_162 = arith.constant 1120 : index
    %swap3A_163 = tpu.vector_load %arg11[%swap3A_162] {strides = array<i32>} : memref<3072xf32, #tpu.memory_space<vmem>>, vector<16xf32>,
    tpu.vector_store %arg11[%swap3A_162], %broadcast_in_dim3A_3 {strides = array<i32>} : memref<3072xf32, #tpu.memory_space<vmem>>, vector<16xf32>,
    %swap3A_164 = arith.constant 1136 : index
    %swap3A_165 = tpu.vector_load %arg11[%swap3A_164] {strides = array<i32>} : memref<3072xf32, #tpu.memory_space<vmem>>, vector<16xf32>,
    tpu.vector_store %arg11[%swap3A_164], %broadcast_in_dim3A_3 {strides = array<i32>} : memref<3072xf32, #tpu.memory_space<vmem>>, vector<16xf32>,
    %swap3A_166 = arith.constant 1152 : index
    %swap3A_167 = tpu.vector_load %arg11[%swap3A_166] {strides = array<i32>} : memref<3072xf32, #tpu.memory_space<vmem>>, vector<16xf32>,
    tpu.vector_store %arg11[%swap3A_166], %broadcast_in_dim3A_3 {strides = array<i32>} : memref<3072xf32, #tpu.memory_space<vmem>>, vector<16xf32>,
    %swap3A_168 = arith.constant 1168 : index
    %swap3A_169 = tpu.vector_load %arg11[%swap3A_168] {strides = array<i32>} : memref<3072xf32, #tpu.memory_space<vmem>>, vector<16xf32>,
    tpu.vector_store %arg11[%swap3A_168], %broadcast_in_dim3A_3 {strides = array<i32>} : memref<3072xf32, #tpu.memory_space<vmem>>, vector<16xf32>,
    %swap3A_170 = arith.constant 1184 : index
    %swap3A_171 = tpu.vector_load %arg11[%swap3A_170] {strides = array<i32>} : memref<3072xf32, #tpu.memory_space<vmem>>, vector<16xf32>,
    tpu.vector_store %arg11[%swap3A_170], %broadcast_in_dim3A_3 {strides = array<i32>} : memref<3072xf32, #tpu.memory_space<vmem>>, vector<16xf32>,
    %swap3A_172 = arith.constant 1200 : index
    %swap3A_173 = tpu.vector_load %arg11[%swap3A_172] {strides = array<i32>} : memref<3072xf32, #tpu.memory_space<vmem>>, vector<16xf32>,
    tpu.vector_store %arg11[%swap3A_172], %broadcast_in_dim3A_3 {strides = array<i32>} : memref<3072xf32, #tpu.memory_space<vmem>>, vector<16xf32>,
    %swap3A_174 = arith.constant 1216 : index
    %swap3A_175 = tpu.vector_load %arg11[%swap3A_174] {strides = array<i32>} : memref<3072xf32, #tpu.memory_space<vmem>>, vector<16xf32>,
    tpu.vector_store %arg11[%swap3A_174], %broadcast_in_dim3A_3 {strides = array<i32>} : memref<3072xf32, #tpu.memory_space<vmem>>, vector<16xf32>,
    %swap3A_176 = arith.constant 1232 : index
    %swap3A_177 = tpu.vector_load %arg11[%swap3A_176] {strides = array<i32>} : memref<3072xf32, #tpu.memory_space<vmem>>, vector<16xf32>,
    tpu.vector_store %arg11[%swap3A_176], %broadcast_in_dim3A_3 {strides = array<i32>} : memref<3072xf32, #tpu.memory_space<vmem>>, vector<16xf32>,
    %swap3A_178 = arith.constant 1248 : index
    %swap3A_179 = tpu.vector_load %arg11[%swap3A_178] {strides = array<i32>} : memref<3072xf32, #tpu.memory_space<vmem>>, vector<16xf32>,
    tpu.vector_store %arg11[%swap3A_178], %broadcast_in_dim3A_3 {strides = array<i32>} : memref<3072xf32, #tpu.memory_space<vmem>>, vector<16xf32>,
    %swap3A_180 = arith.constant 1264 : index
    %swap3A_181 = tpu.vector_load %arg11[%swap3A_180] {strides = array<i32>} : memref<3072xf32, #tpu.memory_space<vmem>>, vector<16xf32>,
    tpu.vector_store %arg11[%swap3A_180], %broadcast_in_dim3A_3 {strides = array<i32>} : memref<3072xf32, #tpu.memory_space<vmem>>, vector<16xf32>,
    %swap3A_182 = arith.constant 1280 : index
    %swap3A_183 = tpu.vector_load %arg11[%swap3A_182] {strides = array<i32>} : memref<3072xf32, #tpu.memory_space<vmem>>, vector<16xf32>,
    tpu.vector_store %arg11[%swap3A_182], %broadcast_in_dim3A_3 {strides = array<i32>} : memref<3072xf32, #tpu.memory_space<vmem>>, vector<16xf32>,
    %swap3A_184 = arith.constant 1296 : index
    %swap3A_185 = tpu.vector_load %arg11[%swap3A_184] {strides = array<i32>} : memref<3072xf32, #tpu.memory_space<vmem>>, vector<16xf32>,
    tpu.vector_store %arg11[%swap3A_184], %broadcast_in_dim3A_3 {strides = array<i32>} : memref<3072xf32, #tpu.memory_space<vmem>>, vector<16xf32>,
    %swap3A_186 = arith.constant 1312 : index
    %swap3A_187 = tpu.vector_load %arg11[%swap3A_186] {strides = array<i32>} : memref<3072xf32, #tpu.memory_space<vmem>>, vector<16xf32>,
    tpu.vector_store %arg11[%swap3A_186], %broadcast_in_dim3A_3 {strides = array<i32>} : memref<3072xf32, #tpu.memory_space<vmem>>, vector<16xf32>,
    %swap3A_188 = arith.constant 1328 : index
    %swap3A_189 = tpu.vector_load %arg11[%swap3A_188] {strides = array<i32>} : memref<3072xf32, #tpu.memory_space<vmem>>, vector<16xf32>,
    tpu.vector_store %arg11[%swap3A_188], %broadcast_in_dim3A_3 {strides = array<i32>} : memref<3072xf32, #tpu.memory_space<vmem>>, vector<16xf32>,
    %swap3A_190 = arith.constant 1344 : index
    %swap3A_191 = tpu.vector_load %arg11[%swap3A_190] {strides = array<i32>} : memref<3072xf32, #tpu.memory_space<vmem>>, vector<16xf32>,
    tpu.vector_store %arg11[%swap3A_190], %broadcast_in_dim3A_3 {strides = array<i32>} : memref<3072xf32, #tpu.memory_space<vmem>>, vector<16xf32>,
    %swap3A_192 = arith.constant 1360 : index
    %swap3A_193 = tpu.vector_load %arg11[%swap3A_192] {strides = array<i32>} : memref<3072xf32, #tpu.memory_space<vmem>>, vector<16xf32>,
    tpu.vector_store %arg11[%swap3A_192], %broadcast_in_dim3A_3 {strides = array<i32>} : memref<3072xf32, #tpu.memory_space<vmem>>, vector<16xf32>,
    %swap3A_194 = arith.constant 1376 : index
    %swap3A_195 = tpu.vector_load %arg11[%swap3A_194] {strides = array<i32>} : memref<3072xf32, #tpu.memory_space<vmem>>, vector<16xf32>,
    tpu.vector_store %arg11[%swap3A_194], %broadcast_in_dim3A_3 {strides = array<i32>} : memref<3072xf32, #tpu.memory_space<vmem>>, vector<16xf32>,
    %swap3A_196 = arith.constant 1392 : index
    %swap3A_197 = tpu.vector_load %arg11[%swap3A_196] {strides = array<i32>} : memref<3072xf32, #tpu.memory_space<vmem>>, vector<16xf32>,
    tpu.vector_store %arg11[%swap3A_196], %broadcast_in_dim3A_3 {strides = array<i32>} : memref<3072xf32, #tpu.memory_space<vmem>>, vector<16xf32>,
    %swap3A_198 = arith.constant 1408 : index
    %swap3A_199 = tpu.vector_load %arg11[%swap3A_198] {strides = array<i32>} : memref<3072xf32, #tpu.memory_space<vmem>>, vector<16xf32>,
    tpu.vector_store %arg11[%swap3A_198], %broadcast_in_dim3A_3 {strides = array<i32>} : memref<3072xf32, #tpu.memory_space<vmem>>, vector<16xf32>,
    %swap3A_200 = arith.constant 1424 : index
    %swap3A_201 = tpu.vector_load %arg11[%swap3A_200] {strides = array<i32>} : memref<3072xf32, #tpu.memory_space<vmem>>, vector<16xf32>,
    tpu.vector_store %arg11[%swap3A_200], %broadcast_in_dim3A_3 {strides = array<i32>} : memref<3072xf32, #tpu.memory_space<vmem>>, vector<16xf32>,
    %swap3A_202 = arith.constant 1440 : index
    %swap3A_203 = tpu.vector_load %arg11[%swap3A_202] {strides = array<i32>} : memref<3072xf32, #tpu.memory_space<vmem>>, vector<16xf32>,
    tpu.vector_store %arg11[%swap3A_202], %broadcast_in_dim3A_3 {strides = array<i32>} : memref<3072xf32, #tpu.memory_space<vmem>>, vector<16xf32>,
    %swap3A_204 = arith.constant 1456 : index
    %swap3A_205 = tpu.vector_load %arg11[%swap3A_204] {strides = array<i32>} : memref<3072xf32, #tpu.memory_space<vmem>>, vector<16xf32>,
    tpu.vector_store %arg11[%swap3A_204], %broadcast_in_dim3A_3 {strides = array<i32>} : memref<3072xf32, #tpu.memory_space<vmem>>, vector<16xf32>,
    %swap3A_206 = arith.constant 1472 : index
    %swap3A_207 = tpu.vector_load %arg11[%swap3A_206] {strides = array<i32>} : memref<3072xf32, #tpu.memory_space<vmem>>, vector<16xf32>,
    tpu.vector_store %arg11[%swap3A_206], %broadcast_in_dim3A_3 {strides = array<i32>} : memref<3072xf32, #tpu.memory_space<vmem>>, vector<16xf32>,
    %swap3A_208 = arith.constant 1488 : index
    %swap3A_209 = tpu.vector_load %arg11[%swap3A_208] {strides = array<i32>} : memref<3072xf32, #tpu.memory_space<vmem>>, vector<16xf32>,
    tpu.vector_store %arg11[%swap3A_208], %broadcast_in_dim3A_3 {strides = array<i32>} : memref<3072xf32, #tpu.memory_space<vmem>>, vector<16xf32>,
    %swap3A_210 = arith.constant 1504 : index
    %swap3A_211 = tpu.vector_load %arg11[%swap3A_210] {strides = array<i32>} : memref<3072xf32, #tpu.memory_space<vmem>>, vector<16xf32>,
    tpu.vector_store %arg11[%swap3A_210], %broadcast_in_dim3A_3 {strides = array<i32>} : memref<3072xf32, #tpu.memory_space<vmem>>, vector<16xf32>,
    %swap3A_212 = arith.constant 1520 : index
    %swap3A_213 = tpu.vector_load %arg11[%swap3A_212] {strides = array<i32>} : memref<3072xf32, #tpu.memory_space<vmem>>, vector<16xf32>,
    tpu.vector_store %arg11[%swap3A_212], %broadcast_in_dim3A_3 {strides = array<i32>} : memref<3072xf32, #tpu.memory_space<vmem>>, vector<16xf32>,
    %swap3A_214 = arith.constant 1536 : index
    %swap3A_215 = tpu.vector_load %arg11[%swap3A_214] {strides = array<i32>} : memref<3072xf32, #tpu.memory_space<vmem>>, vector<16xf32>,
    tpu.vector_store %arg11[%swap3A_214], %broadcast_in_dim3A_3 {strides = array<i32>} : memref<3072xf32, #tpu.memory_space<vmem>>, vector<16xf32>,
    %swap3A_216 = arith.constant 1552 : index
    %swap3A_217 = tpu.vector_load %arg11[%swap3A_216] {strides = array<i32>} : memref<3072xf32, #tpu.memory_space<vmem>>, vector<16xf32>,
    tpu.vector_store %arg11[%swap3A_216], %broadcast_in_dim3A_3 {strides = array<i32>} : memref<3072xf32, #tpu.memory_space<vmem>>, vector<16xf32>,
    %swap3A_218 = arith.constant 1568 : index
    %swap3A_219 = tpu.vector_load %arg11[%swap3A_218] {strides = array<i32>} : memref<3072xf32, #tpu.memory_space<vmem>>, vector<16xf32>,
    tpu.vector_store %arg11[%swap3A_218], %broadcast_in_dim3A_3 {strides = array<i32>} : memref<3072xf32, #tpu.memory_space<vmem>>, vector<16xf32>,
    %swap3A_220 = arith.constant 1584 : index
    %swap3A_221 = tpu.vector_load %arg11[%swap3A_220] {strides = array<i32>} : memref<3072xf32, #tpu.memory_space<vmem>>, vector<16xf32>,
    tpu.vector_store %arg11[%swap3A_220], %broadcast_in_dim3A_3 {strides = array<i32>} : memref<3072xf32, #tpu.memory_space<vmem>>, vector<16xf32>,
    %swap3A_222 = arith.constant 1600 : index
    %swap3A_223 = tpu.vector_load %arg11[%swap3A_222] {strides = array<i32>} : memref<3072xf32, #tpu.memory_space<vmem>>, vector<16xf32>,
    tpu.vector_store %arg11[%swap3A_222], %broadcast_in_dim3A_3 {strides = array<i32>} : memref<3072xf32, #tpu.memory_space<vmem>>, vector<16xf32>,
    %swap3A_224 = arith.constant 1616 : index
    %swap3A_225 = tpu.vector_load %arg11[%swap3A_224] {strides = array<i32>} : memref<3072xf32, #tpu.memory_space<vmem>>, vector<16xf32>,
    tpu.vector_store %arg11[%swap3A_224], %broadcast_in_dim3A_3 {strides = array<i32>} : memref<3072xf32, #tpu.memory_space<vmem>>, vector<16xf32>,
    %swap3A_226 = arith.constant 1632 : index
    %swap3A_227 = tpu.vector_load %arg11[%swap3A_226] {strides = array<i32>} : memref<3072xf32, #tpu.memory_space<vmem>>, vector<16xf32>,
    tpu.vector_store %arg11[%swap3A_226], %broadcast_in_dim3A_3 {strides = array<i32>} : memref<3072xf32, #tpu.memory_space<vmem>>, vector<16xf32>,
    %swap3A_228 = arith.constant 1648 : index
    %swap3A_229 = tpu.vector_load %arg11[%swap3A_228] {strides = array<i32>} : memref<3072xf32, #tpu.memory_space<vmem>>, vector<16xf32>,
    tpu.vector_store %arg11[%swap3A_228], %broadcast_in_dim3A_3 {strides = array<i32>} : memref<3072xf32, #tpu.memory_space<vmem>>, vector<16xf32>,
    %swap3A_230 = arith.constant 1664 : index
    %swap3A_231 = tpu.vector_load %arg11[%swap3A_230] {strides = array<i32>} : memref<3072xf32, #tpu.memory_space<vmem>>, vector<16xf32>,
    tpu.vector_store %arg11[%swap3A_230], %broadcast_in_dim3A_3 {strides = array<i32>} : memref<3072xf32, #tpu.memory_space<vmem>>, vector<16xf32>,
    %swap3A_232 = arith.constant 1680 : index
    %swap3A_233 = tpu.vector_load %arg11[%swap3A_232] {strides = array<i32>} : memref<3072xf32, #tpu.memory_space<vmem>>, vector<16xf32>,
    tpu.vector_store %arg11[%swap3A_232], %broadcast_in_dim3A_3 {strides = array<i32>} : memref<3072xf32, #tpu.memory_space<vmem>>, vector<16xf32>,
    %swap3A_234 = arith.constant 1696 : index
    %swap3A_235 = tpu.vector_load %arg11[%swap3A_234] {strides = array<i32>} : memref<3072xf32, #tpu.memory_space<vmem>>, vector<16xf32>,
    tpu.vector_store %arg11[%swap3A_234], %broadcast_in_dim3A_3 {strides = array<i32>} : memref<3072xf32, #tpu.memory_space<vmem>>, vector<16xf32>,
    %swap3A_236 = arith.constant 1712 : index
    %swap3A_237 = tpu.vector_load %arg11[%swap3A_236] {strides = array<i32>} : memref<3072xf32, #tpu.memory_space<vmem>>, vector<16xf32>,
    tpu.vector_store %arg11[%swap3A_236], %broadcast_in_dim3A_3 {strides = array<i32>} : memref<3072xf32, #tpu.memory_space<vmem>>, vector<16xf32>,
    %swap3A_238 = arith.constant 1728 : index
    %swap3A_239 = tpu.vector_load %arg11[%swap3A_238] {strides = array<i32>} : memref<3072xf32, #tpu.memory_space<vmem>>, vector<16xf32>,
    tpu.vector_store %arg11[%swap3A_238], %broadcast_in_dim3A_3 {strides = array<i32>} : memref<3072xf32, #tpu.memory_space<vmem>>, vector<16xf32>,
    %swap3A_240 = arith.constant 1744 : index
    %swap3A_241 = tpu.vector_load %arg11[%swap3A_240] {strides = array<i32>} : memref<3072xf32, #tpu.memory_space<vmem>>, vector<16xf32>,
    tpu.vector_store %arg11[%swap3A_240], %broadcast_in_dim3A_3 {strides = array<i32>} : memref<3072xf32, #tpu.memory_space<vmem>>, vector<16xf32>,
    %swap3A_242 = arith.constant 1760 : index
    %swap3A_243 = tpu.vector_load %arg11[%swap3A_242] {strides = array<i32>} : memref<3072xf32, #tpu.memory_space<vmem>>, vector<16xf32>,
    tpu.vector_store %arg11[%swap3A_242], %broadcast_in_dim3A_3 {strides = array<i32>} : memref<3072xf32, #tpu.memory_space<vmem>>, vector<16xf32>,
    %swap3A_244 = arith.constant 1776 : index
    %swap3A_245 = tpu.vector_load %arg11[%swap3A_244] {strides = array<i32>} : memref<3072xf32, #tpu.memory_space<vmem>>, vector<16xf32>,
    tpu.vector_store %arg11[%swap3A_244], %broadcast_in_dim3A_3 {strides = array<i32>} : memref<3072xf32, #tpu.memory_space<vmem>>, vector<16xf32>,
    %swap3A_246 = arith.constant 1792 : index
    %swap3A_247 = tpu.vector_load %arg11[%swap3A_246] {strides = array<i32>} : memref<3072xf32, #tpu.memory_space<vmem>>, vector<16xf32>,
    tpu.vector_store %arg11[%swap3A_246], %broadcast_in_dim3A_3 {strides = array<i32>} : memref<3072xf32, #tpu.memory_space<vmem>>, vector<16xf32>,
    %swap3A_248 = arith.constant 1808 : index
    %swap3A_249 = tpu.vector_load %arg11[%swap3A_248] {strides = array<i32>} : memref<3072xf32, #tpu.memory_space<vmem>>, vector<16xf32>,
    tpu.vector_store %arg11[%swap3A_248], %broadcast_in_dim3A_3 {strides = array<i32>} : memref<3072xf32, #tpu.memory_space<vmem>>, vector<16xf32>,
    %swap3A_250 = arith.constant 1824 : index
    %swap3A_251 = tpu.vector_load %arg11[%swap3A_250] {strides = array<i32>} : memref<3072xf32, #tpu.memory_space<vmem>>, vector<16xf32>,
    tpu.vector_store %arg11[%swap3A_250], %broadcast_in_dim3A_3 {strides = array<i32>} : memref<3072xf32, #tpu.memory_space<vmem>>, vector<16xf32>,
    %swap3A_252 = arith.constant 1840 : index
    %swap3A_253 = tpu.vector_load %arg11[%swap3A_252] {strides = array<i32>} : memref<3072xf32, #tpu.memory_space<vmem>>, vector<16xf32>,
    tpu.vector_store %arg11[%swap3A_252], %broadcast_in_dim3A_3 {strides = array<i32>} : memref<3072xf32, #tpu.memory_space<vmem>>, vector<16xf32>,
    %swap3A_254 = arith.constant 1856 : index
    %swap3A_255 = tpu.vector_load %arg11[%swap3A_254] {strides = array<i32>} : memref<3072xf32, #tpu.memory_space<vmem>>, vector<16xf32>,
    tpu.vector_store %arg11[%swap3A_254], %broadcast_in_dim3A_3 {strides = array<i32>} : memref<3072xf32, #tpu.memory_space<vmem>>, vector<16xf32>,
    %swap3A_256 = arith.constant 1872 : index
    %swap3A_257 = tpu.vector_load %arg11[%swap3A_256] {strides = array<i32>} : memref<3072xf32, #tpu.memory_space<vmem>>, vector<16xf32>,
    tpu.vector_store %arg11[%swap3A_256], %broadcast_in_dim3A_3 {strides = array<i32>} : memref<3072xf32, #tpu.memory_space<vmem>>, vector<16xf32>,
    %swap3A_258 = arith.constant 1888 : index
    %swap3A_259 = tpu.vector_load %arg11[%swap3A_258] {strides = array<i32>} : memref<3072xf32, #tpu.memory_space<vmem>>, vector<16xf32>,
    tpu.vector_store %arg11[%swap3A_258], %broadcast_in_dim3A_3 {strides = array<i32>} : memref<3072xf32, #tpu.memory_space<vmem>>, vector<16xf32>,
    %swap3A_260 = arith.constant 1904 : index
    %swap3A_261 = tpu.vector_load %arg11[%swap3A_260] {strides = array<i32>} : memref<3072xf32, #tpu.memory_space<vmem>>, vector<16xf32>,
    tpu.vector_store %arg11[%swap3A_260], %broadcast_in_dim3A_3 {strides = array<i32>} : memref<3072xf32, #tpu.memory_space<vmem>>, vector<16xf32>,
    %swap3A_262 = arith.constant 1920 : index
    %swap3A_263 = tpu.vector_load %arg11[%swap3A_262] {strides = array<i32>} : memref<3072xf32, #tpu.memory_space<vmem>>, vector<16xf32>,
    tpu.vector_store %arg11[%swap3A_262], %broadcast_in_dim3A_3 {strides = array<i32>} : memref<3072xf32, #tpu.memory_space<vmem>>, vector<16xf32>,
    %swap3A_264 = arith.constant 1936 : index
    %swap3A_265 = tpu.vector_load %arg11[%swap3A_264] {strides = array<i32>} : memref<3072xf32, #tpu.memory_space<vmem>>, vector<16xf32>,
    tpu.vector_store %arg11[%swap3A_264], %broadcast_in_dim3A_3 {strides = array<i32>} : memref<3072xf32, #tpu.memory_space<vmem>>, vector<16xf32>,
    %swap3A_266 = arith.constant 1952 : index
    %swap3A_267 = tpu.vector_load %arg11[%swap3A_266] {strides = array<i32>} : memref<3072xf32, #tpu.memory_space<vmem>>, vector<16xf32>,
    tpu.vector_store %arg11[%swap3A_266], %broadcast_in_dim3A_3 {strides = array<i32>} : memref<3072xf32, #tpu.memory_space<vmem>>, vector<16xf32>,
    %swap3A_268 = arith.constant 1968 : index
    %swap3A_269 = tpu.vector_load %arg11[%swap3A_268] {strides = array<i32>} : memref<3072xf32, #tpu.memory_space<vmem>>, vector<16xf32>,
    tpu.vector_store %arg11[%swap3A_268], %broadcast_in_dim3A_3 {strides = array<i32>} : memref<3072xf32, #tpu.memory_space<vmem>>, vector<16xf32>,
    %swap3A_270 = arith.constant 1984 : index
    %swap3A_271 = tpu.vector_load %arg11[%swap3A_270] {strides = array<i32>} : memref<3072xf32, #tpu.memory_space<vmem>>, vector<16xf32>,
    tpu.vector_store %arg11[%swap3A_270], %broadcast_in_dim3A_3 {strides = array<i32>} : memref<3072xf32, #tpu.memory_space<vmem>>, vector<16xf32>,
    %swap3A_272 = arith.constant 2000 : index
    %swap3A_273 = tpu.vector_load %arg11[%swap3A_272] {strides = array<i32>} : memref<3072xf32, #tpu.memory_space<vmem>>, vector<16xf32>,
    tpu.vector_store %arg11[%swap3A_272], %broadcast_in_dim3A_3 {strides = array<i32>} : memref<3072xf32, #tpu.memory_space<vmem>>, vector<16xf32>,
    %swap3A_274 = arith.constant 2016 : index
    %swap3A_275 = tpu.vector_load %arg11[%swap3A_274] {strides = array<i32>} : memref<3072xf32, #tpu.memory_space<vmem>>, vector<16xf32>,
    tpu.vector_store %arg11[%swap3A_274], %broadcast_in_dim3A_3 {strides = array<i32>} : memref<3072xf32, #tpu.memory_space<vmem>>, vector<16xf32>,
    %swap3A_276 = arith.constant 2032 : index
    %swap3A_277 = tpu.vector_load %arg11[%swap3A_276] {strides = array<i32>} : memref<3072xf32, #tpu.memory_space<vmem>>, vector<16xf32>,
    tpu.vector_store %arg11[%swap3A_276], %broadcast_in_dim3A_3 {strides = array<i32>} : memref<3072xf32, #tpu.memory_space<vmem>>, vector<16xf32>,
    %swap3A_278 = arith.constant 2048 : index
    %swap3A_279 = tpu.vector_load %arg11[%swap3A_278] {strides = array<i32>} : memref<3072xf32, #tpu.memory_space<vmem>>, vector<16xf32>,
    tpu.vector_store %arg11[%swap3A_278], %broadcast_in_dim3A_3 {strides = array<i32>} : memref<3072xf32, #tpu.memory_space<vmem>>, vector<16xf32>,
    %swap3A_280 = arith.constant 2064 : index
    %swap3A_281 = tpu.vector_load %arg11[%swap3A_280] {strides = array<i32>} : memref<3072xf32, #tpu.memory_space<vmem>>, vector<16xf32>,
    tpu.vector_store %arg11[%swap3A_280], %broadcast_in_dim3A_3 {strides = array<i32>} : memref<3072xf32, #tpu.memory_space<vmem>>, vector<16xf32>,
    %swap3A_282 = arith.constant 2080 : index
    %swap3A_283 = tpu.vector_load %arg11[%swap3A_282] {strides = array<i32>} : memref<3072xf32, #tpu.memory_space<vmem>>, vector<16xf32>,
    tpu.vector_store %arg11[%swap3A_282], %broadcast_in_dim3A_3 {strides = array<i32>} : memref<3072xf32, #tpu.memory_space<vmem>>, vector<16xf32>,
    %swap3A_284 = arith.constant 2096 : index
    %swap3A_285 = tpu.vector_load %arg11[%swap3A_284] {strides = array<i32>} : memref<3072xf32, #tpu.memory_space<vmem>>, vector<16xf32>,
    tpu.vector_store %arg11[%swap3A_284], %broadcast_in_dim3A_3 {strides = array<i32>} : memref<3072xf32, #tpu.memory_space<vmem>>, vector<16xf32>,
    %swap3A_286 = arith.constant 2112 : index
    %swap3A_287 = tpu.vector_load %arg11[%swap3A_286] {strides = array<i32>} : memref<3072xf32, #tpu.memory_space<vmem>>, vector<16xf32>,
    tpu.vector_store %arg11[%swap3A_286], %broadcast_in_dim3A_3 {strides = array<i32>} : memref<3072xf32, #tpu.memory_space<vmem>>, vector<16xf32>,
    %swap3A_288 = arith.constant 2128 : index
    %swap3A_289 = tpu.vector_load %arg11[%swap3A_288] {strides = array<i32>} : memref<3072xf32, #tpu.memory_space<vmem>>, vector<16xf32>,
    tpu.vector_store %arg11[%swap3A_288], %broadcast_in_dim3A_3 {strides = array<i32>} : memref<3072xf32, #tpu.memory_space<vmem>>, vector<16xf32>,
    %swap3A_290 = arith.constant 2144 : index
    %swap3A_291 = tpu.vector_load %arg11[%swap3A_290] {strides = array<i32>} : memref<3072xf32, #tpu.memory_space<vmem>>, vector<16xf32>,
    tpu.vector_store %arg11[%swap3A_290], %broadcast_in_dim3A_3 {strides = array<i32>} : memref<3072xf32, #tpu.memory_space<vmem>>, vector<16xf32>,
    %swap3A_292 = arith.constant 2160 : index
    %swap3A_293 = tpu.vector_load %arg11[%swap3A_292] {strides = array<i32>} : memref<3072xf32, #tpu.memory_space<vmem>>, vector<16xf32>,
    tpu.vector_store %arg11[%swap3A_292], %broadcast_in_dim3A_3 {strides = array<i32>} : memref<3072xf32, #tpu.memory_space<vmem>>, vector<16xf32>,
    %swap3A_294 = arith.constant 2176 : index
    %swap3A_295 = tpu.vector_load %arg11[%swap3A_294] {strides = array<i32>} : memref<3072xf32, #tpu.memory_space<vmem>>, vector<16xf32>,
    tpu.vector_store %arg11[%swap3A_294], %broadcast_in_dim3A_3 {strides = array<i32>} : memref<3072xf32, #tpu.memory_space<vmem>>, vector<16xf32>,
    %swap3A_296 = arith.constant 2192 : index
    %swap3A_297 = tpu.vector_load %arg11[%swap3A_296] {strides = array<i32>} : memref<3072xf32, #tpu.memory_space<vmem>>, vector<16xf32>,
    tpu.vector_store %arg11[%swap3A_296], %broadcast_in_dim3A_3 {strides = array<i32>} : memref<3072xf32, #tpu.memory_space<vmem>>, vector<16xf32>,
    %swap3A_298 = arith.constant 2208 : index
    %swap3A_299 = tpu.vector_load %arg11[%swap3A_298] {strides = array<i32>} : memref<3072xf32, #tpu.memory_space<vmem>>, vector<16xf32>,
    tpu.vector_store %arg11[%swap3A_298], %broadcast_in_dim3A_3 {strides = array<i32>} : memref<3072xf32, #tpu.memory_space<vmem>>, vector<16xf32>,
    %swap3A_300 = arith.constant 2224 : index
    %swap3A_301 = tpu.vector_load %arg11[%swap3A_300] {strides = array<i32>} : memref<3072xf32, #tpu.memory_space<vmem>>, vector<16xf32>,
    tpu.vector_store %arg11[%swap3A_300], %broadcast_in_dim3A_3 {strides = array<i32>} : memref<3072xf32, #tpu.memory_space<vmem>>, vector<16xf32>,
    %swap3A_302 = arith.constant 2240 : index
    %swap3A_303 = tpu.vector_load %arg11[%swap3A_302] {strides = array<i32>} : memref<3072xf32, #tpu.memory_space<vmem>>, vector<16xf32>,
    tpu.vector_store %arg11[%swap3A_302], %broadcast_in_dim3A_3 {strides = array<i32>} : memref<3072xf32, #tpu.memory_space<vmem>>, vector<16xf32>,
    %swap3A_304 = arith.constant 2256 : index
    %swap3A_305 = tpu.vector_load %arg11[%swap3A_304] {strides = array<i32>} : memref<3072xf32, #tpu.memory_space<vmem>>, vector<16xf32>,
    tpu.vector_store %arg11[%swap3A_304], %broadcast_in_dim3A_3 {strides = array<i32>} : memref<3072xf32, #tpu.memory_space<vmem>>, vector<16xf32>,
    %swap3A_306 = arith.constant 2272 : index
    %swap3A_307 = tpu.vector_load %arg11[%swap3A_306] {strides = array<i32>} : memref<3072xf32, #tpu.memory_space<vmem>>, vector<16xf32>,
    tpu.vector_store %arg11[%swap3A_306], %broadcast_in_dim3A_3 {strides = array<i32>} : memref<3072xf32, #tpu.memory_space<vmem>>, vector<16xf32>,
    %swap3A_308 = arith.constant 2288 : index
    %swap3A_309 = tpu.vector_load %arg11[%swap3A_308] {strides = array<i32>} : memref<3072xf32, #tpu.memory_space<vmem>>, vector<16xf32>,
    tpu.vector_store %arg11[%swap3A_308], %broadcast_in_dim3A_3 {strides = array<i32>} : memref<3072xf32, #tpu.memory_space<vmem>>, vector<16xf32>,
    %swap3A_310 = arith.constant 2304 : index
    %swap3A_311 = tpu.vector_load %arg11[%swap3A_310] {strides = array<i32>} : memref<3072xf32, #tpu.memory_space<vmem>>, vector<16xf32>,
    tpu.vector_store %arg11[%swap3A_310], %broadcast_in_dim3A_3 {strides = array<i32>} : memref<3072xf32, #tpu.memory_space<vmem>>, vector<16xf32>,
    %swap3A_312 = arith.constant 2320 : index
    %swap3A_313 = tpu.vector_load %arg11[%swap3A_312] {strides = array<i32>} : memref<3072xf32, #tpu.memory_space<vmem>>, vector<16xf32>,
    tpu.vector_store %arg11[%swap3A_312], %broadcast_in_dim3A_3 {strides = array<i32>} : memref<3072xf32, #tpu.memory_space<vmem>>, vector<16xf32>,
    %swap3A_314 = arith.constant 2336 : index
    %swap3A_315 = tpu.vector_load %arg11[%swap3A_314] {strides = array<i32>} : memref<3072xf32, #tpu.memory_space<vmem>>, vector<16xf32>,
    tpu.vector_store %arg11[%swap3A_314], %broadcast_in_dim3A_3 {strides = array<i32>} : memref<3072xf32, #tpu.memory_space<vmem>>, vector<16xf32>,
    %swap3A_316 = arith.constant 2352 : index
    %swap3A_317 = tpu.vector_load %arg11[%swap3A_316] {strides = array<i32>} : memref<3072xf32, #tpu.memory_space<vmem>>, vector<16xf32>,
    tpu.vector_store %arg11[%swap3A_316], %broadcast_in_dim3A_3 {strides = array<i32>} : memref<3072xf32, #tpu.memory_space<vmem>>, vector<16xf32>,
    %swap3A_318 = arith.constant 2368 : index
    %swap3A_319 = tpu.vector_load %arg11[%swap3A_318] {strides = array<i32>} : memref<3072xf32, #tpu.memory_space<vmem>>, vector<16xf32>,
    tpu.vector_store %arg11[%swap3A_318], %broadcast_in_dim3A_3 {strides = array<i32>} : memref<3072xf32, #tpu.memory_space<vmem>>, vector<16xf32>,
    %swap3A_320 = arith.constant 2384 : index
    %swap3A_321 = tpu.vector_load %arg11[%swap3A_320] {strides = array<i32>} : memref<3072xf32, #tpu.memory_space<vmem>>, vector<16xf32>,
    tpu.vector_store %arg11[%swap3A_320], %broadcast_in_dim3A_3 {strides = array<i32>} : memref<3072xf32, #tpu.memory_space<vmem>>, vector<16xf32>,
    %swap3A_322 = arith.constant 2400 : index
    %swap3A_323 = tpu.vector_load %arg11[%swap3A_322] {strides = array<i32>} : memref<3072xf32, #tpu.memory_space<vmem>>, vector<16xf32>,
    tpu.vector_store %arg11[%swap3A_322], %broadcast_in_dim3A_3 {strides = array<i32>} : memref<3072xf32, #tpu.memory_space<vmem>>, vector<16xf32>,
    %swap3A_324 = arith.constant 2416 : index
    %swap3A_325 = tpu.vector_load %arg11[%swap3A_324] {strides = array<i32>} : memref<3072xf32, #tpu.memory_space<vmem>>, vector<16xf32>,
    tpu.vector_store %arg11[%swap3A_324], %broadcast_in_dim3A_3 {strides = array<i32>} : memref<3072xf32, #tpu.memory_space<vmem>>, vector<16xf32>,
    %swap3A_326 = arith.constant 2432 : index
    %swap3A_327 = tpu.vector_load %arg11[%swap3A_326] {strides = array<i32>} : memref<3072xf32, #tpu.memory_space<vmem>>, vector<16xf32>,
    tpu.vector_store %arg11[%swap3A_326], %broadcast_in_dim3A_3 {strides = array<i32>} : memref<3072xf32, #tpu.memory_space<vmem>>, vector<16xf32>,
    %swap3A_328 = arith.constant 2448 : index
    %swap3A_329 = tpu.vector_load %arg11[%swap3A_328] {strides = array<i32>} : memref<3072xf32, #tpu.memory_space<vmem>>, vector<16xf32>,
    tpu.vector_store %arg11[%swap3A_328], %broadcast_in_dim3A_3 {strides = array<i32>} : memref<3072xf32, #tpu.memory_space<vmem>>, vector<16xf32>,
    %swap3A_330 = arith.constant 2464 : index
    %swap3A_331 = tpu.vector_load %arg11[%swap3A_330] {strides = array<i32>} : memref<3072xf32, #tpu.memory_space<vmem>>, vector<16xf32>,
    tpu.vector_store %arg11[%swap3A_330], %broadcast_in_dim3A_3 {strides = array<i32>} : memref<3072xf32, #tpu.memory_space<vmem>>, vector<16xf32>,
    %swap3A_332 = arith.constant 2480 : index
    %swap3A_333 = tpu.vector_load %arg11[%swap3A_332] {strides = array<i32>} : memref<3072xf32, #tpu.memory_space<vmem>>, vector<16xf32>,
    tpu.vector_store %arg11[%swap3A_332], %broadcast_in_dim3A_3 {strides = array<i32>} : memref<3072xf32, #tpu.memory_space<vmem>>, vector<16xf32>,
    %swap3A_334 = arith.constant 2496 : index
    %swap3A_335 = tpu.vector_load %arg11[%swap3A_334] {strides = array<i32>} : memref<3072xf32, #tpu.memory_space<vmem>>, vector<16xf32>,
    tpu.vector_store %arg11[%swap3A_334], %broadcast_in_dim3A_3 {strides = array<i32>} : memref<3072xf32, #tpu.memory_space<vmem>>, vector<16xf32>,
    %swap3A_336 = arith.constant 2512 : index
    %swap3A_337 = tpu.vector_load %arg11[%swap3A_336] {strides = array<i32>} : memref<3072xf32, #tpu.memory_space<vmem>>, vector<16xf32>,
    tpu.vector_store %arg11[%swap3A_336], %broadcast_in_dim3A_3 {strides = array<i32>} : memref<3072xf32, #tpu.memory_space<vmem>>, vector<16xf32>,
    %swap3A_338 = arith.constant 2528 : index
    %swap3A_339 = tpu.vector_load %arg11[%swap3A_338] {strides = array<i32>} : memref<3072xf32, #tpu.memory_space<vmem>>, vector<16xf32>,
    tpu.vector_store %arg11[%swap3A_338], %broadcast_in_dim3A_3 {strides = array<i32>} : memref<3072xf32, #tpu.memory_space<vmem>>, vector<16xf32>,
    %swap3A_340 = arith.constant 2544 : index
    %swap3A_341 = tpu.vector_load %arg11[%swap3A_340] {strides = array<i32>} : memref<3072xf32, #tpu.memory_space<vmem>>, vector<16xf32>,
    tpu.vector_store %arg11[%swap3A_340], %broadcast_in_dim3A_3 {strides = array<i32>} : memref<3072xf32, #tpu.memory_space<vmem>>, vector<16xf32>,
    %swap3A_342 = arith.constant 2560 : index
    %swap3A_343 = tpu.vector_load %arg11[%swap3A_342] {strides = array<i32>} : memref<3072xf32, #tpu.memory_space<vmem>>, vector<16xf32>,
    tpu.vector_store %arg11[%swap3A_342], %broadcast_in_dim3A_3 {strides = array<i32>} : memref<3072xf32, #tpu.memory_space<vmem>>, vector<16xf32>,
    %swap3A_344 = arith.constant 2576 : index
    %swap3A_345 = tpu.vector_load %arg11[%swap3A_344] {strides = array<i32>} : memref<3072xf32, #tpu.memory_space<vmem>>, vector<16xf32>,
    tpu.vector_store %arg11[%swap3A_344], %broadcast_in_dim3A_3 {strides = array<i32>} : memref<3072xf32, #tpu.memory_space<vmem>>, vector<16xf32>,
    %swap3A_346 = arith.constant 2592 : index
    %swap3A_347 = tpu.vector_load %arg11[%swap3A_346] {strides = array<i32>} : memref<3072xf32, #tpu.memory_space<vmem>>, vector<16xf32>,
    tpu.vector_store %arg11[%swap3A_346], %broadcast_in_dim3A_3 {strides = array<i32>} : memref<3072xf32, #tpu.memory_space<vmem>>, vector<16xf32>,
    %swap3A_348 = arith.constant 2608 : index
    %swap3A_349 = tpu.vector_load %arg11[%swap3A_348] {strides = array<i32>} : memref<3072xf32, #tpu.memory_space<vmem>>, vector<16xf32>,
    tpu.vector_store %arg11[%swap3A_348], %broadcast_in_dim3A_3 {strides = array<i32>} : memref<3072xf32, #tpu.memory_space<vmem>>, vector<16xf32>,
    %swap3A_350 = arith.constant 2624 : index
    %swap3A_351 = tpu.vector_load %arg11[%swap3A_350] {strides = array<i32>} : memref<3072xf32, #tpu.memory_space<vmem>>, vector<16xf32>,
    tpu.vector_store %arg11[%swap3A_350], %broadcast_in_dim3A_3 {strides = array<i32>} : memref<3072xf32, #tpu.memory_space<vmem>>, vector<16xf32>,
    %swap3A_352 = arith.constant 2640 : index
    %swap3A_353 = tpu.vector_load %arg11[%swap3A_352] {strides = array<i32>} : memref<3072xf32, #tpu.memory_space<vmem>>, vector<16xf32>,
    tpu.vector_store %arg11[%swap3A_352], %broadcast_in_dim3A_3 {strides = array<i32>} : memref<3072xf32, #tpu.memory_space<vmem>>, vector<16xf32>,
    %swap3A_354 = arith.constant 2656 : index
    %swap3A_355 = tpu.vector_load %arg11[%swap3A_354] {strides = array<i32>} : memref<3072xf32, #tpu.memory_space<vmem>>, vector<16xf32>,
    tpu.vector_store %arg11[%swap3A_354], %broadcast_in_dim3A_3 {strides = array<i32>} : memref<3072xf32, #tpu.memory_space<vmem>>, vector<16xf32>,
    %swap3A_356 = arith.constant 2672 : index
    %swap3A_357 = tpu.vector_load %arg11[%swap3A_356] {strides = array<i32>} : memref<3072xf32, #tpu.memory_space<vmem>>, vector<16xf32>,
    tpu.vector_store %arg11[%swap3A_356], %broadcast_in_dim3A_3 {strides = array<i32>} : memref<3072xf32, #tpu.memory_space<vmem>>, vector<16xf32>,
    %swap3A_358 = arith.constant 2688 : index
    %swap3A_359 = tpu.vector_load %arg11[%swap3A_358] {strides = array<i32>} : memref<3072xf32, #tpu.memory_space<vmem>>, vector<16xf32>,
    tpu.vector_store %arg11[%swap3A_358], %broadcast_in_dim3A_3 {strides = array<i32>} : memref<3072xf32, #tpu.memory_space<vmem>>, vector<16xf32>,
    %swap3A_360 = arith.constant 2704 : index
    %swap3A_361 = tpu.vector_load %arg11[%swap3A_360] {strides = array<i32>} : memref<3072xf32, #tpu.memory_space<vmem>>, vector<16xf32>,
    tpu.vector_store %arg11[%swap3A_360], %broadcast_in_dim3A_3 {strides = array<i32>} : memref<3072xf32, #tpu.memory_space<vmem>>, vector<16xf32>,
    %swap3A_362 = arith.constant 2720 : index
    %swap3A_363 = tpu.vector_load %arg11[%swap3A_362] {strides = array<i32>} : memref<3072xf32, #tpu.memory_space<vmem>>, vector<16xf32>,
    tpu.vector_store %arg11[%swap3A_362], %broadcast_in_dim3A_3 {strides = array<i32>} : memref<3072xf32, #tpu.memory_space<vmem>>, vector<16xf32>,
    %swap3A_364 = arith.constant 2736 : index
    %swap3A_365 = tpu.vector_load %arg11[%swap3A_364] {strides = array<i32>} : memref<3072xf32, #tpu.memory_space<vmem>>, vector<16xf32>,
    tpu.vector_store %arg11[%swap3A_364], %broadcast_in_dim3A_3 {strides = array<i32>} : memref<3072xf32, #tpu.memory_space<vmem>>, vector<16xf32>,
    %swap3A_366 = arith.constant 2752 : index
    %swap3A_367 = tpu.vector_load %arg11[%swap3A_366] {strides = array<i32>} : memref<3072xf32, #tpu.memory_space<vmem>>, vector<16xf32>,
    tpu.vector_store %arg11[%swap3A_366], %broadcast_in_dim3A_3 {strides = array<i32>} : memref<3072xf32, #tpu.memory_space<vmem>>, vector<16xf32>,
    %swap3A_368 = arith.constant 2768 : index
    %swap3A_369 = tpu.vector_load %arg11[%swap3A_368] {strides = array<i32>} : memref<3072xf32, #tpu.memory_space<vmem>>, vector<16xf32>,
    tpu.vector_store %arg11[%swap3A_368], %broadcast_in_dim3A_3 {strides = array<i32>} : memref<3072xf32, #tpu.memory_space<vmem>>, vector<16xf32>,
    %swap3A_370 = arith.constant 2784 : index
    %swap3A_371 = tpu.vector_load %arg11[%swap3A_370] {strides = array<i32>} : memref<3072xf32, #tpu.memory_space<vmem>>, vector<16xf32>,
    tpu.vector_store %arg11[%swap3A_370], %broadcast_in_dim3A_3 {strides = array<i32>} : memref<3072xf32, #tpu.memory_space<vmem>>, vector<16xf32>,
    %swap3A_372 = arith.constant 2800 : index
    %swap3A_373 = tpu.vector_load %arg11[%swap3A_372] {strides = array<i32>} : memref<3072xf32, #tpu.memory_space<vmem>>, vector<16xf32>,
    tpu.vector_store %arg11[%swap3A_372], %broadcast_in_dim3A_3 {strides = array<i32>} : memref<3072xf32, #tpu.memory_space<vmem>>, vector<16xf32>,
    %swap3A_374 = arith.constant 2816 : index
    %swap3A_375 = tpu.vector_load %arg11[%swap3A_374] {strides = array<i32>} : memref<3072xf32, #tpu.memory_space<vmem>>, vector<16xf32>,
    tpu.vector_store %arg11[%swap3A_374], %broadcast_in_dim3A_3 {strides = array<i32>} : memref<3072xf32, #tpu.memory_space<vmem>>, vector<16xf32>,
    %swap3A_376 = arith.constant 2832 : index
    %swap3A_377 = tpu.vector_load %arg11[%swap3A_376] {strides = array<i32>} : memref<3072xf32, #tpu.memory_space<vmem>>, vector<16xf32>,
    tpu.vector_store %arg11[%swap3A_376], %broadcast_in_dim3A_3 {strides = array<i32>} : memref<3072xf32, #tpu.memory_space<vmem>>, vector<16xf32>,
    %swap3A_378 = arith.constant 2848 : index
    %swap3A_379 = tpu.vector_load %arg11[%swap3A_378] {strides = array<i32>} : memref<3072xf32, #tpu.memory_space<vmem>>, vector<16xf32>,
    tpu.vector_store %arg11[%swap3A_378], %broadcast_in_dim3A_3 {strides = array<i32>} : memref<3072xf32, #tpu.memory_space<vmem>>, vector<16xf32>,
    %swap3A_380 = arith.constant 2864 : index
    %swap3A_381 = tpu.vector_load %arg11[%swap3A_380] {strides = array<i32>} : memref<3072xf32, #tpu.memory_space<vmem>>, vector<16xf32>,
    tpu.vector_store %arg11[%swap3A_380], %broadcast_in_dim3A_3 {strides = array<i32>} : memref<3072xf32, #tpu.memory_space<vmem>>, vector<16xf32>,
    %swap3A_382 = arith.constant 2880 : index
    %swap3A_383 = tpu.vector_load %arg11[%swap3A_382] {strides = array<i32>} : memref<3072xf32, #tpu.memory_space<vmem>>, vector<16xf32>,
    tpu.vector_store %arg11[%swap3A_382], %broadcast_in_dim3A_3 {strides = array<i32>} : memref<3072xf32, #tpu.memory_space<vmem>>, vector<16xf32>,
    %swap3A_384 = arith.constant 2896 : index
    %swap3A_385 = tpu.vector_load %arg11[%swap3A_384] {strides = array<i32>} : memref<3072xf32, #tpu.memory_space<vmem>>, vector<16xf32>,
    tpu.vector_store %arg11[%swap3A_384], %broadcast_in_dim3A_3 {strides = array<i32>} : memref<3072xf32, #tpu.memory_space<vmem>>, vector<16xf32>,
    %swap3A_386 = arith.constant 2912 : index
    %swap3A_387 = tpu.vector_load %arg11[%swap3A_386] {strides = array<i32>} : memref<3072xf32, #tpu.memory_space<vmem>>, vector<16xf32>,
    tpu.vector_store %arg11[%swap3A_386], %broadcast_in_dim3A_3 {strides = array<i32>} : memref<3072xf32, #tpu.memory_space<vmem>>, vector<16xf32>,
    %swap3A_388 = arith.constant 2928 : index
    %swap3A_389 = tpu.vector_load %arg11[%swap3A_388] {strides = array<i32>} : memref<3072xf32, #tpu.memory_space<vmem>>, vector<16xf32>,
    tpu.vector_store %arg11[%swap3A_388], %broadcast_in_dim3A_3 {strides = array<i32>} : memref<3072xf32, #tpu.memory_space<vmem>>, vector<16xf32>,
    %swap3A_390 = arith.constant 2944 : index
    %swap3A_391 = tpu.vector_load %arg11[%swap3A_390] {strides = array<i32>} : memref<3072xf32, #tpu.memory_space<vmem>>, vector<16xf32>,
    tpu.vector_store %arg11[%swap3A_390], %broadcast_in_dim3A_3 {strides = array<i32>} : memref<3072xf32, #tpu.memory_space<vmem>>, vector<16xf32>,
    %swap3A_392 = arith.constant 2960 : index
    %swap3A_393 = tpu.vector_load %arg11[%swap3A_392] {strides = array<i32>} : memref<3072xf32, #tpu.memory_space<vmem>>, vector<16xf32>,
    tpu.vector_store %arg11[%swap3A_392], %broadcast_in_dim3A_3 {strides = array<i32>} : memref<3072xf32, #tpu.memory_space<vmem>>, vector<16xf32>,
    %swap3A_394 = arith.constant 2976 : index
    %swap3A_395 = tpu.vector_load %arg11[%swap3A_394] {strides = array<i32>} : memref<3072xf32, #tpu.memory_space<vmem>>, vector<16xf32>,
    tpu.vector_store %arg11[%swap3A_394], %broadcast_in_dim3A_3 {strides = array<i32>} : memref<3072xf32, #tpu.memory_space<vmem>>, vector<16xf32>,
    %swap3A_396 = arith.constant 2992 : index
    %swap3A_397 = tpu.vector_load %arg11[%swap3A_396] {strides = array<i32>} : memref<3072xf32, #tpu.memory_space<vmem>>, vector<16xf32>,
    tpu.vector_store %arg11[%swap3A_396], %broadcast_in_dim3A_3 {strides = array<i32>} : memref<3072xf32, #tpu.memory_space<vmem>>, vector<16xf32>,
    %swap3A_398 = arith.constant 3008 : index
    %swap3A_399 = tpu.vector_load %arg11[%swap3A_398] {strides = array<i32>} : memref<3072xf32, #tpu.memory_space<vmem>>, vector<16xf32>,
    tpu.vector_store %arg11[%swap3A_398], %broadcast_in_dim3A_3 {strides = array<i32>} : memref<3072xf32, #tpu.memory_space<vmem>>, vector<16xf32>,
    %swap3A_400 = arith.constant 3024 : index
    %swap3A_401 = tpu.vector_load %arg11[%swap3A_400] {strides = array<i32>} : memref<3072xf32, #tpu.memory_space<vmem>>, vector<16xf32>,
    tpu.vector_store %arg11[%swap3A_400], %broadcast_in_dim3A_3 {strides = array<i32>} : memref<3072xf32, #tpu.memory_space<vmem>>, vector<16xf32>,
    %swap3A_402 = arith.constant 3040 : index
    %swap3A_403 = tpu.vector_load %arg11[%swap3A_402] {strides = array<i32>} : memref<3072xf32, #tpu.memory_space<vmem>>, vector<16xf32>,
    tpu.vector_store %arg11[%swap3A_402], %broadcast_in_dim3A_3 {strides = array<i32>} : memref<3072xf32, #tpu.memory_space<vmem>>, vector<16xf32>,
    %swap3A_404 = arith.constant 3056 : index
    %swap3A_405 = tpu.vector_load %arg11[%swap3A_404] {strides = array<i32>} : memref<3072xf32, #tpu.memory_space<vmem>>, vector<16xf32>,
    tpu.vector_store %arg11[%swap3A_404], %broadcast_in_dim3A_3 {strides = array<i32>} : memref<3072xf32, #tpu.memory_space<vmem>>, vector<16xf32>,
    %dma_wait3A = arith.constant 0 : i32
    %dma_wait3A_406 = tpu.memref_slice %arg3[%mul3A_5, %dma_wait3A] : memref<512x512xi32, #tpu.memory_space<hbm>> -> memref<16x512xi32, #tpu.memory_space<hbm>>
    %dma_wait3A_407 = arith.constant 0 : i32
    %dma_wait3A_408 = tpu.memref_slice %arg3[%mul3A_5, %dma_wait3A_407] : memref<512x512xi32, #tpu.memory_space<hbm>> -> memref<16x512xi32, #tpu.memory_space<hbm>>
    tpu.wait_dma2 semaphore(%arg14 : memref<!tpu.dma_semaphore, #tpu.memory_space<semaphore_mem>>) src(%dma_wait3A_408 : memref<16x512xi32, #tpu.memory_space<hbm>>) dst(%arg9 : memref<16x512xi32, #tpu.memory_space<vmem>>)
    %dma_wait3A_409 = arith.constant 0 : i32
    %dma_wait3A_410 = tpu.memref_slice %arg4[%mul3A_5, %dma_wait3A_409] : memref<512x512xi32, #tpu.memory_space<hbm>> -> memref<16x512xi32, #tpu.memory_space<hbm>>
    %dma_wait3A_411 = arith.constant 0 : i32
    %dma_wait3A_412 = tpu.memref_slice %arg4[%mul3A_5, %dma_wait3A_411] : memref<512x512xi32, #tpu.memory_space<hbm>> -> memref<16x512xi32, #tpu.memory_space<hbm>>
    tpu.wait_dma2 semaphore(%arg15 : memref<!tpu.dma_semaphore, #tpu.memory_space<semaphore_mem>>) src(%dma_wait3A_412 : memref<16x512xi32, #tpu.memory_space<hbm>>) dst(%arg10 : memref<16x512xi32, #tpu.memory_space<vmem>>)
    %scan3A_413 = arith.constant 0 : i32
    %scan3A_414 = arith.constant 0 : i32
    %scan3A_415 = arith.constant 16 : i32
    %scan3A_416 = arith.addi %scan3A_414, %scan3A_415 : i32
    %scan3A_417 = arith.constant 1 : i32
    %scan3A_418 = scf.for %scan3A_427 = %scan3A_414 to %scan3A_416 step %scan3A_417 iter_args(%scan3A_428 = %scan3A_413) -> (i32)  : i32 {
      %get3A = arith.index_cast %scan3A_427 : i32 to index
      %get3A_429 = arith.constant 0 : index
      %get3A_430 = tpu.vector_load %arg9[%get3A, %get3A_429] {strides = array<i32>} : memref<16x512xi32, #tpu.memory_space<vmem>>, vector<16xi32>,
      %get3A_431 = arith.index_cast %scan3A_427 : i32 to index
      %get3A_432 = arith.constant 0 : index
      %get3A_433 = tpu.vector_load %arg10[%get3A_431, %get3A_432] {strides = array<i32>} : memref<16x512xi32, #tpu.memory_space<vmem>>, vector<16xi32>,
      %gather3A = tpu.vector_load_idx %arg8[%get3A_430] : memref<4096xi32, #tpu.memory_space<vmem>>[vector<16xi32>], vector<16xi32>,
      %mul3A_434 = arith.constant 16 : i32
      %mul3A_435 = vector.broadcast %mul3A_434 : i32 to vector<16xi32>
      %mul3A_436 = arith.muli %get3A_433, %mul3A_435 : vector<16xi32>
      %add3A_437 = arith.addi %mul3A_436, %iota3A : vector<16xi32>
      tpu.vector_store_idx %arg11[%add3A_437], %broadcast_in_dim3A_1 {add = true} : memref<3072xf32, #tpu.memory_space<vmem>>[vector<16xi32>], vector<16xf32>,
      %add3A_438 = arith.constant 64 : i32
      %add3A_439 = vector.broadcast %add3A_438 : i32 to vector<16xi32>
      %add3A_440 = arith.addi %gather3A, %add3A_439 : vector<16xi32>
      %mul3A_441 = arith.constant 16 : i32
      %mul3A_442 = vector.broadcast %mul3A_441 : i32 to vector<16xi32>
      %mul3A_443 = arith.muli %add3A_440, %mul3A_442 : vector<16xi32>
      %add3A_444 = arith.addi %mul3A_443, %iota3A : vector<16xi32>
      tpu.vector_store_idx %arg11[%add3A_444], %broadcast_in_dim3A_1 {add = true} : memref<3072xf32, #tpu.memory_space<vmem>>[vector<16xi32>], vector<16xf32>,
      %add3A_445 = arith.constant 2048 : i32
      %add3A_446 = vector.broadcast %add3A_445 : i32 to vector<16xi32>
      %add3A_447 = arith.addi %add3A_437, %add3A_446 : vector<16xi32>
      %eq3A = arith.cmpi eq, %gather3A, %get3A_433 : vector<16xi32>
      tpu.vector_store_idx %arg11[%add3A_447], %broadcast_in_dim3A_1 masked %eq3A {add = true} : memref<3072xf32, #tpu.memory_space<vmem>>[vector<16xi32>], vector<16xf32>, vector<16xi1>
      %get3A_448 = arith.index_cast %scan3A_427 : i32 to index
      %get3A_449 = arith.constant 16 : index
      %get3A_450 = tpu.vector_load %arg9[%get3A_448, %get3A_449] {strides = array<i32>} : memref<16x512xi32, #tpu.memory_space<vmem>>, vector<16xi32>,
      %get3A_451 = arith.index_cast %scan3A_427 : i32 to index
      %get3A_452 = arith.constant 16 : index
      %get3A_453 = tpu.vector_load %arg10[%get3A_451, %get3A_452] {strides = array<i32>} : memref<16x512xi32, #tpu.memory_space<vmem>>, vector<16xi32>,
      %gather3A_454 = tpu.vector_load_idx %arg8[%get3A_450] : memref<4096xi32, #tpu.memory_space<vmem>>[vector<16xi32>], vector<16xi32>,
      %mul3A_455 = arith.constant 16 : i32
      %mul3A_456 = vector.broadcast %mul3A_455 : i32 to vector<16xi32>
      %mul3A_457 = arith.muli %get3A_453, %mul3A_456 : vector<16xi32>
      %add3A_458 = arith.addi %mul3A_457, %iota3A : vector<16xi32>
      tpu.vector_store_idx %arg11[%add3A_458], %broadcast_in_dim3A_1 {add = true} : memref<3072xf32, #tpu.memory_space<vmem>>[vector<16xi32>], vector<16xf32>,
      %add3A_459 = arith.constant 64 : i32
      %add3A_460 = vector.broadcast %add3A_459 : i32 to vector<16xi32>
      %add3A_461 = arith.addi %gather3A_454, %add3A_460 : vector<16xi32>
      %mul3A_462 = arith.constant 16 : i32
      %mul3A_463 = vector.broadcast %mul3A_462 : i32 to vector<16xi32>
      %mul3A_464 = arith.muli %add3A_461, %mul3A_463 : vector<16xi32>
      %add3A_465 = arith.addi %mul3A_464, %iota3A : vector<16xi32>
      tpu.vector_store_idx %arg11[%add3A_465], %broadcast_in_dim3A_1 {add = true} : memref<3072xf32, #tpu.memory_space<vmem>>[vector<16xi32>], vector<16xf32>,
      %add3A_466 = arith.constant 2048 : i32
      %add3A_467 = vector.broadcast %add3A_466 : i32 to vector<16xi32>
      %add3A_468 = arith.addi %add3A_458, %add3A_467 : vector<16xi32>
      %eq3A_469 = arith.cmpi eq, %gather3A_454, %get3A_453 : vector<16xi32>
      tpu.vector_store_idx %arg11[%add3A_468], %broadcast_in_dim3A_1 masked %eq3A_469 {add = true} : memref<3072xf32, #tpu.memory_space<vmem>>[vector<16xi32>], vector<16xf32>, vector<16xi1>
      %get3A_470 = arith.index_cast %scan3A_427 : i32 to index
      %get3A_471 = arith.constant 32 : index
      %get3A_472 = tpu.vector_load %arg9[%get3A_470, %get3A_471] {strides = array<i32>} : memref<16x512xi32, #tpu.memory_space<vmem>>, vector<16xi32>,
      %get3A_473 = arith.index_cast %scan3A_427 : i32 to index
      %get3A_474 = arith.constant 32 : index
      %get3A_475 = tpu.vector_load %arg10[%get3A_473, %get3A_474] {strides = array<i32>} : memref<16x512xi32, #tpu.memory_space<vmem>>, vector<16xi32>,
      %gather3A_476 = tpu.vector_load_idx %arg8[%get3A_472] : memref<4096xi32, #tpu.memory_space<vmem>>[vector<16xi32>], vector<16xi32>,
      %mul3A_477 = arith.constant 16 : i32
      %mul3A_478 = vector.broadcast %mul3A_477 : i32 to vector<16xi32>
      %mul3A_479 = arith.muli %get3A_475, %mul3A_478 : vector<16xi32>
      %add3A_480 = arith.addi %mul3A_479, %iota3A : vector<16xi32>
      tpu.vector_store_idx %arg11[%add3A_480], %broadcast_in_dim3A_1 {add = true} : memref<3072xf32, #tpu.memory_space<vmem>>[vector<16xi32>], vector<16xf32>,
      %add3A_481 = arith.constant 64 : i32
      %add3A_482 = vector.broadcast %add3A_481 : i32 to vector<16xi32>
      %add3A_483 = arith.addi %gather3A_476, %add3A_482 : vector<16xi32>
      %mul3A_484 = arith.constant 16 : i32
      %mul3A_485 = vector.broadcast %mul3A_484 : i32 to vector<16xi32>
      %mul3A_486 = arith.muli %add3A_483, %mul3A_485 : vector<16xi32>
      %add3A_487 = arith.addi %mul3A_486, %iota3A : vector<16xi32>
      tpu.vector_store_idx %arg11[%add3A_487], %broadcast_in_dim3A_1 {add = true} : memref<3072xf32, #tpu.memory_space<vmem>>[vector<16xi32>], vector<16xf32>,
      %add3A_488 = arith.constant 2048 : i32
      %add3A_489 = vector.broadcast %add3A_488 : i32 to vector<16xi32>
      %add3A_490 = arith.addi %add3A_480, %add3A_489 : vector<16xi32>
      %eq3A_491 = arith.cmpi eq, %gather3A_476, %get3A_475 : vector<16xi32>
      tpu.vector_store_idx %arg11[%add3A_490], %broadcast_in_dim3A_1 masked %eq3A_491 {add = true} : memref<3072xf32, #tpu.memory_space<vmem>>[vector<16xi32>], vector<16xf32>, vector<16xi1>
      %get3A_492 = arith.index_cast %scan3A_427 : i32 to index
      %get3A_493 = arith.constant 48 : index
      %get3A_494 = tpu.vector_load %arg9[%get3A_492, %get3A_493] {strides = array<i32>} : memref<16x512xi32, #tpu.memory_space<vmem>>, vector<16xi32>,
      %get3A_495 = arith.index_cast %scan3A_427 : i32 to index
      %get3A_496 = arith.constant 48 : index
      %get3A_497 = tpu.vector_load %arg10[%get3A_495, %get3A_496] {strides = array<i32>} : memref<16x512xi32, #tpu.memory_space<vmem>>, vector<16xi32>,
      %gather3A_498 = tpu.vector_load_idx %arg8[%get3A_494] : memref<4096xi32, #tpu.memory_space<vmem>>[vector<16xi32>], vector<16xi32>,
      %mul3A_499 = arith.constant 16 : i32
      %mul3A_500 = vector.broadcast %mul3A_499 : i32 to vector<16xi32>
      %mul3A_501 = arith.muli %get3A_497, %mul3A_500 : vector<16xi32>
      %add3A_502 = arith.addi %mul3A_501, %iota3A : vector<16xi32>
      tpu.vector_store_idx %arg11[%add3A_502], %broadcast_in_dim3A_1 {add = true} : memref<3072xf32, #tpu.memory_space<vmem>>[vector<16xi32>], vector<16xf32>,
      %add3A_503 = arith.constant 64 : i32
      %add3A_504 = vector.broadcast %add3A_503 : i32 to vector<16xi32>
      %add3A_505 = arith.addi %gather3A_498, %add3A_504 : vector<16xi32>
      %mul3A_506 = arith.constant 16 : i32
      %mul3A_507 = vector.broadcast %mul3A_506 : i32 to vector<16xi32>
      %mul3A_508 = arith.muli %add3A_505, %mul3A_507 : vector<16xi32>
      %add3A_509 = arith.addi %mul3A_508, %iota3A : vector<16xi32>
      tpu.vector_store_idx %arg11[%add3A_509], %broadcast_in_dim3A_1 {add = true} : memref<3072xf32, #tpu.memory_space<vmem>>[vector<16xi32>], vector<16xf32>,
      %add3A_510 = arith.constant 2048 : i32
      %add3A_511 = vector.broadcast %add3A_510 : i32 to vector<16xi32>
      %add3A_512 = arith.addi %add3A_502, %add3A_511 : vector<16xi32>
      %eq3A_513 = arith.cmpi eq, %gather3A_498, %get3A_497 : vector<16xi32>
      tpu.vector_store_idx %arg11[%add3A_512], %broadcast_in_dim3A_1 masked %eq3A_513 {add = true} : memref<3072xf32, #tpu.memory_space<vmem>>[vector<16xi32>], vector<16xf32>, vector<16xi1>
      %get3A_514 = arith.index_cast %scan3A_427 : i32 to index
      %get3A_515 = arith.constant 64 : index
      %get3A_516 = tpu.vector_load %arg9[%get3A_514, %get3A_515] {strides = array<i32>} : memref<16x512xi32, #tpu.memory_space<vmem>>, vector<16xi32>,
      %get3A_517 = arith.index_cast %scan3A_427 : i32 to index
      %get3A_518 = arith.constant 64 : index
      %get3A_519 = tpu.vector_load %arg10[%get3A_517, %get3A_518] {strides = array<i32>} : memref<16x512xi32, #tpu.memory_space<vmem>>, vector<16xi32>,
      %gather3A_520 = tpu.vector_load_idx %arg8[%get3A_516] : memref<4096xi32, #tpu.memory_space<vmem>>[vector<16xi32>], vector<16xi32>,
      %mul3A_521 = arith.constant 16 : i32
      %mul3A_522 = vector.broadcast %mul3A_521 : i32 to vector<16xi32>
      %mul3A_523 = arith.muli %get3A_519, %mul3A_522 : vector<16xi32>
      %add3A_524 = arith.addi %mul3A_523, %iota3A : vector<16xi32>
      tpu.vector_store_idx %arg11[%add3A_524], %broadcast_in_dim3A_1 {add = true} : memref<3072xf32, #tpu.memory_space<vmem>>[vector<16xi32>], vector<16xf32>,
      %add3A_525 = arith.constant 64 : i32
      %add3A_526 = vector.broadcast %add3A_525 : i32 to vector<16xi32>
      %add3A_527 = arith.addi %gather3A_520, %add3A_526 : vector<16xi32>
      %mul3A_528 = arith.constant 16 : i32
      %mul3A_529 = vector.broadcast %mul3A_528 : i32 to vector<16xi32>
      %mul3A_530 = arith.muli %add3A_527, %mul3A_529 : vector<16xi32>
      %add3A_531 = arith.addi %mul3A_530, %iota3A : vector<16xi32>
      tpu.vector_store_idx %arg11[%add3A_531], %broadcast_in_dim3A_1 {add = true} : memref<3072xf32, #tpu.memory_space<vmem>>[vector<16xi32>], vector<16xf32>,
      %add3A_532 = arith.constant 2048 : i32
      %add3A_533 = vector.broadcast %add3A_532 : i32 to vector<16xi32>
      %add3A_534 = arith.addi %add3A_524, %add3A_533 : vector<16xi32>
      %eq3A_535 = arith.cmpi eq, %gather3A_520, %get3A_519 : vector<16xi32>
      tpu.vector_store_idx %arg11[%add3A_534], %broadcast_in_dim3A_1 masked %eq3A_535 {add = true} : memref<3072xf32, #tpu.memory_space<vmem>>[vector<16xi32>], vector<16xf32>, vector<16xi1>
      %get3A_536 = arith.index_cast %scan3A_427 : i32 to index
      %get3A_537 = arith.constant 80 : index
      %get3A_538 = tpu.vector_load %arg9[%get3A_536, %get3A_537] {strides = array<i32>} : memref<16x512xi32, #tpu.memory_space<vmem>>, vector<16xi32>,
      %get3A_539 = arith.index_cast %scan3A_427 : i32 to index
      %get3A_540 = arith.constant 80 : index
      %get3A_541 = tpu.vector_load %arg10[%get3A_539, %get3A_540] {strides = array<i32>} : memref<16x512xi32, #tpu.memory_space<vmem>>, vector<16xi32>,
      %gather3A_542 = tpu.vector_load_idx %arg8[%get3A_538] : memref<4096xi32, #tpu.memory_space<vmem>>[vector<16xi32>], vector<16xi32>,
      %mul3A_543 = arith.constant 16 : i32
      %mul3A_544 = vector.broadcast %mul3A_543 : i32 to vector<16xi32>
      %mul3A_545 = arith.muli %get3A_541, %mul3A_544 : vector<16xi32>
      %add3A_546 = arith.addi %mul3A_545, %iota3A : vector<16xi32>
      tpu.vector_store_idx %arg11[%add3A_546], %broadcast_in_dim3A_1 {add = true} : memref<3072xf32, #tpu.memory_space<vmem>>[vector<16xi32>], vector<16xf32>,
      %add3A_547 = arith.constant 64 : i32
      %add3A_548 = vector.broadcast %add3A_547 : i32 to vector<16xi32>
      %add3A_549 = arith.addi %gather3A_542, %add3A_548 : vector<16xi32>
      %mul3A_550 = arith.constant 16 : i32
      %mul3A_551 = vector.broadcast %mul3A_550 : i32 to vector<16xi32>
      %mul3A_552 = arith.muli %add3A_549, %mul3A_551 : vector<16xi32>
      %add3A_553 = arith.addi %mul3A_552, %iota3A : vector<16xi32>
      tpu.vector_store_idx %arg11[%add3A_553], %broadcast_in_dim3A_1 {add = true} : memref<3072xf32, #tpu.memory_space<vmem>>[vector<16xi32>], vector<16xf32>,
      %add3A_554 = arith.constant 2048 : i32
      %add3A_555 = vector.broadcast %add3A_554 : i32 to vector<16xi32>
      %add3A_556 = arith.addi %add3A_546, %add3A_555 : vector<16xi32>
      %eq3A_557 = arith.cmpi eq, %gather3A_542, %get3A_541 : vector<16xi32>
      tpu.vector_store_idx %arg11[%add3A_556], %broadcast_in_dim3A_1 masked %eq3A_557 {add = true} : memref<3072xf32, #tpu.memory_space<vmem>>[vector<16xi32>], vector<16xf32>, vector<16xi1>
      %get3A_558 = arith.index_cast %scan3A_427 : i32 to index
      %get3A_559 = arith.constant 96 : index
      %get3A_560 = tpu.vector_load %arg9[%get3A_558, %get3A_559] {strides = array<i32>} : memref<16x512xi32, #tpu.memory_space<vmem>>, vector<16xi32>,
      %get3A_561 = arith.index_cast %scan3A_427 : i32 to index
      %get3A_562 = arith.constant 96 : index
      %get3A_563 = tpu.vector_load %arg10[%get3A_561, %get3A_562] {strides = array<i32>} : memref<16x512xi32, #tpu.memory_space<vmem>>, vector<16xi32>,
      %gather3A_564 = tpu.vector_load_idx %arg8[%get3A_560] : memref<4096xi32, #tpu.memory_space<vmem>>[vector<16xi32>], vector<16xi32>,
      %mul3A_565 = arith.constant 16 : i32
      %mul3A_566 = vector.broadcast %mul3A_565 : i32 to vector<16xi32>
      %mul3A_567 = arith.muli %get3A_563, %mul3A_566 : vector<16xi32>
      %add3A_568 = arith.addi %mul3A_567, %iota3A : vector<16xi32>
      tpu.vector_store_idx %arg11[%add3A_568], %broadcast_in_dim3A_1 {add = true} : memref<3072xf32, #tpu.memory_space<vmem>>[vector<16xi32>], vector<16xf32>,
      %add3A_569 = arith.constant 64 : i32
      %add3A_570 = vector.broadcast %add3A_569 : i32 to vector<16xi32>
      %add3A_571 = arith.addi %gather3A_564, %add3A_570 : vector<16xi32>
      %mul3A_572 = arith.constant 16 : i32
      %mul3A_573 = vector.broadcast %mul3A_572 : i32 to vector<16xi32>
      %mul3A_574 = arith.muli %add3A_571, %mul3A_573 : vector<16xi32>
      %add3A_575 = arith.addi %mul3A_574, %iota3A : vector<16xi32>
      tpu.vector_store_idx %arg11[%add3A_575], %broadcast_in_dim3A_1 {add = true} : memref<3072xf32, #tpu.memory_space<vmem>>[vector<16xi32>], vector<16xf32>,
      %add3A_576 = arith.constant 2048 : i32
      %add3A_577 = vector.broadcast %add3A_576 : i32 to vector<16xi32>
      %add3A_578 = arith.addi %add3A_568, %add3A_577 : vector<16xi32>
      %eq3A_579 = arith.cmpi eq, %gather3A_564, %get3A_563 : vector<16xi32>
      tpu.vector_store_idx %arg11[%add3A_578], %broadcast_in_dim3A_1 masked %eq3A_579 {add = true} : memref<3072xf32, #tpu.memory_space<vmem>>[vector<16xi32>], vector<16xf32>, vector<16xi1>
      %get3A_580 = arith.index_cast %scan3A_427 : i32 to index
      %get3A_581 = arith.constant 112 : index
      %get3A_582 = tpu.vector_load %arg9[%get3A_580, %get3A_581] {strides = array<i32>} : memref<16x512xi32, #tpu.memory_space<vmem>>, vector<16xi32>,
      %get3A_583 = arith.index_cast %scan3A_427 : i32 to index
      %get3A_584 = arith.constant 112 : index
      %get3A_585 = tpu.vector_load %arg10[%get3A_583, %get3A_584] {strides = array<i32>} : memref<16x512xi32, #tpu.memory_space<vmem>>, vector<16xi32>,
      %gather3A_586 = tpu.vector_load_idx %arg8[%get3A_582] : memref<4096xi32, #tpu.memory_space<vmem>>[vector<16xi32>], vector<16xi32>,
      %mul3A_587 = arith.constant 16 : i32
      %mul3A_588 = vector.broadcast %mul3A_587 : i32 to vector<16xi32>
      %mul3A_589 = arith.muli %get3A_585, %mul3A_588 : vector<16xi32>
      %add3A_590 = arith.addi %mul3A_589, %iota3A : vector<16xi32>
      tpu.vector_store_idx %arg11[%add3A_590], %broadcast_in_dim3A_1 {add = true} : memref<3072xf32, #tpu.memory_space<vmem>>[vector<16xi32>], vector<16xf32>,
      %add3A_591 = arith.constant 64 : i32
      %add3A_592 = vector.broadcast %add3A_591 : i32 to vector<16xi32>
      %add3A_593 = arith.addi %gather3A_586, %add3A_592 : vector<16xi32>
      %mul3A_594 = arith.constant 16 : i32
      %mul3A_595 = vector.broadcast %mul3A_594 : i32 to vector<16xi32>
      %mul3A_596 = arith.muli %add3A_593, %mul3A_595 : vector<16xi32>
      %add3A_597 = arith.addi %mul3A_596, %iota3A : vector<16xi32>
      tpu.vector_store_idx %arg11[%add3A_597], %broadcast_in_dim3A_1 {add = true} : memref<3072xf32, #tpu.memory_space<vmem>>[vector<16xi32>], vector<16xf32>,
      %add3A_598 = arith.constant 2048 : i32
      %add3A_599 = vector.broadcast %add3A_598 : i32 to vector<16xi32>
      %add3A_600 = arith.addi %add3A_590, %add3A_599 : vector<16xi32>
      %eq3A_601 = arith.cmpi eq, %gather3A_586, %get3A_585 : vector<16xi32>
      tpu.vector_store_idx %arg11[%add3A_600], %broadcast_in_dim3A_1 masked %eq3A_601 {add = true} : memref<3072xf32, #tpu.memory_space<vmem>>[vector<16xi32>], vector<16xf32>, vector<16xi1>
      %get3A_602 = arith.index_cast %scan3A_427 : i32 to index
      %get3A_603 = arith.constant 128 : index
      %get3A_604 = tpu.vector_load %arg9[%get3A_602, %get3A_603] {strides = array<i32>} : memref<16x512xi32, #tpu.memory_space<vmem>>, vector<16xi32>,
      %get3A_605 = arith.index_cast %scan3A_427 : i32 to index
      %get3A_606 = arith.constant 128 : index
      %get3A_607 = tpu.vector_load %arg10[%get3A_605, %get3A_606] {strides = array<i32>} : memref<16x512xi32, #tpu.memory_space<vmem>>, vector<16xi32>,
      %gather3A_608 = tpu.vector_load_idx %arg8[%get3A_604] : memref<4096xi32, #tpu.memory_space<vmem>>[vector<16xi32>], vector<16xi32>,
      %mul3A_609 = arith.constant 16 : i32
      %mul3A_610 = vector.broadcast %mul3A_609 : i32 to vector<16xi32>
      %mul3A_611 = arith.muli %get3A_607, %mul3A_610 : vector<16xi32>
      %add3A_612 = arith.addi %mul3A_611, %iota3A : vector<16xi32>
      tpu.vector_store_idx %arg11[%add3A_612], %broadcast_in_dim3A_1 {add = true} : memref<3072xf32, #tpu.memory_space<vmem>>[vector<16xi32>], vector<16xf32>,
      %add3A_613 = arith.constant 64 : i32
      %add3A_614 = vector.broadcast %add3A_613 : i32 to vector<16xi32>
      %add3A_615 = arith.addi %gather3A_608, %add3A_614 : vector<16xi32>
      %mul3A_616 = arith.constant 16 : i32
      %mul3A_617 = vector.broadcast %mul3A_616 : i32 to vector<16xi32>
      %mul3A_618 = arith.muli %add3A_615, %mul3A_617 : vector<16xi32>
      %add3A_619 = arith.addi %mul3A_618, %iota3A : vector<16xi32>
      tpu.vector_store_idx %arg11[%add3A_619], %broadcast_in_dim3A_1 {add = true} : memref<3072xf32, #tpu.memory_space<vmem>>[vector<16xi32>], vector<16xf32>,
      %add3A_620 = arith.constant 2048 : i32
      %add3A_621 = vector.broadcast %add3A_620 : i32 to vector<16xi32>
      %add3A_622 = arith.addi %add3A_612, %add3A_621 : vector<16xi32>
      %eq3A_623 = arith.cmpi eq, %gather3A_608, %get3A_607 : vector<16xi32>
      tpu.vector_store_idx %arg11[%add3A_622], %broadcast_in_dim3A_1 masked %eq3A_623 {add = true} : memref<3072xf32, #tpu.memory_space<vmem>>[vector<16xi32>], vector<16xf32>, vector<16xi1>
      %get3A_624 = arith.index_cast %scan3A_427 : i32 to index
      %get3A_625 = arith.constant 144 : index
      %get3A_626 = tpu.vector_load %arg9[%get3A_624, %get3A_625] {strides = array<i32>} : memref<16x512xi32, #tpu.memory_space<vmem>>, vector<16xi32>,
      %get3A_627 = arith.index_cast %scan3A_427 : i32 to index
      %get3A_628 = arith.constant 144 : index
      %get3A_629 = tpu.vector_load %arg10[%get3A_627, %get3A_628] {strides = array<i32>} : memref<16x512xi32, #tpu.memory_space<vmem>>, vector<16xi32>,
      %gather3A_630 = tpu.vector_load_idx %arg8[%get3A_626] : memref<4096xi32, #tpu.memory_space<vmem>>[vector<16xi32>], vector<16xi32>,
      %mul3A_631 = arith.constant 16 : i32
      %mul3A_632 = vector.broadcast %mul3A_631 : i32 to vector<16xi32>
      %mul3A_633 = arith.muli %get3A_629, %mul3A_632 : vector<16xi32>
      %add3A_634 = arith.addi %mul3A_633, %iota3A : vector<16xi32>
      tpu.vector_store_idx %arg11[%add3A_634], %broadcast_in_dim3A_1 {add = true} : memref<3072xf32, #tpu.memory_space<vmem>>[vector<16xi32>], vector<16xf32>,
      %add3A_635 = arith.constant 64 : i32
      %add3A_636 = vector.broadcast %add3A_635 : i32 to vector<16xi32>
      %add3A_637 = arith.addi %gather3A_630, %add3A_636 : vector<16xi32>
      %mul3A_638 = arith.constant 16 : i32
      %mul3A_639 = vector.broadcast %mul3A_638 : i32 to vector<16xi32>
      %mul3A_640 = arith.muli %add3A_637, %mul3A_639 : vector<16xi32>
      %add3A_641 = arith.addi %mul3A_640, %iota3A : vector<16xi32>
      tpu.vector_store_idx %arg11[%add3A_641], %broadcast_in_dim3A_1 {add = true} : memref<3072xf32, #tpu.memory_space<vmem>>[vector<16xi32>], vector<16xf32>,
      %add3A_642 = arith.constant 2048 : i32
      %add3A_643 = vector.broadcast %add3A_642 : i32 to vector<16xi32>
      %add3A_644 = arith.addi %add3A_634, %add3A_643 : vector<16xi32>
      %eq3A_645 = arith.cmpi eq, %gather3A_630, %get3A_629 : vector<16xi32>
      tpu.vector_store_idx %arg11[%add3A_644], %broadcast_in_dim3A_1 masked %eq3A_645 {add = true} : memref<3072xf32, #tpu.memory_space<vmem>>[vector<16xi32>], vector<16xf32>, vector<16xi1>
      %get3A_646 = arith.index_cast %scan3A_427 : i32 to index
      %get3A_647 = arith.constant 160 : index
      %get3A_648 = tpu.vector_load %arg9[%get3A_646, %get3A_647] {strides = array<i32>} : memref<16x512xi32, #tpu.memory_space<vmem>>, vector<16xi32>,
      %get3A_649 = arith.index_cast %scan3A_427 : i32 to index
      %get3A_650 = arith.constant 160 : index
      %get3A_651 = tpu.vector_load %arg10[%get3A_649, %get3A_650] {strides = array<i32>} : memref<16x512xi32, #tpu.memory_space<vmem>>, vector<16xi32>,
      %gather3A_652 = tpu.vector_load_idx %arg8[%get3A_648] : memref<4096xi32, #tpu.memory_space<vmem>>[vector<16xi32>], vector<16xi32>,
      %mul3A_653 = arith.constant 16 : i32
      %mul3A_654 = vector.broadcast %mul3A_653 : i32 to vector<16xi32>
      %mul3A_655 = arith.muli %get3A_651, %mul3A_654 : vector<16xi32>
      %add3A_656 = arith.addi %mul3A_655, %iota3A : vector<16xi32>
      tpu.vector_store_idx %arg11[%add3A_656], %broadcast_in_dim3A_1 {add = true} : memref<3072xf32, #tpu.memory_space<vmem>>[vector<16xi32>], vector<16xf32>,
      %add3A_657 = arith.constant 64 : i32
      %add3A_658 = vector.broadcast %add3A_657 : i32 to vector<16xi32>
      %add3A_659 = arith.addi %gather3A_652, %add3A_658 : vector<16xi32>
      %mul3A_660 = arith.constant 16 : i32
      %mul3A_661 = vector.broadcast %mul3A_660 : i32 to vector<16xi32>
      %mul3A_662 = arith.muli %add3A_659, %mul3A_661 : vector<16xi32>
      %add3A_663 = arith.addi %mul3A_662, %iota3A : vector<16xi32>
      tpu.vector_store_idx %arg11[%add3A_663], %broadcast_in_dim3A_1 {add = true} : memref<3072xf32, #tpu.memory_space<vmem>>[vector<16xi32>], vector<16xf32>,
      %add3A_664 = arith.constant 2048 : i32
      %add3A_665 = vector.broadcast %add3A_664 : i32 to vector<16xi32>
      %add3A_666 = arith.addi %add3A_656, %add3A_665 : vector<16xi32>
      %eq3A_667 = arith.cmpi eq, %gather3A_652, %get3A_651 : vector<16xi32>
      tpu.vector_store_idx %arg11[%add3A_666], %broadcast_in_dim3A_1 masked %eq3A_667 {add = true} : memref<3072xf32, #tpu.memory_space<vmem>>[vector<16xi32>], vector<16xf32>, vector<16xi1>
      %get3A_668 = arith.index_cast %scan3A_427 : i32 to index
      %get3A_669 = arith.constant 176 : index
      %get3A_670 = tpu.vector_load %arg9[%get3A_668, %get3A_669] {strides = array<i32>} : memref<16x512xi32, #tpu.memory_space<vmem>>, vector<16xi32>,
      %get3A_671 = arith.index_cast %scan3A_427 : i32 to index
      %get3A_672 = arith.constant 176 : index
      %get3A_673 = tpu.vector_load %arg10[%get3A_671, %get3A_672] {strides = array<i32>} : memref<16x512xi32, #tpu.memory_space<vmem>>, vector<16xi32>,
      %gather3A_674 = tpu.vector_load_idx %arg8[%get3A_670] : memref<4096xi32, #tpu.memory_space<vmem>>[vector<16xi32>], vector<16xi32>,
      %mul3A_675 = arith.constant 16 : i32
      %mul3A_676 = vector.broadcast %mul3A_675 : i32 to vector<16xi32>
      %mul3A_677 = arith.muli %get3A_673, %mul3A_676 : vector<16xi32>
      %add3A_678 = arith.addi %mul3A_677, %iota3A : vector<16xi32>
      tpu.vector_store_idx %arg11[%add3A_678], %broadcast_in_dim3A_1 {add = true} : memref<3072xf32, #tpu.memory_space<vmem>>[vector<16xi32>], vector<16xf32>,
      %add3A_679 = arith.constant 64 : i32
      %add3A_680 = vector.broadcast %add3A_679 : i32 to vector<16xi32>
      %add3A_681 = arith.addi %gather3A_674, %add3A_680 : vector<16xi32>
      %mul3A_682 = arith.constant 16 : i32
      %mul3A_683 = vector.broadcast %mul3A_682 : i32 to vector<16xi32>
      %mul3A_684 = arith.muli %add3A_681, %mul3A_683 : vector<16xi32>
      %add3A_685 = arith.addi %mul3A_684, %iota3A : vector<16xi32>
      tpu.vector_store_idx %arg11[%add3A_685], %broadcast_in_dim3A_1 {add = true} : memref<3072xf32, #tpu.memory_space<vmem>>[vector<16xi32>], vector<16xf32>,
      %add3A_686 = arith.constant 2048 : i32
      %add3A_687 = vector.broadcast %add3A_686 : i32 to vector<16xi32>
      %add3A_688 = arith.addi %add3A_678, %add3A_687 : vector<16xi32>
      %eq3A_689 = arith.cmpi eq, %gather3A_674, %get3A_673 : vector<16xi32>
      tpu.vector_store_idx %arg11[%add3A_688], %broadcast_in_dim3A_1 masked %eq3A_689 {add = true} : memref<3072xf32, #tpu.memory_space<vmem>>[vector<16xi32>], vector<16xf32>, vector<16xi1>
      %get3A_690 = arith.index_cast %scan3A_427 : i32 to index
      %get3A_691 = arith.constant 192 : index
      %get3A_692 = tpu.vector_load %arg9[%get3A_690, %get3A_691] {strides = array<i32>} : memref<16x512xi32, #tpu.memory_space<vmem>>, vector<16xi32>,
      %get3A_693 = arith.index_cast %scan3A_427 : i32 to index
      %get3A_694 = arith.constant 192 : index
      %get3A_695 = tpu.vector_load %arg10[%get3A_693, %get3A_694] {strides = array<i32>} : memref<16x512xi32, #tpu.memory_space<vmem>>, vector<16xi32>,
      %gather3A_696 = tpu.vector_load_idx %arg8[%get3A_692] : memref<4096xi32, #tpu.memory_space<vmem>>[vector<16xi32>], vector<16xi32>,
      %mul3A_697 = arith.constant 16 : i32
      %mul3A_698 = vector.broadcast %mul3A_697 : i32 to vector<16xi32>
      %mul3A_699 = arith.muli %get3A_695, %mul3A_698 : vector<16xi32>
      %add3A_700 = arith.addi %mul3A_699, %iota3A : vector<16xi32>
      tpu.vector_store_idx %arg11[%add3A_700], %broadcast_in_dim3A_1 {add = true} : memref<3072xf32, #tpu.memory_space<vmem>>[vector<16xi32>], vector<16xf32>,
      %add3A_701 = arith.constant 64 : i32
      %add3A_702 = vector.broadcast %add3A_701 : i32 to vector<16xi32>
      %add3A_703 = arith.addi %gather3A_696, %add3A_702 : vector<16xi32>
      %mul3A_704 = arith.constant 16 : i32
      %mul3A_705 = vector.broadcast %mul3A_704 : i32 to vector<16xi32>
      %mul3A_706 = arith.muli %add3A_703, %mul3A_705 : vector<16xi32>
      %add3A_707 = arith.addi %mul3A_706, %iota3A : vector<16xi32>
      tpu.vector_store_idx %arg11[%add3A_707], %broadcast_in_dim3A_1 {add = true} : memref<3072xf32, #tpu.memory_space<vmem>>[vector<16xi32>], vector<16xf32>,
      %add3A_708 = arith.constant 2048 : i32
      %add3A_709 = vector.broadcast %add3A_708 : i32 to vector<16xi32>
      %add3A_710 = arith.addi %add3A_700, %add3A_709 : vector<16xi32>
      %eq3A_711 = arith.cmpi eq, %gather3A_696, %get3A_695 : vector<16xi32>
      tpu.vector_store_idx %arg11[%add3A_710], %broadcast_in_dim3A_1 masked %eq3A_711 {add = true} : memref<3072xf32, #tpu.memory_space<vmem>>[vector<16xi32>], vector<16xf32>, vector<16xi1>
      %get3A_712 = arith.index_cast %scan3A_427 : i32 to index
      %get3A_713 = arith.constant 208 : index
      %get3A_714 = tpu.vector_load %arg9[%get3A_712, %get3A_713] {strides = array<i32>} : memref<16x512xi32, #tpu.memory_space<vmem>>, vector<16xi32>,
      %get3A_715 = arith.index_cast %scan3A_427 : i32 to index
      %get3A_716 = arith.constant 208 : index
      %get3A_717 = tpu.vector_load %arg10[%get3A_715, %get3A_716] {strides = array<i32>} : memref<16x512xi32, #tpu.memory_space<vmem>>, vector<16xi32>,
      %gather3A_718 = tpu.vector_load_idx %arg8[%get3A_714] : memref<4096xi32, #tpu.memory_space<vmem>>[vector<16xi32>], vector<16xi32>,
      %mul3A_719 = arith.constant 16 : i32
      %mul3A_720 = vector.broadcast %mul3A_719 : i32 to vector<16xi32>
      %mul3A_721 = arith.muli %get3A_717, %mul3A_720 : vector<16xi32>
      %add3A_722 = arith.addi %mul3A_721, %iota3A : vector<16xi32>
      tpu.vector_store_idx %arg11[%add3A_722], %broadcast_in_dim3A_1 {add = true} : memref<3072xf32, #tpu.memory_space<vmem>>[vector<16xi32>], vector<16xf32>,
      %add3A_723 = arith.constant 64 : i32
      %add3A_724 = vector.broadcast %add3A_723 : i32 to vector<16xi32>
      %add3A_725 = arith.addi %gather3A_718, %add3A_724 : vector<16xi32>
      %mul3A_726 = arith.constant 16 : i32
      %mul3A_727 = vector.broadcast %mul3A_726 : i32 to vector<16xi32>
      %mul3A_728 = arith.muli %add3A_725, %mul3A_727 : vector<16xi32>
      %add3A_729 = arith.addi %mul3A_728, %iota3A : vector<16xi32>
      tpu.vector_store_idx %arg11[%add3A_729], %broadcast_in_dim3A_1 {add = true} : memref<3072xf32, #tpu.memory_space<vmem>>[vector<16xi32>], vector<16xf32>,
      %add3A_730 = arith.constant 2048 : i32
      %add3A_731 = vector.broadcast %add3A_730 : i32 to vector<16xi32>
      %add3A_732 = arith.addi %add3A_722, %add3A_731 : vector<16xi32>
      %eq3A_733 = arith.cmpi eq, %gather3A_718, %get3A_717 : vector<16xi32>
      tpu.vector_store_idx %arg11[%add3A_732], %broadcast_in_dim3A_1 masked %eq3A_733 {add = true} : memref<3072xf32, #tpu.memory_space<vmem>>[vector<16xi32>], vector<16xf32>, vector<16xi1>
      %get3A_734 = arith.index_cast %scan3A_427 : i32 to index
      %get3A_735 = arith.constant 224 : index
      %get3A_736 = tpu.vector_load %arg9[%get3A_734, %get3A_735] {strides = array<i32>} : memref<16x512xi32, #tpu.memory_space<vmem>>, vector<16xi32>,
      %get3A_737 = arith.index_cast %scan3A_427 : i32 to index
      %get3A_738 = arith.constant 224 : index
      %get3A_739 = tpu.vector_load %arg10[%get3A_737, %get3A_738] {strides = array<i32>} : memref<16x512xi32, #tpu.memory_space<vmem>>, vector<16xi32>,
      %gather3A_740 = tpu.vector_load_idx %arg8[%get3A_736] : memref<4096xi32, #tpu.memory_space<vmem>>[vector<16xi32>], vector<16xi32>,
      %mul3A_741 = arith.constant 16 : i32
      %mul3A_742 = vector.broadcast %mul3A_741 : i32 to vector<16xi32>
      %mul3A_743 = arith.muli %get3A_739, %mul3A_742 : vector<16xi32>
      %add3A_744 = arith.addi %mul3A_743, %iota3A : vector<16xi32>
      tpu.vector_store_idx %arg11[%add3A_744], %broadcast_in_dim3A_1 {add = true} : memref<3072xf32, #tpu.memory_space<vmem>>[vector<16xi32>], vector<16xf32>,
      %add3A_745 = arith.constant 64 : i32
      %add3A_746 = vector.broadcast %add3A_745 : i32 to vector<16xi32>
      %add3A_747 = arith.addi %gather3A_740, %add3A_746 : vector<16xi32>
      %mul3A_748 = arith.constant 16 : i32
      %mul3A_749 = vector.broadcast %mul3A_748 : i32 to vector<16xi32>
      %mul3A_750 = arith.muli %add3A_747, %mul3A_749 : vector<16xi32>
      %add3A_751 = arith.addi %mul3A_750, %iota3A : vector<16xi32>
      tpu.vector_store_idx %arg11[%add3A_751], %broadcast_in_dim3A_1 {add = true} : memref<3072xf32, #tpu.memory_space<vmem>>[vector<16xi32>], vector<16xf32>,
      %add3A_752 = arith.constant 2048 : i32
      %add3A_753 = vector.broadcast %add3A_752 : i32 to vector<16xi32>
      %add3A_754 = arith.addi %add3A_744, %add3A_753 : vector<16xi32>
      %eq3A_755 = arith.cmpi eq, %gather3A_740, %get3A_739 : vector<16xi32>
      tpu.vector_store_idx %arg11[%add3A_754], %broadcast_in_dim3A_1 masked %eq3A_755 {add = true} : memref<3072xf32, #tpu.memory_space<vmem>>[vector<16xi32>], vector<16xf32>, vector<16xi1>
      %get3A_756 = arith.index_cast %scan3A_427 : i32 to index
      %get3A_757 = arith.constant 240 : index
      %get3A_758 = tpu.vector_load %arg9[%get3A_756, %get3A_757] {strides = array<i32>} : memref<16x512xi32, #tpu.memory_space<vmem>>, vector<16xi32>,
      %get3A_759 = arith.index_cast %scan3A_427 : i32 to index
      %get3A_760 = arith.constant 240 : index
      %get3A_761 = tpu.vector_load %arg10[%get3A_759, %get3A_760] {strides = array<i32>} : memref<16x512xi32, #tpu.memory_space<vmem>>, vector<16xi32>,
      %gather3A_762 = tpu.vector_load_idx %arg8[%get3A_758] : memref<4096xi32, #tpu.memory_space<vmem>>[vector<16xi32>], vector<16xi32>,
      %mul3A_763 = arith.constant 16 : i32
      %mul3A_764 = vector.broadcast %mul3A_763 : i32 to vector<16xi32>
      %mul3A_765 = arith.muli %get3A_761, %mul3A_764 : vector<16xi32>
      %add3A_766 = arith.addi %mul3A_765, %iota3A : vector<16xi32>
      tpu.vector_store_idx %arg11[%add3A_766], %broadcast_in_dim3A_1 {add = true} : memref<3072xf32, #tpu.memory_space<vmem>>[vector<16xi32>], vector<16xf32>,
      %add3A_767 = arith.constant 64 : i32
      %add3A_768 = vector.broadcast %add3A_767 : i32 to vector<16xi32>
      %add3A_769 = arith.addi %gather3A_762, %add3A_768 : vector<16xi32>
      %mul3A_770 = arith.constant 16 : i32
      %mul3A_771 = vector.broadcast %mul3A_770 : i32 to vector<16xi32>
      %mul3A_772 = arith.muli %add3A_769, %mul3A_771 : vector<16xi32>
      %add3A_773 = arith.addi %mul3A_772, %iota3A : vector<16xi32>
      tpu.vector_store_idx %arg11[%add3A_773], %broadcast_in_dim3A_1 {add = true} : memref<3072xf32, #tpu.memory_space<vmem>>[vector<16xi32>], vector<16xf32>,
      %add3A_774 = arith.constant 2048 : i32
      %add3A_775 = vector.broadcast %add3A_774 : i32 to vector<16xi32>
      %add3A_776 = arith.addi %add3A_766, %add3A_775 : vector<16xi32>
      %eq3A_777 = arith.cmpi eq, %gather3A_762, %get3A_761 : vector<16xi32>
      tpu.vector_store_idx %arg11[%add3A_776], %broadcast_in_dim3A_1 masked %eq3A_777 {add = true} : memref<3072xf32, #tpu.memory_space<vmem>>[vector<16xi32>], vector<16xf32>, vector<16xi1>
      %get3A_778 = arith.index_cast %scan3A_427 : i32 to index
      %get3A_779 = arith.constant 256 : index
      %get3A_780 = tpu.vector_load %arg9[%get3A_778, %get3A_779] {strides = array<i32>} : memref<16x512xi32, #tpu.memory_space<vmem>>, vector<16xi32>,
      %get3A_781 = arith.index_cast %scan3A_427 : i32 to index
      %get3A_782 = arith.constant 256 : index
      %get3A_783 = tpu.vector_load %arg10[%get3A_781, %get3A_782] {strides = array<i32>} : memref<16x512xi32, #tpu.memory_space<vmem>>, vector<16xi32>,
      %gather3A_784 = tpu.vector_load_idx %arg8[%get3A_780] : memref<4096xi32, #tpu.memory_space<vmem>>[vector<16xi32>], vector<16xi32>,
      %mul3A_785 = arith.constant 16 : i32
      %mul3A_786 = vector.broadcast %mul3A_785 : i32 to vector<16xi32>
      %mul3A_787 = arith.muli %get3A_783, %mul3A_786 : vector<16xi32>
      %add3A_788 = arith.addi %mul3A_787, %iota3A : vector<16xi32>
      tpu.vector_store_idx %arg11[%add3A_788], %broadcast_in_dim3A_1 {add = true} : memref<3072xf32, #tpu.memory_space<vmem>>[vector<16xi32>], vector<16xf32>,
      %add3A_789 = arith.constant 64 : i32
      %add3A_790 = vector.broadcast %add3A_789 : i32 to vector<16xi32>
      %add3A_791 = arith.addi %gather3A_784, %add3A_790 : vector<16xi32>
      %mul3A_792 = arith.constant 16 : i32
      %mul3A_793 = vector.broadcast %mul3A_792 : i32 to vector<16xi32>
      %mul3A_794 = arith.muli %add3A_791, %mul3A_793 : vector<16xi32>
      %add3A_795 = arith.addi %mul3A_794, %iota3A : vector<16xi32>
      tpu.vector_store_idx %arg11[%add3A_795], %broadcast_in_dim3A_1 {add = true} : memref<3072xf32, #tpu.memory_space<vmem>>[vector<16xi32>], vector<16xf32>,
      %add3A_796 = arith.constant 2048 : i32
      %add3A_797 = vector.broadcast %add3A_796 : i32 to vector<16xi32>
      %add3A_798 = arith.addi %add3A_788, %add3A_797 : vector<16xi32>
      %eq3A_799 = arith.cmpi eq, %gather3A_784, %get3A_783 : vector<16xi32>
      tpu.vector_store_idx %arg11[%add3A_798], %broadcast_in_dim3A_1 masked %eq3A_799 {add = true} : memref<3072xf32, #tpu.memory_space<vmem>>[vector<16xi32>], vector<16xf32>, vector<16xi1>
      %get3A_800 = arith.index_cast %scan3A_427 : i32 to index
      %get3A_801 = arith.constant 272 : index
      %get3A_802 = tpu.vector_load %arg9[%get3A_800, %get3A_801] {strides = array<i32>} : memref<16x512xi32, #tpu.memory_space<vmem>>, vector<16xi32>,
      %get3A_803 = arith.index_cast %scan3A_427 : i32 to index
      %get3A_804 = arith.constant 272 : index
      %get3A_805 = tpu.vector_load %arg10[%get3A_803, %get3A_804] {strides = array<i32>} : memref<16x512xi32, #tpu.memory_space<vmem>>, vector<16xi32>,
      %gather3A_806 = tpu.vector_load_idx %arg8[%get3A_802] : memref<4096xi32, #tpu.memory_space<vmem>>[vector<16xi32>], vector<16xi32>,
      %mul3A_807 = arith.constant 16 : i32
      %mul3A_808 = vector.broadcast %mul3A_807 : i32 to vector<16xi32>
      %mul3A_809 = arith.muli %get3A_805, %mul3A_808 : vector<16xi32>
      %add3A_810 = arith.addi %mul3A_809, %iota3A : vector<16xi32>
      tpu.vector_store_idx %arg11[%add3A_810], %broadcast_in_dim3A_1 {add = true} : memref<3072xf32, #tpu.memory_space<vmem>>[vector<16xi32>], vector<16xf32>,
      %add3A_811 = arith.constant 64 : i32
      %add3A_812 = vector.broadcast %add3A_811 : i32 to vector<16xi32>
      %add3A_813 = arith.addi %gather3A_806, %add3A_812 : vector<16xi32>
      %mul3A_814 = arith.constant 16 : i32
      %mul3A_815 = vector.broadcast %mul3A_814 : i32 to vector<16xi32>
      %mul3A_816 = arith.muli %add3A_813, %mul3A_815 : vector<16xi32>
      %add3A_817 = arith.addi %mul3A_816, %iota3A : vector<16xi32>
      tpu.vector_store_idx %arg11[%add3A_817], %broadcast_in_dim3A_1 {add = true} : memref<3072xf32, #tpu.memory_space<vmem>>[vector<16xi32>], vector<16xf32>,
      %add3A_818 = arith.constant 2048 : i32
      %add3A_819 = vector.broadcast %add3A_818 : i32 to vector<16xi32>
      %add3A_820 = arith.addi %add3A_810, %add3A_819 : vector<16xi32>
      %eq3A_821 = arith.cmpi eq, %gather3A_806, %get3A_805 : vector<16xi32>
      tpu.vector_store_idx %arg11[%add3A_820], %broadcast_in_dim3A_1 masked %eq3A_821 {add = true} : memref<3072xf32, #tpu.memory_space<vmem>>[vector<16xi32>], vector<16xf32>, vector<16xi1>
      %get3A_822 = arith.index_cast %scan3A_427 : i32 to index
      %get3A_823 = arith.constant 288 : index
      %get3A_824 = tpu.vector_load %arg9[%get3A_822, %get3A_823] {strides = array<i32>} : memref<16x512xi32, #tpu.memory_space<vmem>>, vector<16xi32>,
      %get3A_825 = arith.index_cast %scan3A_427 : i32 to index
      %get3A_826 = arith.constant 288 : index
      %get3A_827 = tpu.vector_load %arg10[%get3A_825, %get3A_826] {strides = array<i32>} : memref<16x512xi32, #tpu.memory_space<vmem>>, vector<16xi32>,
      %gather3A_828 = tpu.vector_load_idx %arg8[%get3A_824] : memref<4096xi32, #tpu.memory_space<vmem>>[vector<16xi32>], vector<16xi32>,
      %mul3A_829 = arith.constant 16 : i32
      %mul3A_830 = vector.broadcast %mul3A_829 : i32 to vector<16xi32>
      %mul3A_831 = arith.muli %get3A_827, %mul3A_830 : vector<16xi32>
      %add3A_832 = arith.addi %mul3A_831, %iota3A : vector<16xi32>
      tpu.vector_store_idx %arg11[%add3A_832], %broadcast_in_dim3A_1 {add = true} : memref<3072xf32, #tpu.memory_space<vmem>>[vector<16xi32>], vector<16xf32>,
      %add3A_833 = arith.constant 64 : i32
      %add3A_834 = vector.broadcast %add3A_833 : i32 to vector<16xi32>
      %add3A_835 = arith.addi %gather3A_828, %add3A_834 : vector<16xi32>
      %mul3A_836 = arith.constant 16 : i32
      %mul3A_837 = vector.broadcast %mul3A_836 : i32 to vector<16xi32>
      %mul3A_838 = arith.muli %add3A_835, %mul3A_837 : vector<16xi32>
      %add3A_839 = arith.addi %mul3A_838, %iota3A : vector<16xi32>
      tpu.vector_store_idx %arg11[%add3A_839], %broadcast_in_dim3A_1 {add = true} : memref<3072xf32, #tpu.memory_space<vmem>>[vector<16xi32>], vector<16xf32>,
      %add3A_840 = arith.constant 2048 : i32
      %add3A_841 = vector.broadcast %add3A_840 : i32 to vector<16xi32>
      %add3A_842 = arith.addi %add3A_832, %add3A_841 : vector<16xi32>
      %eq3A_843 = arith.cmpi eq, %gather3A_828, %get3A_827 : vector<16xi32>
      tpu.vector_store_idx %arg11[%add3A_842], %broadcast_in_dim3A_1 masked %eq3A_843 {add = true} : memref<3072xf32, #tpu.memory_space<vmem>>[vector<16xi32>], vector<16xf32>, vector<16xi1>
      %get3A_844 = arith.index_cast %scan3A_427 : i32 to index
      %get3A_845 = arith.constant 304 : index
      %get3A_846 = tpu.vector_load %arg9[%get3A_844, %get3A_845] {strides = array<i32>} : memref<16x512xi32, #tpu.memory_space<vmem>>, vector<16xi32>,
      %get3A_847 = arith.index_cast %scan3A_427 : i32 to index
      %get3A_848 = arith.constant 304 : index
      %get3A_849 = tpu.vector_load %arg10[%get3A_847, %get3A_848] {strides = array<i32>} : memref<16x512xi32, #tpu.memory_space<vmem>>, vector<16xi32>,
      %gather3A_850 = tpu.vector_load_idx %arg8[%get3A_846] : memref<4096xi32, #tpu.memory_space<vmem>>[vector<16xi32>], vector<16xi32>,
      %mul3A_851 = arith.constant 16 : i32
      %mul3A_852 = vector.broadcast %mul3A_851 : i32 to vector<16xi32>
      %mul3A_853 = arith.muli %get3A_849, %mul3A_852 : vector<16xi32>
      %add3A_854 = arith.addi %mul3A_853, %iota3A : vector<16xi32>
      tpu.vector_store_idx %arg11[%add3A_854], %broadcast_in_dim3A_1 {add = true} : memref<3072xf32, #tpu.memory_space<vmem>>[vector<16xi32>], vector<16xf32>,
      %add3A_855 = arith.constant 64 : i32
      %add3A_856 = vector.broadcast %add3A_855 : i32 to vector<16xi32>
      %add3A_857 = arith.addi %gather3A_850, %add3A_856 : vector<16xi32>
      %mul3A_858 = arith.constant 16 : i32
      %mul3A_859 = vector.broadcast %mul3A_858 : i32 to vector<16xi32>
      %mul3A_860 = arith.muli %add3A_857, %mul3A_859 : vector<16xi32>
      %add3A_861 = arith.addi %mul3A_860, %iota3A : vector<16xi32>
      tpu.vector_store_idx %arg11[%add3A_861], %broadcast_in_dim3A_1 {add = true} : memref<3072xf32, #tpu.memory_space<vmem>>[vector<16xi32>], vector<16xf32>,
      %add3A_862 = arith.constant 2048 : i32
      %add3A_863 = vector.broadcast %add3A_862 : i32 to vector<16xi32>
      %add3A_864 = arith.addi %add3A_854, %add3A_863 : vector<16xi32>
      %eq3A_865 = arith.cmpi eq, %gather3A_850, %get3A_849 : vector<16xi32>
      tpu.vector_store_idx %arg11[%add3A_864], %broadcast_in_dim3A_1 masked %eq3A_865 {add = true} : memref<3072xf32, #tpu.memory_space<vmem>>[vector<16xi32>], vector<16xf32>, vector<16xi1>
      %get3A_866 = arith.index_cast %scan3A_427 : i32 to index
      %get3A_867 = arith.constant 320 : index
      %get3A_868 = tpu.vector_load %arg9[%get3A_866, %get3A_867] {strides = array<i32>} : memref<16x512xi32, #tpu.memory_space<vmem>>, vector<16xi32>,
      %get3A_869 = arith.index_cast %scan3A_427 : i32 to index
      %get3A_870 = arith.constant 320 : index
      %get3A_871 = tpu.vector_load %arg10[%get3A_869, %get3A_870] {strides = array<i32>} : memref<16x512xi32, #tpu.memory_space<vmem>>, vector<16xi32>,
      %gather3A_872 = tpu.vector_load_idx %arg8[%get3A_868] : memref<4096xi32, #tpu.memory_space<vmem>>[vector<16xi32>], vector<16xi32>,
      %mul3A_873 = arith.constant 16 : i32
      %mul3A_874 = vector.broadcast %mul3A_873 : i32 to vector<16xi32>
      %mul3A_875 = arith.muli %get3A_871, %mul3A_874 : vector<16xi32>
      %add3A_876 = arith.addi %mul3A_875, %iota3A : vector<16xi32>
      tpu.vector_store_idx %arg11[%add3A_876], %broadcast_in_dim3A_1 {add = true} : memref<3072xf32, #tpu.memory_space<vmem>>[vector<16xi32>], vector<16xf32>,
      %add3A_877 = arith.constant 64 : i32
      %add3A_878 = vector.broadcast %add3A_877 : i32 to vector<16xi32>
      %add3A_879 = arith.addi %gather3A_872, %add3A_878 : vector<16xi32>
      %mul3A_880 = arith.constant 16 : i32
      %mul3A_881 = vector.broadcast %mul3A_880 : i32 to vector<16xi32>
      %mul3A_882 = arith.muli %add3A_879, %mul3A_881 : vector<16xi32>
      %add3A_883 = arith.addi %mul3A_882, %iota3A : vector<16xi32>
      tpu.vector_store_idx %arg11[%add3A_883], %broadcast_in_dim3A_1 {add = true} : memref<3072xf32, #tpu.memory_space<vmem>>[vector<16xi32>], vector<16xf32>,
      %add3A_884 = arith.constant 2048 : i32
      %add3A_885 = vector.broadcast %add3A_884 : i32 to vector<16xi32>
      %add3A_886 = arith.addi %add3A_876, %add3A_885 : vector<16xi32>
      %eq3A_887 = arith.cmpi eq, %gather3A_872, %get3A_871 : vector<16xi32>
      tpu.vector_store_idx %arg11[%add3A_886], %broadcast_in_dim3A_1 masked %eq3A_887 {add = true} : memref<3072xf32, #tpu.memory_space<vmem>>[vector<16xi32>], vector<16xf32>, vector<16xi1>
      %get3A_888 = arith.index_cast %scan3A_427 : i32 to index
      %get3A_889 = arith.constant 336 : index
      %get3A_890 = tpu.vector_load %arg9[%get3A_888, %get3A_889] {strides = array<i32>} : memref<16x512xi32, #tpu.memory_space<vmem>>, vector<16xi32>,
      %get3A_891 = arith.index_cast %scan3A_427 : i32 to index
      %get3A_892 = arith.constant 336 : index
      %get3A_893 = tpu.vector_load %arg10[%get3A_891, %get3A_892] {strides = array<i32>} : memref<16x512xi32, #tpu.memory_space<vmem>>, vector<16xi32>,
      %gather3A_894 = tpu.vector_load_idx %arg8[%get3A_890] : memref<4096xi32, #tpu.memory_space<vmem>>[vector<16xi32>], vector<16xi32>,
      %mul3A_895 = arith.constant 16 : i32
      %mul3A_896 = vector.broadcast %mul3A_895 : i32 to vector<16xi32>
      %mul3A_897 = arith.muli %get3A_893, %mul3A_896 : vector<16xi32>
      %add3A_898 = arith.addi %mul3A_897, %iota3A : vector<16xi32>
      tpu.vector_store_idx %arg11[%add3A_898], %broadcast_in_dim3A_1 {add = true} : memref<3072xf32, #tpu.memory_space<vmem>>[vector<16xi32>], vector<16xf32>,
      %add3A_899 = arith.constant 64 : i32
      %add3A_900 = vector.broadcast %add3A_899 : i32 to vector<16xi32>
      %add3A_901 = arith.addi %gather3A_894, %add3A_900 : vector<16xi32>
      %mul3A_902 = arith.constant 16 : i32
      %mul3A_903 = vector.broadcast %mul3A_902 : i32 to vector<16xi32>
      %mul3A_904 = arith.muli %add3A_901, %mul3A_903 : vector<16xi32>
      %add3A_905 = arith.addi %mul3A_904, %iota3A : vector<16xi32>
      tpu.vector_store_idx %arg11[%add3A_905], %broadcast_in_dim3A_1 {add = true} : memref<3072xf32, #tpu.memory_space<vmem>>[vector<16xi32>], vector<16xf32>,
      %add3A_906 = arith.constant 2048 : i32
      %add3A_907 = vector.broadcast %add3A_906 : i32 to vector<16xi32>
      %add3A_908 = arith.addi %add3A_898, %add3A_907 : vector<16xi32>
      %eq3A_909 = arith.cmpi eq, %gather3A_894, %get3A_893 : vector<16xi32>
      tpu.vector_store_idx %arg11[%add3A_908], %broadcast_in_dim3A_1 masked %eq3A_909 {add = true} : memref<3072xf32, #tpu.memory_space<vmem>>[vector<16xi32>], vector<16xf32>, vector<16xi1>
      %get3A_910 = arith.index_cast %scan3A_427 : i32 to index
      %get3A_911 = arith.constant 352 : index
      %get3A_912 = tpu.vector_load %arg9[%get3A_910, %get3A_911] {strides = array<i32>} : memref<16x512xi32, #tpu.memory_space<vmem>>, vector<16xi32>,
      %get3A_913 = arith.index_cast %scan3A_427 : i32 to index
      %get3A_914 = arith.constant 352 : index
      %get3A_915 = tpu.vector_load %arg10[%get3A_913, %get3A_914] {strides = array<i32>} : memref<16x512xi32, #tpu.memory_space<vmem>>, vector<16xi32>,
      %gather3A_916 = tpu.vector_load_idx %arg8[%get3A_912] : memref<4096xi32, #tpu.memory_space<vmem>>[vector<16xi32>], vector<16xi32>,
      %mul3A_917 = arith.constant 16 : i32
      %mul3A_918 = vector.broadcast %mul3A_917 : i32 to vector<16xi32>
      %mul3A_919 = arith.muli %get3A_915, %mul3A_918 : vector<16xi32>
      %add3A_920 = arith.addi %mul3A_919, %iota3A : vector<16xi32>
      tpu.vector_store_idx %arg11[%add3A_920], %broadcast_in_dim3A_1 {add = true} : memref<3072xf32, #tpu.memory_space<vmem>>[vector<16xi32>], vector<16xf32>,
      %add3A_921 = arith.constant 64 : i32
      %add3A_922 = vector.broadcast %add3A_921 : i32 to vector<16xi32>
      %add3A_923 = arith.addi %gather3A_916, %add3A_922 : vector<16xi32>
      %mul3A_924 = arith.constant 16 : i32
      %mul3A_925 = vector.broadcast %mul3A_924 : i32 to vector<16xi32>
      %mul3A_926 = arith.muli %add3A_923, %mul3A_925 : vector<16xi32>
      %add3A_927 = arith.addi %mul3A_926, %iota3A : vector<16xi32>
      tpu.vector_store_idx %arg11[%add3A_927], %broadcast_in_dim3A_1 {add = true} : memref<3072xf32, #tpu.memory_space<vmem>>[vector<16xi32>], vector<16xf32>,
      %add3A_928 = arith.constant 2048 : i32
      %add3A_929 = vector.broadcast %add3A_928 : i32 to vector<16xi32>
      %add3A_930 = arith.addi %add3A_920, %add3A_929 : vector<16xi32>
      %eq3A_931 = arith.cmpi eq, %gather3A_916, %get3A_915 : vector<16xi32>
      tpu.vector_store_idx %arg11[%add3A_930], %broadcast_in_dim3A_1 masked %eq3A_931 {add = true} : memref<3072xf32, #tpu.memory_space<vmem>>[vector<16xi32>], vector<16xf32>, vector<16xi1>
      %get3A_932 = arith.index_cast %scan3A_427 : i32 to index
      %get3A_933 = arith.constant 368 : index
      %get3A_934 = tpu.vector_load %arg9[%get3A_932, %get3A_933] {strides = array<i32>} : memref<16x512xi32, #tpu.memory_space<vmem>>, vector<16xi32>,
      %get3A_935 = arith.index_cast %scan3A_427 : i32 to index
      %get3A_936 = arith.constant 368 : index
      %get3A_937 = tpu.vector_load %arg10[%get3A_935, %get3A_936] {strides = array<i32>} : memref<16x512xi32, #tpu.memory_space<vmem>>, vector<16xi32>,
      %gather3A_938 = tpu.vector_load_idx %arg8[%get3A_934] : memref<4096xi32, #tpu.memory_space<vmem>>[vector<16xi32>], vector<16xi32>,
      %mul3A_939 = arith.constant 16 : i32
      %mul3A_940 = vector.broadcast %mul3A_939 : i32 to vector<16xi32>
      %mul3A_941 = arith.muli %get3A_937, %mul3A_940 : vector<16xi32>
      %add3A_942 = arith.addi %mul3A_941, %iota3A : vector<16xi32>
      tpu.vector_store_idx %arg11[%add3A_942], %broadcast_in_dim3A_1 {add = true} : memref<3072xf32, #tpu.memory_space<vmem>>[vector<16xi32>], vector<16xf32>,
      %add3A_943 = arith.constant 64 : i32
      %add3A_944 = vector.broadcast %add3A_943 : i32 to vector<16xi32>
      %add3A_945 = arith.addi %gather3A_938, %add3A_944 : vector<16xi32>
      %mul3A_946 = arith.constant 16 : i32
      %mul3A_947 = vector.broadcast %mul3A_946 : i32 to vector<16xi32>
      %mul3A_948 = arith.muli %add3A_945, %mul3A_947 : vector<16xi32>
      %add3A_949 = arith.addi %mul3A_948, %iota3A : vector<16xi32>
      tpu.vector_store_idx %arg11[%add3A_949], %broadcast_in_dim3A_1 {add = true} : memref<3072xf32, #tpu.memory_space<vmem>>[vector<16xi32>], vector<16xf32>,
      %add3A_950 = arith.constant 2048 : i32
      %add3A_951 = vector.broadcast %add3A_950 : i32 to vector<16xi32>
      %add3A_952 = arith.addi %add3A_942, %add3A_951 : vector<16xi32>
      %eq3A_953 = arith.cmpi eq, %gather3A_938, %get3A_937 : vector<16xi32>
      tpu.vector_store_idx %arg11[%add3A_952], %broadcast_in_dim3A_1 masked %eq3A_953 {add = true} : memref<3072xf32, #tpu.memory_space<vmem>>[vector<16xi32>], vector<16xf32>, vector<16xi1>
      %get3A_954 = arith.index_cast %scan3A_427 : i32 to index
      %get3A_955 = arith.constant 384 : index
      %get3A_956 = tpu.vector_load %arg9[%get3A_954, %get3A_955] {strides = array<i32>} : memref<16x512xi32, #tpu.memory_space<vmem>>, vector<16xi32>,
      %get3A_957 = arith.index_cast %scan3A_427 : i32 to index
      %get3A_958 = arith.constant 384 : index
      %get3A_959 = tpu.vector_load %arg10[%get3A_957, %get3A_958] {strides = array<i32>} : memref<16x512xi32, #tpu.memory_space<vmem>>, vector<16xi32>,
      %gather3A_960 = tpu.vector_load_idx %arg8[%get3A_956] : memref<4096xi32, #tpu.memory_space<vmem>>[vector<16xi32>], vector<16xi32>,
      %mul3A_961 = arith.constant 16 : i32
      %mul3A_962 = vector.broadcast %mul3A_961 : i32 to vector<16xi32>
      %mul3A_963 = arith.muli %get3A_959, %mul3A_962 : vector<16xi32>
      %add3A_964 = arith.addi %mul3A_963, %iota3A : vector<16xi32>
      tpu.vector_store_idx %arg11[%add3A_964], %broadcast_in_dim3A_1 {add = true} : memref<3072xf32, #tpu.memory_space<vmem>>[vector<16xi32>], vector<16xf32>,
      %add3A_965 = arith.constant 64 : i32
      %add3A_966 = vector.broadcast %add3A_965 : i32 to vector<16xi32>
      %add3A_967 = arith.addi %gather3A_960, %add3A_966 : vector<16xi32>
      %mul3A_968 = arith.constant 16 : i32
      %mul3A_969 = vector.broadcast %mul3A_968 : i32 to vector<16xi32>
      %mul3A_970 = arith.muli %add3A_967, %mul3A_969 : vector<16xi32>
      %add3A_971 = arith.addi %mul3A_970, %iota3A : vector<16xi32>
      tpu.vector_store_idx %arg11[%add3A_971], %broadcast_in_dim3A_1 {add = true} : memref<3072xf32, #tpu.memory_space<vmem>>[vector<16xi32>], vector<16xf32>,
      %add3A_972 = arith.constant 2048 : i32
      %add3A_973 = vector.broadcast %add3A_972 : i32 to vector<16xi32>
      %add3A_974 = arith.addi %add3A_964, %add3A_973 : vector<16xi32>
      %eq3A_975 = arith.cmpi eq, %gather3A_960, %get3A_959 : vector<16xi32>
      tpu.vector_store_idx %arg11[%add3A_974], %broadcast_in_dim3A_1 masked %eq3A_975 {add = true} : memref<3072xf32, #tpu.memory_space<vmem>>[vector<16xi32>], vector<16xf32>, vector<16xi1>
      %get3A_976 = arith.index_cast %scan3A_427 : i32 to index
      %get3A_977 = arith.constant 400 : index
      %get3A_978 = tpu.vector_load %arg9[%get3A_976, %get3A_977] {strides = array<i32>} : memref<16x512xi32, #tpu.memory_space<vmem>>, vector<16xi32>,
      %get3A_979 = arith.index_cast %scan3A_427 : i32 to index
      %get3A_980 = arith.constant 400 : index
      %get3A_981 = tpu.vector_load %arg10[%get3A_979, %get3A_980] {strides = array<i32>} : memref<16x512xi32, #tpu.memory_space<vmem>>, vector<16xi32>,
      %gather3A_982 = tpu.vector_load_idx %arg8[%get3A_978] : memref<4096xi32, #tpu.memory_space<vmem>>[vector<16xi32>], vector<16xi32>,
      %mul3A_983 = arith.constant 16 : i32
      %mul3A_984 = vector.broadcast %mul3A_983 : i32 to vector<16xi32>
      %mul3A_985 = arith.muli %get3A_981, %mul3A_984 : vector<16xi32>
      %add3A_986 = arith.addi %mul3A_985, %iota3A : vector<16xi32>
      tpu.vector_store_idx %arg11[%add3A_986], %broadcast_in_dim3A_1 {add = true} : memref<3072xf32, #tpu.memory_space<vmem>>[vector<16xi32>], vector<16xf32>,
      %add3A_987 = arith.constant 64 : i32
      %add3A_988 = vector.broadcast %add3A_987 : i32 to vector<16xi32>
      %add3A_989 = arith.addi %gather3A_982, %add3A_988 : vector<16xi32>
      %mul3A_990 = arith.constant 16 : i32
      %mul3A_991 = vector.broadcast %mul3A_990 : i32 to vector<16xi32>
      %mul3A_992 = arith.muli %add3A_989, %mul3A_991 : vector<16xi32>
      %add3A_993 = arith.addi %mul3A_992, %iota3A : vector<16xi32>
      tpu.vector_store_idx %arg11[%add3A_993], %broadcast_in_dim3A_1 {add = true} : memref<3072xf32, #tpu.memory_space<vmem>>[vector<16xi32>], vector<16xf32>,
      %add3A_994 = arith.constant 2048 : i32
      %add3A_995 = vector.broadcast %add3A_994 : i32 to vector<16xi32>
      %add3A_996 = arith.addi %add3A_986, %add3A_995 : vector<16xi32>
      %eq3A_997 = arith.cmpi eq, %gather3A_982, %get3A_981 : vector<16xi32>
      tpu.vector_store_idx %arg11[%add3A_996], %broadcast_in_dim3A_1 masked %eq3A_997 {add = true} : memref<3072xf32, #tpu.memory_space<vmem>>[vector<16xi32>], vector<16xf32>, vector<16xi1>
      %get3A_998 = arith.index_cast %scan3A_427 : i32 to index
      %get3A_999 = arith.constant 416 : index
      %get3A_1000 = tpu.vector_load %arg9[%get3A_998, %get3A_999] {strides = array<i32>} : memref<16x512xi32, #tpu.memory_space<vmem>>, vector<16xi32>,
      %get3A_1001 = arith.index_cast %scan3A_427 : i32 to index
      %get3A_1002 = arith.constant 416 : index
      %get3A_1003 = tpu.vector_load %arg10[%get3A_1001, %get3A_1002] {strides = array<i32>} : memref<16x512xi32, #tpu.memory_space<vmem>>, vector<16xi32>,
      %gather3A_1004 = tpu.vector_load_idx %arg8[%get3A_1000] : memref<4096xi32, #tpu.memory_space<vmem>>[vector<16xi32>], vector<16xi32>,
      %mul3A_1005 = arith.constant 16 : i32
      %mul3A_1006 = vector.broadcast %mul3A_1005 : i32 to vector<16xi32>
      %mul3A_1007 = arith.muli %get3A_1003, %mul3A_1006 : vector<16xi32>
      %add3A_1008 = arith.addi %mul3A_1007, %iota3A : vector<16xi32>
      tpu.vector_store_idx %arg11[%add3A_1008], %broadcast_in_dim3A_1 {add = true} : memref<3072xf32, #tpu.memory_space<vmem>>[vector<16xi32>], vector<16xf32>,
      %add3A_1009 = arith.constant 64 : i32
      %add3A_1010 = vector.broadcast %add3A_1009 : i32 to vector<16xi32>
      %add3A_1011 = arith.addi %gather3A_1004, %add3A_1010 : vector<16xi32>
      %mul3A_1012 = arith.constant 16 : i32
      %mul3A_1013 = vector.broadcast %mul3A_1012 : i32 to vector<16xi32>
      %mul3A_1014 = arith.muli %add3A_1011, %mul3A_1013 : vector<16xi32>
      %add3A_1015 = arith.addi %mul3A_1014, %iota3A : vector<16xi32>
      tpu.vector_store_idx %arg11[%add3A_1015], %broadcast_in_dim3A_1 {add = true} : memref<3072xf32, #tpu.memory_space<vmem>>[vector<16xi32>], vector<16xf32>,
      %add3A_1016 = arith.constant 2048 : i32
      %add3A_1017 = vector.broadcast %add3A_1016 : i32 to vector<16xi32>
      %add3A_1018 = arith.addi %add3A_1008, %add3A_1017 : vector<16xi32>
      %eq3A_1019 = arith.cmpi eq, %gather3A_1004, %get3A_1003 : vector<16xi32>
      tpu.vector_store_idx %arg11[%add3A_1018], %broadcast_in_dim3A_1 masked %eq3A_1019 {add = true} : memref<3072xf32, #tpu.memory_space<vmem>>[vector<16xi32>], vector<16xf32>, vector<16xi1>
      %get3A_1020 = arith.index_cast %scan3A_427 : i32 to index
      %get3A_1021 = arith.constant 432 : index
      %get3A_1022 = tpu.vector_load %arg9[%get3A_1020, %get3A_1021] {strides = array<i32>} : memref<16x512xi32, #tpu.memory_space<vmem>>, vector<16xi32>,
      %get3A_1023 = arith.index_cast %scan3A_427 : i32 to index
      %get3A_1024 = arith.constant 432 : index
      %get3A_1025 = tpu.vector_load %arg10[%get3A_1023, %get3A_1024] {strides = array<i32>} : memref<16x512xi32, #tpu.memory_space<vmem>>, vector<16xi32>,
      %gather3A_1026 = tpu.vector_load_idx %arg8[%get3A_1022] : memref<4096xi32, #tpu.memory_space<vmem>>[vector<16xi32>], vector<16xi32>,
      %mul3A_1027 = arith.constant 16 : i32
      %mul3A_1028 = vector.broadcast %mul3A_1027 : i32 to vector<16xi32>
      %mul3A_1029 = arith.muli %get3A_1025, %mul3A_1028 : vector<16xi32>
      %add3A_1030 = arith.addi %mul3A_1029, %iota3A : vector<16xi32>
      tpu.vector_store_idx %arg11[%add3A_1030], %broadcast_in_dim3A_1 {add = true} : memref<3072xf32, #tpu.memory_space<vmem>>[vector<16xi32>], vector<16xf32>,
      %add3A_1031 = arith.constant 64 : i32
      %add3A_1032 = vector.broadcast %add3A_1031 : i32 to vector<16xi32>
      %add3A_1033 = arith.addi %gather3A_1026, %add3A_1032 : vector<16xi32>
      %mul3A_1034 = arith.constant 16 : i32
      %mul3A_1035 = vector.broadcast %mul3A_1034 : i32 to vector<16xi32>
      %mul3A_1036 = arith.muli %add3A_1033, %mul3A_1035 : vector<16xi32>
      %add3A_1037 = arith.addi %mul3A_1036, %iota3A : vector<16xi32>
      tpu.vector_store_idx %arg11[%add3A_1037], %broadcast_in_dim3A_1 {add = true} : memref<3072xf32, #tpu.memory_space<vmem>>[vector<16xi32>], vector<16xf32>,
      %add3A_1038 = arith.constant 2048 : i32
      %add3A_1039 = vector.broadcast %add3A_1038 : i32 to vector<16xi32>
      %add3A_1040 = arith.addi %add3A_1030, %add3A_1039 : vector<16xi32>
      %eq3A_1041 = arith.cmpi eq, %gather3A_1026, %get3A_1025 : vector<16xi32>
      tpu.vector_store_idx %arg11[%add3A_1040], %broadcast_in_dim3A_1 masked %eq3A_1041 {add = true} : memref<3072xf32, #tpu.memory_space<vmem>>[vector<16xi32>], vector<16xf32>, vector<16xi1>
      %get3A_1042 = arith.index_cast %scan3A_427 : i32 to index
      %get3A_1043 = arith.constant 448 : index
      %get3A_1044 = tpu.vector_load %arg9[%get3A_1042, %get3A_1043] {strides = array<i32>} : memref<16x512xi32, #tpu.memory_space<vmem>>, vector<16xi32>,
      %get3A_1045 = arith.index_cast %scan3A_427 : i32 to index
      %get3A_1046 = arith.constant 448 : index
      %get3A_1047 = tpu.vector_load %arg10[%get3A_1045, %get3A_1046] {strides = array<i32>} : memref<16x512xi32, #tpu.memory_space<vmem>>, vector<16xi32>,
      %gather3A_1048 = tpu.vector_load_idx %arg8[%get3A_1044] : memref<4096xi32, #tpu.memory_space<vmem>>[vector<16xi32>], vector<16xi32>,
      %mul3A_1049 = arith.constant 16 : i32
      %mul3A_1050 = vector.broadcast %mul3A_1049 : i32 to vector<16xi32>
      %mul3A_1051 = arith.muli %get3A_1047, %mul3A_1050 : vector<16xi32>
      %add3A_1052 = arith.addi %mul3A_1051, %iota3A : vector<16xi32>
      tpu.vector_store_idx %arg11[%add3A_1052], %broadcast_in_dim3A_1 {add = true} : memref<3072xf32, #tpu.memory_space<vmem>>[vector<16xi32>], vector<16xf32>,
      %add3A_1053 = arith.constant 64 : i32
      %add3A_1054 = vector.broadcast %add3A_1053 : i32 to vector<16xi32>
      %add3A_1055 = arith.addi %gather3A_1048, %add3A_1054 : vector<16xi32>
      %mul3A_1056 = arith.constant 16 : i32
      %mul3A_1057 = vector.broadcast %mul3A_1056 : i32 to vector<16xi32>
      %mul3A_1058 = arith.muli %add3A_1055, %mul3A_1057 : vector<16xi32>
      %add3A_1059 = arith.addi %mul3A_1058, %iota3A : vector<16xi32>
      tpu.vector_store_idx %arg11[%add3A_1059], %broadcast_in_dim3A_1 {add = true} : memref<3072xf32, #tpu.memory_space<vmem>>[vector<16xi32>], vector<16xf32>,
      %add3A_1060 = arith.constant 2048 : i32
      %add3A_1061 = vector.broadcast %add3A_1060 : i32 to vector<16xi32>
      %add3A_1062 = arith.addi %add3A_1052, %add3A_1061 : vector<16xi32>
      %eq3A_1063 = arith.cmpi eq, %gather3A_1048, %get3A_1047 : vector<16xi32>
      tpu.vector_store_idx %arg11[%add3A_1062], %broadcast_in_dim3A_1 masked %eq3A_1063 {add = true} : memref<3072xf32, #tpu.memory_space<vmem>>[vector<16xi32>], vector<16xf32>, vector<16xi1>
      %get3A_1064 = arith.index_cast %scan3A_427 : i32 to index
      %get3A_1065 = arith.constant 464 : index
      %get3A_1066 = tpu.vector_load %arg9[%get3A_1064, %get3A_1065] {strides = array<i32>} : memref<16x512xi32, #tpu.memory_space<vmem>>, vector<16xi32>,
      %get3A_1067 = arith.index_cast %scan3A_427 : i32 to index
      %get3A_1068 = arith.constant 464 : index
      %get3A_1069 = tpu.vector_load %arg10[%get3A_1067, %get3A_1068] {strides = array<i32>} : memref<16x512xi32, #tpu.memory_space<vmem>>, vector<16xi32>,
      %gather3A_1070 = tpu.vector_load_idx %arg8[%get3A_1066] : memref<4096xi32, #tpu.memory_space<vmem>>[vector<16xi32>], vector<16xi32>,
      %mul3A_1071 = arith.constant 16 : i32
      %mul3A_1072 = vector.broadcast %mul3A_1071 : i32 to vector<16xi32>
      %mul3A_1073 = arith.muli %get3A_1069, %mul3A_1072 : vector<16xi32>
      %add3A_1074 = arith.addi %mul3A_1073, %iota3A : vector<16xi32>
      tpu.vector_store_idx %arg11[%add3A_1074], %broadcast_in_dim3A_1 {add = true} : memref<3072xf32, #tpu.memory_space<vmem>>[vector<16xi32>], vector<16xf32>,
      %add3A_1075 = arith.constant 64 : i32
      %add3A_1076 = vector.broadcast %add3A_1075 : i32 to vector<16xi32>
      %add3A_1077 = arith.addi %gather3A_1070, %add3A_1076 : vector<16xi32>
      %mul3A_1078 = arith.constant 16 : i32
      %mul3A_1079 = vector.broadcast %mul3A_1078 : i32 to vector<16xi32>
      %mul3A_1080 = arith.muli %add3A_1077, %mul3A_1079 : vector<16xi32>
      %add3A_1081 = arith.addi %mul3A_1080, %iota3A : vector<16xi32>
      tpu.vector_store_idx %arg11[%add3A_1081], %broadcast_in_dim3A_1 {add = true} : memref<3072xf32, #tpu.memory_space<vmem>>[vector<16xi32>], vector<16xf32>,
      %add3A_1082 = arith.constant 2048 : i32
      %add3A_1083 = vector.broadcast %add3A_1082 : i32 to vector<16xi32>
      %add3A_1084 = arith.addi %add3A_1074, %add3A_1083 : vector<16xi32>
      %eq3A_1085 = arith.cmpi eq, %gather3A_1070, %get3A_1069 : vector<16xi32>
      tpu.vector_store_idx %arg11[%add3A_1084], %broadcast_in_dim3A_1 masked %eq3A_1085 {add = true} : memref<3072xf32, #tpu.memory_space<vmem>>[vector<16xi32>], vector<16xf32>, vector<16xi1>
      %get3A_1086 = arith.index_cast %scan3A_427 : i32 to index
      %get3A_1087 = arith.constant 480 : index
      %get3A_1088 = tpu.vector_load %arg9[%get3A_1086, %get3A_1087] {strides = array<i32>} : memref<16x512xi32, #tpu.memory_space<vmem>>, vector<16xi32>,
      %get3A_1089 = arith.index_cast %scan3A_427 : i32 to index
      %get3A_1090 = arith.constant 480 : index
      %get3A_1091 = tpu.vector_load %arg10[%get3A_1089, %get3A_1090] {strides = array<i32>} : memref<16x512xi32, #tpu.memory_space<vmem>>, vector<16xi32>,
      %gather3A_1092 = tpu.vector_load_idx %arg8[%get3A_1088] : memref<4096xi32, #tpu.memory_space<vmem>>[vector<16xi32>], vector<16xi32>,
      %mul3A_1093 = arith.constant 16 : i32
      %mul3A_1094 = vector.broadcast %mul3A_1093 : i32 to vector<16xi32>
      %mul3A_1095 = arith.muli %get3A_1091, %mul3A_1094 : vector<16xi32>
      %add3A_1096 = arith.addi %mul3A_1095, %iota3A : vector<16xi32>
      tpu.vector_store_idx %arg11[%add3A_1096], %broadcast_in_dim3A_1 {add = true} : memref<3072xf32, #tpu.memory_space<vmem>>[vector<16xi32>], vector<16xf32>,
      %add3A_1097 = arith.constant 64 : i32
      %add3A_1098 = vector.broadcast %add3A_1097 : i32 to vector<16xi32>
      %add3A_1099 = arith.addi %gather3A_1092, %add3A_1098 : vector<16xi32>
      %mul3A_1100 = arith.constant 16 : i32
      %mul3A_1101 = vector.broadcast %mul3A_1100 : i32 to vector<16xi32>
      %mul3A_1102 = arith.muli %add3A_1099, %mul3A_1101 : vector<16xi32>
      %add3A_1103 = arith.addi %mul3A_1102, %iota3A : vector<16xi32>
      tpu.vector_store_idx %arg11[%add3A_1103], %broadcast_in_dim3A_1 {add = true} : memref<3072xf32, #tpu.memory_space<vmem>>[vector<16xi32>], vector<16xf32>,
      %add3A_1104 = arith.constant 2048 : i32
      %add3A_1105 = vector.broadcast %add3A_1104 : i32 to vector<16xi32>
      %add3A_1106 = arith.addi %add3A_1096, %add3A_1105 : vector<16xi32>
      %eq3A_1107 = arith.cmpi eq, %gather3A_1092, %get3A_1091 : vector<16xi32>
      tpu.vector_store_idx %arg11[%add3A_1106], %broadcast_in_dim3A_1 masked %eq3A_1107 {add = true} : memref<3072xf32, #tpu.memory_space<vmem>>[vector<16xi32>], vector<16xf32>, vector<16xi1>
      %get3A_1108 = arith.index_cast %scan3A_427 : i32 to index
      %get3A_1109 = arith.constant 496 : index
      %get3A_1110 = tpu.vector_load %arg9[%get3A_1108, %get3A_1109] {strides = array<i32>} : memref<16x512xi32, #tpu.memory_space<vmem>>, vector<16xi32>,
      %get3A_1111 = arith.index_cast %scan3A_427 : i32 to index
      %get3A_1112 = arith.constant 496 : index
      %get3A_1113 = tpu.vector_load %arg10[%get3A_1111, %get3A_1112] {strides = array<i32>} : memref<16x512xi32, #tpu.memory_space<vmem>>, vector<16xi32>,
      %gather3A_1114 = tpu.vector_load_idx %arg8[%get3A_1110] : memref<4096xi32, #tpu.memory_space<vmem>>[vector<16xi32>], vector<16xi32>,
      %mul3A_1115 = arith.constant 16 : i32
      %mul3A_1116 = vector.broadcast %mul3A_1115 : i32 to vector<16xi32>
      %mul3A_1117 = arith.muli %get3A_1113, %mul3A_1116 : vector<16xi32>
      %add3A_1118 = arith.addi %mul3A_1117, %iota3A : vector<16xi32>
      tpu.vector_store_idx %arg11[%add3A_1118], %broadcast_in_dim3A_1 {add = true} : memref<3072xf32, #tpu.memory_space<vmem>>[vector<16xi32>], vector<16xf32>,
      %add3A_1119 = arith.constant 64 : i32
      %add3A_1120 = vector.broadcast %add3A_1119 : i32 to vector<16xi32>
      %add3A_1121 = arith.addi %gather3A_1114, %add3A_1120 : vector<16xi32>
      %mul3A_1122 = arith.constant 16 : i32
      %mul3A_1123 = vector.broadcast %mul3A_1122 : i32 to vector<16xi32>
      %mul3A_1124 = arith.muli %add3A_1121, %mul3A_1123 : vector<16xi32>
      %add3A_1125 = arith.addi %mul3A_1124, %iota3A : vector<16xi32>
      tpu.vector_store_idx %arg11[%add3A_1125], %broadcast_in_dim3A_1 {add = true} : memref<3072xf32, #tpu.memory_space<vmem>>[vector<16xi32>], vector<16xf32>,
      %add3A_1126 = arith.constant 2048 : i32
      %add3A_1127 = vector.broadcast %add3A_1126 : i32 to vector<16xi32>
      %add3A_1128 = arith.addi %add3A_1118, %add3A_1127 : vector<16xi32>
      %eq3A_1129 = arith.cmpi eq, %gather3A_1114, %get3A_1113 : vector<16xi32>
      tpu.vector_store_idx %arg11[%add3A_1128], %broadcast_in_dim3A_1 masked %eq3A_1129 {add = true} : memref<3072xf32, #tpu.memory_space<vmem>>[vector<16xi32>], vector<16xf32>, vector<16xi1>
      %scan3A_1130 = arith.constant 0 : i32
      scf.yield %scan3A_1130 : i32
    }
    %scan3A_419 = arith.constant 16 : i32
    %scan3A_420 = arith.constant 0 : i32
    %scan3A_421 = arith.constant 0 : i32
    %scan3A_422 = arith.constant 192 : i32
    %scan3A_423 = arith.addi %scan3A_421, %scan3A_422 : i32
    %scan3A_424 = arith.constant 1 : i32
    %scan3A_425 = scf.for %scan3A_427 = %scan3A_421 to %scan3A_423 step %scan3A_424 iter_args(%scan3A_428 = %scan3A_420) -> (i32)  : i32 {
      %mul3A_429 = arith.constant 16 : i32
      %mul3A_430 = arith.muli %scan3A_427, %mul3A_429 : i32
      %get3A = arith.index_cast %mul3A_430 : i32 to index
      %get3A_431 = tpu.vector_load %arg11[%get3A] {strides = array<i32>} : memref<3072xf32, #tpu.memory_space<vmem>>, vector<16xf32>,
      %swap3A_432 = arith.index_cast %scan3A_427 : i32 to index
      %swap3A_433 = arith.constant 0 : index
      %swap3A_434 = tpu.vector_load %arg12[%swap3A_432, %swap3A_433] {strides = array<i32>} : memref<192x16xf32, #tpu.memory_space<vmem>>, vector<16xf32>,
      tpu.vector_store %arg12[%swap3A_432, %swap3A_433], %get3A_431 {strides = array<i32>} : memref<192x16xf32, #tpu.memory_space<vmem>>, vector<16xf32>,
      %scan3A_435 = arith.constant 0 : i32
      scf.yield %scan3A_435 : i32
    }
    %scan3A_426 = arith.constant 192 : i32
    "tpu.region"() ({
      %run_scoped3A = tpu.sem_alloc : memref<!tpu.dma_semaphore, #tpu.memory_space<semaphore_mem>>
      %dma_start3A_427 = arith.constant 0 : i32
      %dma_start3A_428 = arith.constant 0 : i32
      %dma_start3A_429 = tpu.memref_slice %arg5[%arg0, %arg1, %dma_start3A_427, %dma_start3A_428] : memref<2x16x192x16xf32, #tpu.memory_space<hbm>> -> memref<1x1x192x16xf32, #tpu.memory_space<hbm>>
      %dma_start3A_430 = tpu.memref_squeeze %dma_start3A_429 : memref<1x1x192x16xf32, #tpu.memory_space<hbm>> -> memref<192x16xf32, #tpu.memory_space<hbm>>
      %dma_start3A_431 = arith.constant 0 : i32
      %dma_start3A_432 = arith.constant 0 : i32
      %dma_start3A_433 = tpu.memref_slice %arg5[%arg0, %arg1, %dma_start3A_431, %dma_start3A_432] : memref<2x16x192x16xf32, #tpu.memory_space<hbm>> -> memref<1x1x192x16xf32, #tpu.memory_space<hbm>>
      %dma_start3A_434 = tpu.memref_squeeze %dma_start3A_433 : memref<1x1x192x16xf32, #tpu.memory_space<hbm>> -> memref<192x16xf32, #tpu.memory_space<hbm>>
      tpu.enqueue_dma source(%arg12 : memref<192x16xf32, #tpu.memory_space<vmem>>) target(%dma_start3A_434 : memref<192x16xf32, #tpu.memory_space<hbm>>) target_semaphore(%run_scoped3A : memref<!tpu.dma_semaphore, #tpu.memory_space<semaphore_mem>>)
      %dma_wait3A_435 = arith.constant 0 : i32
      %dma_wait3A_436 = arith.constant 0 : i32
      %dma_wait3A_437 = tpu.memref_slice %arg5[%arg0, %arg1, %dma_wait3A_435, %dma_wait3A_436] : memref<2x16x192x16xf32, #tpu.memory_space<hbm>> -> memref<1x1x192x16xf32, #tpu.memory_space<hbm>>
      %dma_wait3A_438 = tpu.memref_squeeze %dma_wait3A_437 : memref<1x1x192x16xf32, #tpu.memory_space<hbm>> -> memref<192x16xf32, #tpu.memory_space<hbm>>
      %dma_wait3A_439 = arith.constant 0 : i32
      %dma_wait3A_440 = arith.constant 0 : i32
      %dma_wait3A_441 = tpu.memref_slice %arg5[%arg0, %arg1, %dma_wait3A_439, %dma_wait3A_440] : memref<2x16x192x16xf32, #tpu.memory_space<hbm>> -> memref<1x1x192x16xf32, #tpu.memory_space<hbm>>
      %dma_wait3A_442 = tpu.memref_squeeze %dma_wait3A_441 : memref<1x1x192x16xf32, #tpu.memory_space<hbm>> -> memref<192x16xf32, #tpu.memory_space<hbm>>
      tpu.wait_dma2 semaphore(%run_scoped3A : memref<!tpu.dma_semaphore, #tpu.memory_space<semaphore_mem>>) src(%arg12 : memref<192x16xf32, #tpu.memory_space<vmem>>) dst(%dma_wait3A_442 : memref<192x16xf32, #tpu.memory_space<hbm>>)
      tpu.yield
    }) : () -> ()
    return
  }
}

module attributes {stable_mosaic.version = 14 : i64} {
  func.func @_dice_body(%arg0: memref<2x16x192x16xf32, #tpu.memory_space<vmem>>, %arg1: memref<64xf32, #tpu.memory_space<vmem>>) attributes {dimension_semantics = [], scalar_prefetch = 0 : i64, scratch_operands = 0 : i64, tpu.core_type = #tpu.core_type<tc>} {
    %get3A = arith.constant 0 : index
    %get3A_0 = arith.constant 0 : index
    %get3A_1 = arith.constant 0 : index
    %get3A_2 = arith.constant 0 : index
    %get3A_3 = vector.load %arg0[%get3A, %get3A_0, %get3A_1, %get3A_2] : memref<2x16x192x16xf32, #tpu.memory_space<vmem>>, vector<2x16x192x16xf32>
    %reduce_sum3A = arith.constant dense<0.000000e+00> : vector<2x16x192xf32>
    %reduce_sum3A_4 = vector.multi_reduction <add>, %get3A_3, %reduce_sum3A [3] : vector<2x16x192x16xf32> to vector<2x16x192xf32>
    %reduce_sum3A_5 = arith.constant dense<0.000000e+00> : vector<2x192xf32>
    %reduce_sum3A_6 = vector.multi_reduction <add>, %reduce_sum3A_4, %reduce_sum3A_5 [1] : vector<2x16x192xf32> to vector<2x192xf32>
    %reduce_sum3A_7 = arith.constant dense<0.000000e+00> : vector<192xf32>
    %reduce_sum3A_8 = vector.multi_reduction <add>, %reduce_sum3A_6, %reduce_sum3A_7 [0] : vector<2x192xf32> to vector<192xf32>
    %slice3A = vector.extract_strided_slice %reduce_sum3A_8 {offsets = [0], sizes = [64], strides = [1]} : vector<192xf32> to vector<64xf32>
    %slice3A_9 = vector.extract_strided_slice %reduce_sum3A_8 {offsets = [64], sizes = [64], strides = [1]} : vector<192xf32> to vector<64xf32>
    %slice3A_10 = vector.extract_strided_slice %reduce_sum3A_8 {offsets = [128], sizes = [64], strides = [1]} : vector<192xf32> to vector<64xf32>
    %mul3A = arith.constant 2.000000e+00 : f32
    %mul3A_11 = vector.broadcast %mul3A : f32 to vector<64xf32>
    %mul3A_12 = arith.mulf %mul3A_11, %slice3A_10 : vector<64xf32>
    %add3A = arith.addf %slice3A_9, %slice3A : vector<64xf32>
    %add3A_13 = arith.constant 1.000000e-10 : f32
    %add3A_14 = vector.broadcast %add3A_13 : f32 to vector<64xf32>
    %add3A_15 = arith.addf %add3A, %add3A_14 : vector<64xf32>
    %div3A = arith.divf %mul3A_12, %add3A_15 : vector<64xf32>
    %swap3A = arith.constant 0 : index
    %swap3A_16 = vector.load %arg1[%swap3A] : memref<64xf32, #tpu.memory_space<vmem>>, vector<64xf32>
    tpu.vector_store %arg1[%swap3A], %div3A {strides = array<i32>} : memref<64xf32, #tpu.memory_space<vmem>>, vector<64xf32>,
    return
  }
}

</mosaic_0001>

<sc_bundles>
// kernel: kernel.4.cloned.1.call-start
scs
__scs_entry_jumppad:
0x0: {  	(pc) =	sbr.rel $0x88, $3  }
0x1: {  	(tag) =	ssettag $0x0;
	lr =	simm.s32 $0x1  }
0x2: {  	[smem:$0x3F9E] =	sst lr;
	_ =	strace $0xD0000000  }
0x3: {  	_ = 	snop  }
0x4: {  	_ = 	snop  }
0x5: {  	_ = 	snop  }
0x6: {  	_ = 	snop  }
0x7: {  	_ = 	snop  }
__scs_overlays_trampoline_lowered:
0x8: {  	[smem:$0x3FAD] =	sst s0  }
0x9: {  	[smem:$0x3FAE] =	sst s1  }
0xa: {  	[smem:$0x3FAF] =	sst s2  }
0xb: {  	[smem:$0x3FB0] =	sst s3  }
0xc: {  	[smem:$0x3FB1] =	sst s4  }
0xd: {  	[smem:$0x3FB2] =	sst s5  }
0xe: {  	[smem:$0x3FB3] =	sst s6  }
0xf: {  	[smem:$0x3FB4] =	sst s7  }
0x10: {  	[smem:$0x3FB5] =	sst s8  }
0x11: {  	[smem:$0x3FB6] =	sst s9;
	s0 =	simm.s32 @!p0 $0x0  }
0x12: {  	s1 =	sld [smem:$0x3F9C];
	s0 =	simm.s32 @p0 $0x1  }
0x13: {  	[smem:$0x3FB7] =	sst s0;
	s0 =	simm.s32 @!p1 $0x0  }
0x14: {  	s2 =	sld [smem:$0x3F9B];
	s0 =	simm.s32 @p1 $0x1  }
0x15: {  	[smem:$0x3FB8] =	sst s0;
	s0 =	simm.s32 @!p2 $0x0  }
0x16: {  	s3 =	sld [smem:$0x3FDB];
	s0 =	simm.s32 @p2 $0x1  }
0x17: {  	s4 =	simm.s32 $0x1BF5;
	[smem:$0x3FBA] =	sst s0  }
0x18: {  	s0 =	sld [smem:$0x3F9D];
	_ =	swait.ge [sflag:s4], $0x0  }
0x19: {  	s7 =	sld [smem:$0x3F9E]  }
0x1a: {  	s8 =	sadd.s32 $0xFFFFE003, lr  }
0x1b: {  	s9 =	sadd.s32 $0xFFFFFEF7, lr;
	s5 =	simm.s32 $0xFFFFFFFF;
	p2 =	slt.u32 s8, $0xFFFFF086  }
0x1c: {  	p1 =	slt.u32 s9, $0xF7A;
	s5 =	simm.s32 @!p2 $0x0  }
0x1d: {  	s5 =	simm.s32 @p1 $0x1;
	p0 =	seq.s32 s7, s2  }
0x1e: {  	s7 =	smul.u32 @!p0 $0xF7A, s2;
	p2 =	seq.s32 @!p0 s5, $0x0  }
0x1f: {  	s9 =	smul.u32 $0xF7A, s1;
	s8 =	simm.s32 @!p0 $0x1BF5;
	p2 =	por !p2, p0  }
0x20: {  	[sflag:s8] =	ssyncset.s32 @!p0 $0xFFFFF086;
	s6 =	sadd.s32 @!p0 s3, s7;
	s7 =	simm.s32 @!p0 $0x108  }
0x21: {  	s3 =	sadd.s32 s3, s9;
	s6 =	sadd.s32 @!p0 $0x88, s6;
	s7 =	simm.s32 @p2 $0x1082  }
0x22: {  	[simem:s7], [sflag:s8] =	dma.local @!p0 [hbm:s6], $0xF7A  }
0x23: {  	s9 =	sor.u32 $0xD0000000, s2;
	s6 =	simm.s32 $0x108;
	_ =	swait.ge @!p0 [sflag:s8], $0x0  }
0x24: {  	s3 =	sadd.s32 $0x88, s3;
	s6 =	simm.s32 @!p1 $0x1082;
	[sflag:s4] =	ssyncset.s32 $0xFFFFF086  }
0x25: {  	[simem:s6], [sflag:s4] =	dma.local [hbm:s3], $0xF7A  }
0x26: {  	[smem:$0x3F9E] =	sst s1;
	(tag) =	ssettag s2;
	_ =	strace s9  }
0x27: {  	s1 =	sld [smem:$0x3FAE]  }
0x28: {  	s2 =	sld [smem:$0x3FAF]  }
0x29: {  	s4 =	sld [smem:$0x3FB1]  }
0x2a: {  	p0 =	seq.s32 s5, $0x0;
	s5 =	sld [smem:$0x3FB2]  }
0x2b: {  	s6 =	sld [smem:$0x3FB3]  }
0x2c: {  	s7 =	sld [smem:$0x3FB4]  }
0x2d: {  	s3 =	simm.s32 $0x108;
	s8 =	sld [smem:$0x3FB5]  }
0x2e: {  	s3 =	simm.s32 @!p0 $0x1082;
	s9 =	sld [smem:$0x3FB6]  }
0x2f: {  	lr =	sadd.s32 s0, s3;
	s0 =	sld [smem:$0x3FAD]  }
0x30: {  	s3 =	sld [smem:$0x3FB0]  }
0x31: {  	[smem:$0x3FB9] =	sst s10  }
0x32: {  	s10 =	sld [smem:$0x3FB7];
	_ =	sdelay $0x3  }
0x33: {  	p0 =	seq.s32 s10, $0x1;
	s10 =	sld [smem:$0x3FB9];
	_ =	sdelay $0x3  }
0x34: {  	[smem:$0x3FB9] =	sst s10  }
0x35: {  	s10 =	sld [smem:$0x3FB8];
	_ =	sdelay $0x3  }
0x36: {  	p1 =	seq.s32 s10, $0x1;
	s10 =	sld [smem:$0x3FB9];
	_ =	sdelay $0x3  }
0x37: {  	[smem:$0x3FB9] =	sst s10  }
0x38: {  	s10 =	sld [smem:$0x3FBA]  }
0x39: {  	_ = 	snop;
	(pc) =	sbr.ind lr, $3  }
0x3a: {  	_ = 	snop  }
0x3b: {  	_ = 	snop  }
0x3c: {  	p2 =	seq.s32 s10, $0x1;
	s10 =	sld [smem:$0x3FB9]  }
0x3d: {  	_ =	shalt  }
0x3e: {  	_ =	shalt  }
0x3f: {  	_ =	shalt  }
0x40: {  	_ =	shalt  }
0x41: {  	_ =	shalt  }
0x42: {  	_ =	shalt  }
0x43: {  	_ =	shalt  }
0x44: {  	_ =	shalt  }
0x45: {  	_ =	shalt  }
0x46: {  	_ =	shalt  }
0x47: {  	_ =	shalt  }
0x48: {  	_ =	shalt  }
0x49: {  	_ =	shalt  }
0x4a: {  	_ =	shalt  }
0x4b: {  	_ =	shalt  }
0x4c: {  	_ =	shalt  }
0x4d: {  	_ =	shalt  }
0x4e: {  	_ =	shalt  }
0x4f: {  	_ =	shalt  }
0x50: {  	_ =	shalt  }
0x51: {  	_ =	shalt  }
0x52: {  	_ =	shalt  }
0x53: {  	_ =	shalt  }
0x54: {  	_ =	shalt  }
0x55: {  	_ =	shalt  }
0x56: {  	_ =	shalt  }
0x57: {  	_ =	shalt  }
0x58: {  	_ =	shalt  }
0x59: {  	_ =	shalt  }
0x5a: {  	_ =	shalt  }
0x5b: {  	_ =	shalt  }
0x5c: {  	_ =	shalt  }
0x5d: {  	_ =	shalt  }
0x5e: {  	_ =	shalt  }
0x5f: {  	_ =	shalt  }
0x60: {  	_ =	shalt  }
0x61: {  	_ =	shalt  }
0x62: {  	_ =	shalt  }
0x63: {  	_ =	shalt  }
0x64: {  	_ =	shalt  }
0x65: {  	_ =	shalt  }
0x66: {  	_ =	shalt  }
0x67: {  	_ =	shalt  }
0x68: {  	_ =	shalt  }
0x69: {  	_ =	shalt  }
0x6a: {  	_ =	shalt  }
0x6b: {  	_ =	shalt  }
0x6c: {  	_ =	shalt  }
0x6d: {  	_ =	shalt  }
0x6e: {  	_ =	shalt  }
0x6f: {  	_ =	shalt  }
0x70: {  	_ =	shalt  }
0x71: {  	_ =	shalt  }
0x72: {  	_ =	shalt  }
0x73: {  	_ =	shalt  }
0x74: {  	_ =	shalt  }
0x75: {  	_ =	shalt  }
0x76: {  	_ =	shalt  }
0x77: {  	_ =	shalt  }
0x78: {  	_ =	shalt  }
0x79: {  	_ =	shalt  }
0x7a: {  	_ =	shalt  }
0x7b: {  	_ =	shalt  }
0x7c: {  	_ =	shalt  }
0x7d: {  	_ =	shalt  }
0x7e: {  	_ =	shalt  }
0x7f: {  	_ =	shalt  }
0x80: {  	_ =	shalt  }
0x81: {  	_ =	shalt  }
0x82: {  	_ =	shalt  }
0x83: {  	_ =	shalt  }
0x84: {  	_ =	shalt  }
0x85: {  	_ =	shalt  }
0x86: {  	_ =	shalt  }
0x87: {  	_ =	shalt  }
.Lfunc_end0:
.L_simem_size_0:
called_computation_lowered:
.L_overlay_start_0:
0x88: {  	s2 =	sld [smem:$0x3FD9]  }
0x89: {  	s3 =	sld [smem:$0x3FFE];
	_ =	sdelay $0x1  }
0x8a: {  	s1 =	srdreg.scid  }
0x8b: {  	s0 =	sand.u32 $0x1, s1  }
0x8c: {  	s17 =	sshll.u32 s0, $0xA;
	s2 =	sadd.s32 s3, s2  }
0x8d: {  	s2 =	sadd.s32 s2, s17  }
0x8e: {  	[smem:$0x3FC5] =	sst s2  }
0x8f: {  	_ = 	snop  }
0x90: {  	s2 =	sld [smem:$0x3FC8]  }
0x91: {  	s18 =	sld [smem:$0x3FC7];
	(tm) =	ssettm $0x1  }
0x92: {  	s4 =	sld [smem:$0x3FFB];
	_ =	sdelay $0x3  }
0x93: {  	_ =	strace s4  }
0x94: {  	s4 =	sld [smem:$0x3FFC];
	_ =	sdelay $0x3  }
0x95: {  	_ =	strace s4  }
0x96: {  	s4 =	sld [smem:$0x3FFD];
	_ =	sdelay $0x3  }
0x97: {  	_ =	strace s4  }
0x98: {  	_ =	strace $0x8FFFFFFF  }
0x99: {  	s19 =	sld [smem:$0x3FDB];
	_ =	sdelay $0x1  }
0x9a: {  	s5 =	simm.s32 $_scs_section_size  }
0x9b: {  	s6 =	simm.s32 $_size__tile_overlayer_lowered;
	s7 =	simm.s32 $_tile_overlayer_lowered  }
0x9c: {  	s22 =	simm.s32 $0x1BFF;
	s21 =	sshll.u32 s7, $0x1;
	s4 =	sadd.s32 s5, s19  }
0x9d: {  	s8 =	simm.s32 $0x0;
	s20 =	sshll.u32 s6, $0x1;
	s6 =	sadd.s32 s21, s4  }
0x9e: {  	[timem:s8], [sflag:s22] =	dma.local [hbm:s6], s20  }
0x9f: {  	_ =	swait.ge [sflag:s22], s20  }
0xa0: {  	s5 =	ssub.s32 $0x0, s20;
	[sflag:s22] =	ssyncset.done $0x0  }
0xa1: {  	[sflag:s22] =	ssyncadd.s32 s5;
	_ =	sdelay $0x1  }
0xa2: {  	s23 =	simm.s32 $0x1B8B  }
0xa3: {  	_ =	swait.ge [sflag:s23], $0x1  }
0xa4: {  	[sflag:s23] =	ssyncset.done $0x0  }
0xa5: {  	s25 =	simm.s32 $0x1B8E;
	s24 =	sld [smem:$0x3FFE];
	[sflag:s23] =	ssyncadd.s32 $0xFFFFFFFF  }
0xa6: {  	s26 =	simm.s32 $execute0_lowered;
	[smem:$0x3FD2] =	sst s25  }
0xa7: {  	s6 =	sshll.u32 s26, $0x1;
	_ =	strace $0x80000046;
	[dreg:$0x1] =	wrdreg $0xFFFFFFFF  }
0xa8: {  	s28 =	simm.s32 $_size_execute0_lowered;
	s4 =	sadd.s32 s4, s6;
	[dreg:$0x0] =	wrdreg $0x0  }
0xa9: {  	s6 =	sshll.u32 s28, $0x1;
	[dreg:$0x2] =	wrdreg s4  }
0xaa: {  	[dreg:$0x3] =	wrdreg s6  }
0xab: {  	[dreg:$0x4] =	wrdreg $0xC0  }
0xac: {  	_ =	task [dreg:s8], $0x5FFFF  }
0xad: {  	[dreg:$0x1] =	wrdreg $0xFFFFFFFF  }
0xae: {  	[dreg:$0x0] =	wrdreg $0x60  }
0xaf: {  	[dreg:$0x2] =	wrdreg s24  }
0xb0: {  	[dreg:$0x3] =	wrdreg s18  }
0xb1: {  	[dreg:$0x4] =	wrdreg s2  }
0xb2: {  	[dreg:$0x5] =	wrdreg $0x13D000  }
0xb3: {  	[dreg:$0x6] =	wrdreg $0x9  }
0xb4: {  	_ =	task.clear_ibuf [dreg:s8], $0x7FFFF;
	_ =	strace $0x90000046  }
0xb5: {  	s29 =	simm.s32 $0x9;
	_ =	strace $0x80000048  }
0xb6: {  	_ =	swait.ge [sflag:s29], $0x1  }
0xb7: {  	[sflag:s29] =	ssyncadd.s32 $0xFFFFFFFF  }
0xb8: {  	_ =	strace $0x90000048  }
0xb9: {  	_ =	sfence  }
0xba: {  	s30 =	sld [smem:$0x0];
	_ =	sdelay $0x2  }
0xbb: {  	s31 =	sshll.u32 s1, $0xD;
	s1 =	sshrl.u32 s1, $0x2  }
0xbc: {  	s3 =	sand.u32 $0x4000, s31;
	s1 =	sadd.s32 s1, s30  }
0xbd: {  	s0 =	sor.u32 s3, s0;
	s1 =	sshll.u32 s1, $0x11  }
0xbe: {  	s0 =	sor.u32 s1, s0  }
0xbf: {  	s0 =	sadd.s32 $0x8F2B, s0  }
0xc0: {  	[sflag:s0] =	ssyncadd.remote.s32 $0x1  }
0xc1: {  	_ =	sfence.sel $0xFFFF  }
0xc2: {  	[dreg:$0x0] =	wrdreg $0xFFFFFFFF;
	(pc) =	sbr.abs _section_cstart, $3  }
0xc3: {  	[dreg:$0x1] =	wrdreg $0xFFFFFFFF  }
0xc4: {  	_ =	task.clear_ibuf [dreg:s8], $0x2FFFF;
	_ =	strace $0x9FFFFFFF  }
0xc5: {  	(tm) =	ssettm $0x7FFFFFFF  }
tec
execute0_lowered:
.L_overlay_start_1:
0x0: {  	(tag) =	ssettag $0x1  }
0x1: {  	s4 =	rddreg [dreg:$0x0]  }
0x2: {  	s5 =	rddreg [dreg:$0x1]  }
0x3: {  	s6 =	rddreg [dreg:$0x2]  }
0x4: {  	s0 =	srdreg.scid;
	s2 =	rddreg [dreg:$0x3]  }
0x5: {  	s1 =	rddreg [dreg:$0x4];
	s3 =	simm.s32 $0x0;
	s12 =	simm.s32 $0x3  }
0x6: {  	s13 =	simm.s32 $0x8000;
	s14 =	simm.s32 $0x8100;
	s15 =	simm.s32 $0x1  }
0x7: {  	s16 =	simm.s32 $0x2;
	s17 =	simm.s32 $0xD100;
	s7 =	sand.u32 $0x1, s0  }
0x8: {  	s18 =	simm.s32 $0xDD00;
	s0 =	stileid.u32;
	s8 =	smul.u32 $0x60000, s7  }
0x9: {  	s19 =	simm.s32 $0x0;
	[smem:$0x7FF] =	sst s3;
	s9 =	smul.u32 $0x6000, s0  }
0xa: {  	s10 =	sshll.u32 s0, $0xC;
	_ =	strace $0x80000047;
	s29 =	ssub.s32 $0x2, s7  }
0xb: {  	s11 =	sshll.u32 s0, $0xB;
	s7 =	sshll.u32 s7, $0xA;
	s31 =	sshll.u32 s0, $0x8  }
0xc: {  	s28 =	sadd.s32 s10, s4;
	s30 =	sshrl.u32 s29, $0x1;
	s7 =	sor.u32 s7, s11  }
0xd: {  	s11 =	simm.s32 $0xB100;
	s8 =	sadd.s32 s9, s8;
	s10 =	ssub.s32 s29, s30  }
0xe: {  	s8 =	sshrl.u32 s8, $0x3;
	s9 =	smax.u32 s10, $0x1;
	s10 =	simm.s32 $0x9100  }
0xf: {  	v0 =	vlaneseq.u32;
	v2 =	vimm.s32 $0x0;
	s8 =	sadd.s32 s8, s4;
	s4 =	sadd.s32 s5, s7;
	s5 =	sadd.s32 s6, s7  }
0x10: {  	v3 =	vimm.f32 $0.0e+00;
	v4 =	vimm.f32 $1.000000000e+00;
	v1 =	vmul.u32 $0x80, v0;
	s6 =	sadd.s32 $0x600, s28;
	s7 =	sadd.s32 s31, s2;
	s8 =	sadd.s32 $0x10600, s8  }
.LBB2_1:
0x11: {  	[tilespmem:s10], [sflag:$0x1] =	stream.linear.gather [hbm4b:s4+s3], $0x2000, $0x38;
	[tilespmem:$0x13E00] =	vst v63  }
0x12: {  	v5 =	vmov s3  }
0x13: {  	v5 =	vshll.u32 v5, $0x7;
	[tilespmem:s11], [sflag:$0x2] =	stream.linear.gather [hbm4b:s5+s3], $0x2000, $0x38;
	[tilespmem:$0x13E00] =	vst v63  }
0x14: {  	v5 =	vor.u32 v1, v5  }
0x15: {  	[tilespmem:s3], [sflag:$0x3] =	stream.linear.gather [hbm4b:s6+s3], $0x8000, $0x38;
	[tilespmem:$0x13E00] =	vst v63  }
0x16: {  	v6 =	vor.u32 $0x1, v5;
	_ =	swait.ge [sflag:s12], $0x8000  }
0x17: {  	[sflag:s12] =	ssyncset.done $0x0  }
0x18: {  	v7 =	vor.u32 $0x2, v5;
	[sflag:s12] =	ssyncadd.s32 $0xFFFF8000  }
0x19: {  	v8 =	vld.idx.msk [tilespmem:v5+s3+$0x0], $0xffff  }
0x1a: {  	v9 =	vor.u32 $0x3, v5  }
0x1b: {  	v6 =	vld.idx.msk [tilespmem:v6+s3+$0x0], $0xffff  }
0x1c: {  	v10 =	vor.u32 $0x4, v5  }
0x1d: {  	v7 =	vld.idx.msk [tilespmem:v7+s3+$0x0], $0xffff  }
0x1e: {  	v11 =	vor.u32 $0x5, v5;
	vm0 =	vgt.f32 v8, $-Inf  }
0x1f: {  	v9 =	vld.idx.msk [tilespmem:v9+s3+$0x0], $0xffff;
	v8 =	vnsel vm0, $0xFF800000, v8  }
0x20: {  	v12 =	vor.u32 $0x6, v5;
	vm0 =	vgt.f32 v6, v8  }
0x21: {  	v10 =	vld.idx.msk [tilespmem:v10+s3+$0x0], $0xffff;
	v6 =	vsel vm0, v6, v8  }
0x22: {  	v8 =	vor.u32 $0x7, v5;
	vm1 =	vgt.f32 v7, v6  }
0x23: {  	v11 =	vld.idx.msk [tilespmem:v11+s3+$0x0], $0xffff;
	v6 =	vsel vm1, v7, v6  }
0x24: {  	v7 =	vor.u32 $0x8, v5;
	vm2 =	vgt.f32 v9, v6  }
0x25: {  	v12 =	vld.idx.msk [tilespmem:v12+s3+$0x0], $0xffff;
	v6 =	vsel vm2, v9, v6  }
0x26: {  	v9 =	vor.u32 $0x9, v5;
	vm3 =	vgt.f32 v10, v6  }
0x27: {  	v8 =	vld.idx.msk [tilespmem:v8+s3+$0x0], $0xffff;
	v6 =	vsel vm3, v10, v6  }
0x28: {  	v10 =	vor.u32 $0xA, v5;
	vm4 =	vgt.f32 v11, v6  }
0x29: {  	v7 =	vld.idx.msk [tilespmem:v7+s3+$0x0], $0xffff;
	v6 =	vsel vm4, v11, v6  }
0x2a: {  	v11 =	vor.u32 $0xB, v5;
	vm5 =	vgt.f32 v12, v6  }
0x2b: {  	v9 =	vld.idx.msk [tilespmem:v9+s3+$0x0], $0xffff;
	v6 =	vsel vm5, v12, v6  }
0x2c: {  	v62 =	vor.u32 $0xC, v5;
	vm6 =	vgt.f32 v8, v6  }
0x2d: {  	v10 =	vld.idx.msk [tilespmem:v10+s3+$0x0], $0xffff;
	v6 =	vsel vm6, v8, v6  }
0x2e: {  	v8 =	vor.u32 $0xD, v5;
	vm7 =	vgt.f32 v7, v6  }
0x2f: {  	v11 =	vld.idx.msk [tilespmem:v11+s3+$0x0], $0xffff;
	v6 =	vsel vm7, v7, v6  }
0x30: {  	v7 =	vor.u32 $0xE, v5;
	vm8 =	vgt.f32 v9, v6  }
0x31: {  	v12 =	vld.idx.msk [tilespmem:v62+s3+$0x0], $0xffff;
	v6 =	vsel vm8, v9, v6  }
0x32: {  	v9 =	vor.u32 $0xF, v5;
	vm9 =	vgt.f32 v10, v6  }
0x33: {  	v8 =	vld.idx.msk [tilespmem:v8+s3+$0x0], $0xffff;
	v6 =	vsel vm9, v10, v6  }
0x34: {  	v10 =	vor.u32 $0x10, v5;
	vm10 =	vgt.f32 v11, v6  }
0x35: {  	v13 =	vimm.s32 $0x0;
	v7 =	vld.idx.msk [tilespmem:v7+s3+$0x0], $0xffff;
	v6 =	vsel vm10, v11, v6  }
0x36: {  	v13 =	vsel vm10, $0xFFFFFFFF, v13;
	v11 =	vor.u32 $0x11, v5;
	vm10 =	vgt.f32 v12, v6  }
0x37: {  	v63 =	vimm.s32 $0x0;
	v9 =	vld.idx.msk [tilespmem:v9+s3+$0x0], $0xffff;
	v6 =	vsel vm10, v12, v6  }
0x38: {  	v16 =	vor.u32 $0x12, v5;
	[tilespmem:$0x1FEA0] =	vst v13;
	v13 =	vsel vm10, $0xFFFFFFFF, v63;
	vm10 =	vgt.f32 v8, v6  }
0x39: {  	v17 =	vimm.s32 $0x0;
	v10 =	vld.idx.msk [tilespmem:v10+s3+$0x0], $0xffff;
	v6 =	vsel vm10, v8, v6  }
0x3a: {  	[tilespmem:$0x1FEB0] =	vst v13;
	v13 =	vsel vm10, $0xFFFFFFFF, v17;
	v8 =	vor.u32 $0x13, v5;
	vm10 =	vgt.f32 v7, v6  }
0x3b: {  	v18 =	vimm.s32 $0x0;
	v11 =	vld.idx.msk [tilespmem:v11+s3+$0x0], $0xffff;
	v6 =	vsel vm10, v7, v6  }
0x3c: {  	[tilespmem:$0x1FEC0] =	vst v13;
	v13 =	vsel vm10, $0xFFFFFFFF, v18;
	v7 =	vor.u32 $0x14, v5;
	vm10 =	vgt.f32 v9, v6  }
0x3d: {  	v19 =	vimm.s32 $0x0;
	v12 =	vld.idx.msk [tilespmem:v16+s3+$0x0], $0xffff;
	v6 =	vsel vm10, v9, v6  }
0x3e: {  	[tilespmem:$0x1FED0] =	vst v13;
	v13 =	vsel vm10, $0xFFFFFFFF, v19;
	v9 =	vor.u32 $0x15, v5;
	vm10 =	vgt.f32 v10, v6  }
0x3f: {  	v20 =	vimm.s32 $0x0;
	v8 =	vld.idx.msk [tilespmem:v8+s3+$0x0], $0xffff;
	v6 =	vsel vm10, v10, v6  }
0x40: {  	[tilespmem:$0x1FEE0] =	vst v13;
	v13 =	vsel vm10, $0xFFFFFFFF, v20;
	v10 =	vor.u32 $0x16, v5;
	vm10 =	vgt.f32 v11, v6  }
0x41: {  	v21 =	vimm.s32 $0x0;
	v7 =	vld.idx.msk [tilespmem:v7+s3+$0x0], $0xffff;
	v6 =	vsel vm10, v11, v6  }
0x42: {  	[tilespmem:$0x1FEF0] =	vst v13;
	v13 =	vsel vm10, $0xFFFFFFFF, v21;
	v11 =	vor.u32 $0x17, v5;
	vm10 =	vgt.f32 v12, v6  }
0x43: {  	v22 =	vimm.s32 $0x0;
	v9 =	vld.idx.msk [tilespmem:v9+s3+$0x0], $0xffff;
	v6 =	vsel vm10, v12, v6  }
0x44: {  	v23 =	vor.u32 $0x18, v5;
	[tilespmem:$0x1FF00] =	vst v13;
	v13 =	vsel vm10, $0xFFFFFFFF, v22;
	vm10 =	vgt.f32 v8, v6  }
0x45: {  	v24 =	vimm.s32 $0x0;
	v10 =	vld.idx.msk [tilespmem:v10+s3+$0x0], $0xffff;
	v6 =	vsel vm10, v8, v6  }
0x46: {  	[tilespmem:$0x1FF10] =	vst v13;
	v13 =	vsel vm10, $0xFFFFFFFF, v24;
	v8 =	vor.u32 $0x19, v5;
	vm10 =	vgt.f32 v7, v6  }
0x47: {  	v25 =	vimm.s32 $0x0;
	v11 =	vld.idx.msk [tilespmem:v11+s3+$0x0], $0xffff;
	v6 =	vsel vm10, v7, v6  }
0x48: {  	[tilespmem:$0x1FF20] =	vst v13;
	v13 =	vsel vm10, $0xFFFFFFFF, v25;
	v7 =	vor.u32 $0x1A, v5;
	vm10 =	vgt.f32 v9, v6  }
0x49: {  	v26 =	vimm.s32 $0x0;
	v12 =	vld.idx.msk [tilespmem:v23+s3+$0x0], $0xffff;
	v6 =	vsel vm10, v9, v6  }
0x4a: {  	[tilespmem:$0x1FF30] =	vst v13;
	v13 =	vsel vm10, $0xFFFFFFFF, v26;
	v9 =	vor.u32 $0x1B, v5;
	vm10 =	vgt.f32 v10, v6  }
0x4b: {  	v27 =	vimm.s32 $0x0;
	v8 =	vld.idx.msk [tilespmem:v8+s3+$0x0], $0xffff;
	v6 =	vsel vm10, v10, v6  }
0x4c: {  	[tilespmem:$0x1FF40] =	vst v13;
	v13 =	vsel vm10, $0xFFFFFFFF, v27;
	v10 =	vor.u32 $0x1C, v5;
	vm10 =	vgt.f32 v11, v6  }
0x4d: {  	v28 =	vimm.s32 $0x0;
	v7 =	vld.idx.msk [tilespmem:v7+s3+$0x0], $0xffff;
	v6 =	vsel vm10, v11, v6  }
0x4e: {  	[tilespmem:$0x1FF50] =	vst v13;
	v13 =	vsel vm10, $0xFFFFFFFF, v28;
	v11 =	vor.u32 $0x1D, v5;
	vm10 =	vgt.f32 v12, v6  }
0x4f: {  	v29 =	vimm.s32 $0x0;
	v9 =	vld.idx.msk [tilespmem:v9+s3+$0x0], $0xffff;
	v6 =	vsel vm10, v12, v6  }
0x50: {  	v30 =	vor.u32 $0x1E, v5;
	[tilespmem:$0x1FF60] =	vst v13;
	v13 =	vsel vm10, $0xFFFFFFFF, v29;
	vm10 =	vgt.f32 v8, v6  }
0x51: {  	v31 =	vimm.s32 $0x0;
	v10 =	vld.idx.msk [tilespmem:v10+s3+$0x0], $0xffff;
	v6 =	vsel vm10, v8, v6  }
0x52: {  	[tilespmem:$0x1FF70] =	vst v13;
	v13 =	vsel vm10, $0xFFFFFFFF, v31;
	v8 =	vor.u32 $0x1F, v5;
	vm10 =	vgt.f32 v7, v6  }
0x53: {  	v32 =	vimm.s32 $0x0;
	v11 =	vld.idx.msk [tilespmem:v11+s3+$0x0], $0xffff;
	v6 =	vsel vm10, v7, v6  }
0x54: {  	[tilespmem:$0x1FF80] =	vst v13;
	v13 =	vsel vm10, $0xFFFFFFFF, v32;
	v7 =	vor.u32 $0x20, v5;
	vm10 =	vgt.f32 v9, v6  }
0x55: {  	v33 =	vimm.s32 $0x0;
	v12 =	vld.idx.msk [tilespmem:v30+s3+$0x0], $0xffff;
	v6 =	vsel vm10, v9, v6  }
0x56: {  	[tilespmem:$0x1FF90] =	vst v13;
	v13 =	vsel vm10, $0xFFFFFFFF, v33;
	v9 =	vor.u32 $0x21, v5;
	vm10 =	vgt.f32 v10, v6  }
0x57: {  	v34 =	vimm.s32 $0x0;
	v8 =	vld.idx.msk [tilespmem:v8+s3+$0x0], $0xffff;
	v6 =	vsel vm10, v10, v6  }
0x58: {  	[tilespmem:$0x1FFA0] =	vst v13;
	v13 =	vsel vm10, $0xFFFFFFFF, v34;
	v10 =	vor.u32 $0x22, v5;
	vm10 =	vgt.f32 v11, v6  }
0x59: {  	v35 =	vimm.s32 $0x0;
	v7 =	vld.idx.msk [tilespmem:v7+s3+$0x0], $0xffff;
	v6 =	vsel vm10, v11, v6  }
0x5a: {  	[tilespmem:$0x1FFB0] =	vst v13;
	v13 =	vsel vm10, $0xFFFFFFFF, v35;
	v11 =	vor.u32 $0x23, v5;
	vm10 =	vgt.f32 v12, v6  }
0x5b: {  	v36 =	vimm.s32 $0x0;
	v9 =	vld.idx.msk [tilespmem:v9+s3+$0x0], $0xffff;
	v6 =	vsel vm10, v12, v6  }
0x5c: {  	v37 =	vor.u32 $0x24, v5;
	[tilespmem:$0x1FFC0] =	vst v13;
	v13 =	vsel vm10, $0xFFFFFFFF, v36;
	vm10 =	vgt.f32 v8, v6  }
0x5d: {  	v38 =	vimm.s32 $0x0;
	v10 =	vld.idx.msk [tilespmem:v10+s3+$0x0], $0xffff;
	v6 =	vsel vm10, v8, v6  }
0x5e: {  	[tilespmem:$0x1FFD0] =	vst v13;
	v13 =	vsel vm10, $0xFFFFFFFF, v38;
	v8 =	vor.u32 $0x25, v5;
	vm10 =	vgt.f32 v7, v6  }
0x5f: {  	v11 =	vld.idx.msk [tilespmem:v11+s3+$0x0], $0xffff;
	v6 =	vsel vm10, v7, v6  }
0x60: {  	vm14 =	vgt.f32 v9, v6  }
0x61: {  	v12 =	vld.idx.msk [tilespmem:v37+s3+$0x0], $0xffff;
	v6 =	vsel vm14, v9, v6  }
0x62: {  	vm13 =	vgt.f32 v10, v6  }
0x63: {  	v41 =	vor.u32 $0x26, v5;
	v8 =	vld.idx.msk [tilespmem:v8+s3+$0x0], $0xffff;
	v6 =	vsel vm13, v10, v6  }
0x64: {  	v40 =	vsel vm0, $0x1, v2;
	vm12 =	vgt.f32 v11, v6  }
0x65: {  	v39 =	vimm.s32 $0x0;
	v7 =	vsel vm1, $0x2, v40;
	v6 =	vsel vm12, v11, v6  }
0x66: {  	v7 =	vsel vm2, $0x3, v7;
	v9 =	vor.u32 $0x27, v5;
	vm11 =	vgt.f32 v12, v6  }
0x67: {  	v14 =	vld [tilespmem:$0x1FEA0];
	[tilespmem:$0x1FFE0] =	vst v13;
	v13 =	vsel vm10, $0xFFFFFFFF, v39;
	v7 =	vsel vm3, $0x4, v7;
	v6 =	vsel vm11, v12, v6  }
0x68: {  	[tilespmem:$0x1FFF0] =	vst v13;
	v13 =	vld.idx.msk [tilespmem:v41+s3+$0x0], $0xffff;
	v7 =	vsel vm4, $0x5, v7;
	vm10 =	vgt.f32 v8, v6  }
0x69: {  	v7 =	vsel vm5, $0x6, v7;
	v6 =	vsel vm10, v8, v6;
	v8 =	vld [tilespmem:$0x1FEB0]  }
0x6a: {  	v43 =	vld [tilespmem:$0x1FEC0];
	v7 =	vsel vm6, $0x7, v7  }
0x6b: {  	v10 =	vor.u32 $0x28, v5;
	v7 =	vsel vm7, $0x8, v7;
	v9 =	vld.idx.msk [tilespmem:v9+s3+$0x0], $0xffff  }
0x6c: {  	v7 =	vsel vm8, $0x9, v7  }
0x6d: {  	v44 =	vld [tilespmem:$0x1FED0];
	vm6 =	vnez.u8 v14;
	v11 =	vor.u32 $0x29, v5;
	v7 =	vsel vm9, $0xA, v7  }
0x6e: {  	v46 =	vld [tilespmem:$0x1FEE0];
	v7 =	vsel vm6, $0xB, v7;
	vm9 =	vgt.f32 v13, v6;
	vm7 =	vnez.u8 v8  }
0x6f: {  	v47 =	vld [tilespmem:$0x1FF00];
	vm8 =	vnez.u8 v43;
	v6 =	vsel vm9, v13, v6;
	v7 =	vsel vm7, $0xC, v7  }
0x70: {  	v10 =	vld.idx.msk [tilespmem:v10+s3+$0x0], $0xffff;
	v7 =	vsel vm8, $0xD, v7;
	vm8 =	vgt.f32 v9, v6  }
0x71: {  	v6 =	vsel vm8, v9, v6;
	v9 =	vld [tilespmem:$0x1FEF0];
	_ =	sdelay $0x1  }
0x72: {  	v11 =	vld.idx.msk [tilespmem:v11+s3+$0x0], $0xffff  }
0x73: {  	v42 =	vor.u32 $0x2A, v5;
	vm15 =	vnez.u8 v44  }
0x74: {  	vm4 =	vnez.u8 v46;
	vm6 =	vnez.u8 v47;
	v7 =	vsel vm15, $0xE, v7  }
0x75: {  	v48 =	vld [tilespmem:$0x1FF20];
	v7 =	vsel vm4, $0xF, v7;
	vm7 =	vgt.f32 v10, v6;
	vm5 =	vnez.u8 v9  }
0x76: {  	v8 =	vor.u32 $0x2B, v5;
	v6 =	vsel vm7, v10, v6;
	v10 =	vld [tilespmem:$0x1FF10];
	v7 =	vsel vm5, $0x10, v7  }
0x77: {  	v49 =	vld [tilespmem:$0x1FF40];
	v7 =	vsel vm6, $0x11, v7;
	vm6 =	vgt.f32 v11, v6  }
0x78: {  	v45 =	vor.u32 $0x2C, v5;
	v6 =	vsel vm6, v11, v6;
	v11 =	vld [tilespmem:$0x1FF30]  }
0x79: {  	v12 =	vld.idx.msk [tilespmem:v42+s3+$0x0], $0xffff  }
0x7a: {  	v50 =	vld [tilespmem:$0x1FF50];
	v9 =	vor.u32 $0x2D, v5  }
0x7b: {  	v8 =	vld.idx.msk [tilespmem:v8+s3+$0x0], $0xffff;
	vm15 =	vnez.u8 v10;
	v10 =	vor.u32 $0x2E, v5  }
0x7c: {  	v52 =	vld [tilespmem:$0x1FF60];
	vm4 =	vnez.u8 v48;
	v7 =	vsel vm15, $0x12, v7  }
0x7d: {  	v13 =	vld.idx.msk [tilespmem:v45+s3+$0x0], $0xffff;
	v7 =	vsel vm4, $0x13, v7;
	vm5 =	vnez.u8 v11  }
0x7e: {  	v53 =	vld [tilespmem:$0x1FF80];
	vm15 =	vnez.u8 v49;
	v7 =	vsel vm5, $0x14, v7;
	vm5 =	vgt.f32 v12, v6  }
0x7f: {  	vm4 =	vnez.u8 v50;
	v9 =	vld.idx.msk [tilespmem:v9+s3+$0x0], $0xffff;
	v7 =	vsel vm15, $0x15, v7;
	v6 =	vsel vm5, v12, v6  }
0x80: {  	v10 =	vld.idx.msk [tilespmem:v10+s3+$0x0], $0xffff;
	v7 =	vsel vm4, $0x16, v7;
	vm4 =	vgt.f32 v8, v6  }
0x81: {  	v11 =	vor.u32 $0x2F, v5;
	v6 =	vsel vm4, v8, v6;
	v8 =	vld [tilespmem:$0x1FF70]  }
0x82: {  	v54 =	vld [tilespmem:$0x1FF90];
	vm3 =	vgt.f32 v13, v6  }
0x83: {  	v56 =	vld [tilespmem:$0x1FFA0];
	v6 =	vsel vm3, v13, v6  }
0x84: {  	v57 =	vld [tilespmem:$0x1FFC0];
	vm15 =	vnez.u8 v52;
	vm2 =	vgt.f32 v9, v6  }
0x85: {  	v51 =	vor.u32 $0x30, v5;
	v7 =	vsel vm15, $0x17, v7;
	v6 =	vsel vm2, v9, v6;
	v9 =	vld [tilespmem:$0x1FFB0]  }
0x86: {  	v11 =	vld.idx.msk [tilespmem:v11+s3+$0x0], $0xffff;
	vm15 =	vnez.u8 v8;
	v8 =	vor.u32 $0x31, v5;
	vm1 =	vgt.f32 v10, v6  }
0x87: {  	v7 =	vsel vm15, $0x18, v7;
	vm15 =	vnez.u8 v53;
	v6 =	vsel vm1, v10, v6;
	v10 =	vld [tilespmem:$0x1FFD0]  }
0x88: {  	v58 =	vld [tilespmem:$0x1FFE0];
	v7 =	vsel vm15, $0x19, v7;
	vm15 =	vnez.u8 v54  }
0x89: {  	v55 =	vor.u32 $0x32, v5;
	v59 =	vld [tilespmem:$0x1FFF0];
	v7 =	vsel vm15, $0x1A, v7;
	vm15 =	vnez.u8 v56  }
0x8a: {  	v12 =	vld.idx.msk [tilespmem:v51+s3+$0x0], $0xffff;
	v7 =	vsel vm15, $0x1B, v7;
	vm15 =	vnez.u8 v9  }
0x8b: {  	v9 =	vor.u32 $0x33, v5;
	v7 =	vsel vm15, $0x1C, v7;
	vm15 =	vnez.u8 v57  }
0x8c: {  	vm0 =	vgt.f32 v11, v6;
	v8 =	vld.idx.msk [tilespmem:v8+s3+$0x0], $0xffff;
	v7 =	vsel vm15, $0x1D, v7;
	vm15 =	vnez.u8 v10  }
0x8d: {  	v10 =	vor.u32 $0x34, v5;
	v7 =	vsel vm15, $0x1E, v7;
	vm15 =	vnez.u8 v58  }
0x8e: {  	v13 =	vld.idx.msk [tilespmem:v55+s3+$0x0], $0xffff;
	v6 =	vsel vm0, v11, v6;
	v7 =	vsel vm15, $0x1F, v7;
	vm15 =	vnez.u8 v59  }
0x8f: {  	v11 =	vor.u32 $0x35, v5;
	v7 =	vsel vm15, $0x20, v7;
	vm15 =	vgt.f32 v12, v6  }
0x90: {  	v9 =	vld.idx.msk [tilespmem:v9+s3+$0x0], $0xffff;
	v7 =	vsel vm14, $0x21, v7;
	v6 =	vsel vm15, v12, v6  }
0x91: {  	v60 =	vor.u32 $0x36, v5;
	v7 =	vsel vm13, $0x22, v7;
	vm13 =	vgt.f32 v8, v6  }
0x92: {  	v10 =	vld.idx.msk [tilespmem:v10+s3+$0x0], $0xffff;
	v7 =	vsel vm12, $0x23, v7;
	v6 =	vsel vm13, v8, v6  }
0x93: {  	v8 =	vor.u32 $0x37, v5;
	v7 =	vsel vm11, $0x24, v7;
	vm11 =	vgt.f32 v13, v6  }
0x94: {  	v11 =	vld.idx.msk [tilespmem:v11+s3+$0x0], $0xffff;
	v7 =	vsel vm10, $0x25, v7;
	v6 =	vsel vm11, v13, v6  }
0x95: {  	v61 =	vor.u32 $0x38, v5;
	v7 =	vsel vm9, $0x26, v7;
	vm9 =	vgt.f32 v9, v6  }
0x96: {  	v12 =	vld.idx.msk [tilespmem:v60+s3+$0x0], $0xffff;
	v7 =	vsel vm8, $0x27, v7;
	v6 =	vsel vm9, v9, v6  }
0x97: {  	v9 =	vor.u32 $0x39, v5;
	v7 =	vsel vm7, $0x28, v7;
	vm10 =	vgt.f32 v10, v6  }
0x98: {  	v8 =	vld.idx.msk [tilespmem:v8+s3+$0x0], $0xffff;
	v7 =	vsel vm6, $0x29, v7;
	v6 =	vsel vm10, v10, v6  }
0x99: {  	v10 =	vor.u32 $0x3A, v5;
	v7 =	vsel vm5, $0x2A, v7;
	vm5 =	vgt.f32 v11, v6  }
0x9a: {  	v13 =	vld.idx.msk [tilespmem:v61+s3+$0x0], $0xffff;
	v7 =	vsel vm4, $0x2B, v7;
	v6 =	vsel vm5, v11, v6  }
0x9b: {  	v11 =	vor.u32 $0x3B, v5;
	v7 =	vsel vm3, $0x2C, v7;
	vm12 =	vgt.f32 v12, v6  }
0x9c: {  	v9 =	vld.idx.msk [tilespmem:v9+s3+$0x0], $0xffff;
	v7 =	vsel vm2, $0x2D, v7;
	v6 =	vsel vm12, v12, v6  }
0x9d: {  	v62 =	vor.u32 $0x3C, v5;
	v7 =	vsel vm1, $0x2E, v7;
	vm14 =	vgt.f32 v8, v6  }
0x9e: {  	v10 =	vld.idx.msk [tilespmem:v10+s3+$0x0], $0xffff;
	v7 =	vsel vm0, $0x2F, v7;
	v6 =	vsel vm14, v8, v6  }
0x9f: {  	v8 =	vor.u32 $0x3D, v5;
	v7 =	vsel vm15, $0x30, v7;
	vm15 =	vgt.f32 v13, v6  }
0xa0: {  	v11 =	vld.idx.msk [tilespmem:v11+s3+$0x0], $0xffff;
	v7 =	vsel vm13, $0x31, v7;
	v6 =	vsel vm15, v13, v6  }
0xa1: {  	v63 =	vor.u32 $0x3E, v5;
	v7 =	vsel vm11, $0x32, v7;
	vm8 =	vgt.f32 v9, v6  }
0xa2: {  	v12 =	vld.idx.msk [tilespmem:v62+s3+$0x0], $0xffff;
	v7 =	vsel vm9, $0x33, v7;
	v6 =	vsel vm8, v9, v6  }
0xa3: {  	v5 =	vor.u32 $0x3F, v5;
	v7 =	vsel vm10, $0x34, v7;
	vm10 =	vgt.f32 v10, v6  }
0xa4: {  	v8 =	vld.idx.msk [tilespmem:v8+s3+$0x0], $0xffff;
	v7 =	vsel vm5, $0x35, v7;
	v6 =	vsel vm10, v10, v6  }
0xa5: {  	v7 =	vsel vm12, $0x36, v7;
	vm11 =	vgt.f32 v11, v6  }
0xa6: {  	v9 =	vld.idx.msk [tilespmem:v63+s3+$0x0], $0xffff;
	v7 =	vsel vm14, $0x37, v7;
	v6 =	vsel vm11, v11, v6  }
0xa7: {  	v7 =	vsel vm15, $0x38, v7;
	vm12 =	vgt.f32 v12, v6  }
0xa8: {  	v10 =	vld.idx.msk [tilespmem:v5+s3+$0x0], $0xffff;
	v7 =	vsel vm8, $0x39, v7;
	v5 =	vsel vm12, v12, v6  }
0xa9: {  	s20 =	simm.s32 $0x10;
	v6 =	vsel vm10, $0x3A, v7;
	vm13 =	vgt.f32 v8, v5  }
0xaa: {  	v7 =	vmov s20;
	v6 =	vsel vm11, $0x3B, v6;
	v5 =	vsel vm13, v8, v5  }
0xab: {  	v7 =	vshll.u32 v7, $0x7;
	v6 =	vsel vm12, $0x3C, v6;
	vm14 =	vgt.f32 v9, v5  }
0xac: {  	v6 =	vsel vm13, $0x3D, v6;
	v8 =	vsel vm14, v9, v5;
	v5 =	vor.u32 v1, v7  }
0xad: {  	v6 =	vsel vm14, $0x3E, v6  }
0xae: {  	vm15 =	vgt.f32 v10, v8;
	v9 =	vor.u32 $0x1, v5;
	v8 =	vor.u32 $0x2, v5  }
0xaf: {  	s21 =	simm.s32 $0x20;
	s20 =	simm.s32 $0x8000;
	v7 =	vor.u32 $0x3, v5;
	v10 =	vsel vm15, $0x3F, v6;
	v6 =	vor.u32 $0x4, v5  }
.LBB2_2:
0xb0: {  	[tilespmem:s20+$0x0] =	vst v10  }
0xb1: {  	v10 =	vld.idx.msk [tilespmem:v5+s3+$0x0], $0xffff;
	_ =	sdelay $0x1  }
0xb2: {  	v9 =	vld.idx.msk [tilespmem:v9+s3+$0x0], $0xffff;
	_ =	sdelay $0x1  }
0xb3: {  	v8 =	vld.idx.msk [tilespmem:v8+s3+$0x0], $0xffff  }
0xb4: {  	v11 =	vor.u32 $0x5, v5;
	vm0 =	vgt.f32 v10, $-Inf  }
0xb5: {  	v7 =	vld.idx.msk [tilespmem:v7+s3+$0x0], $0xffff;
	v10 =	vnsel vm0, $0xFF800000, v10  }
0xb6: {  	v12 =	vor.u32 $0x6, v5;
	vm0 =	vgt.f32 v9, v10  }
0xb7: {  	v6 =	vld.idx.msk [tilespmem:v6+s3+$0x0], $0xffff;
	v9 =	vsel vm0, v9, v10  }
0xb8: {  	v13 =	vor.u32 $0x7, v5;
	vm11 =	vgt.f32 v8, v9  }
0xb9: {  	v10 =	vld.idx.msk [tilespmem:v11+s3+$0x0], $0xffff;
	v8 =	vsel vm11, v8, v9  }
0xba: {  	v14 =	vor.u32 $0x8, v5;
	vm2 =	vgt.f32 v7, v8  }
0xbb: {  	v9 =	vld.idx.msk [tilespmem:v12+s3+$0x0], $0xffff;
	v7 =	vsel vm2, v7, v8  }
0xbc: {  	v15 =	vor.u32 $0x9, v5;
	vm3 =	vgt.f32 v6, v7  }
0xbd: {  	v8 =	vld.idx.msk [tilespmem:v13+s3+$0x0], $0xffff;
	v6 =	vsel vm3, v6, v7  }
0xbe: {  	v50 =	vor.u32 $0xA, v5;
	vm4 =	vgt.f32 v10, v6  }
0xbf: {  	v7 =	vld.idx.msk [tilespmem:v14+s3+$0x0], $0xffff;
	v6 =	vsel vm4, v10, v6  }
0xc0: {  	v51 =	vor.u32 $0xB, v5;
	vm5 =	vgt.f32 v9, v6  }
0xc1: {  	v59 =	vld.idx.msk [tilespmem:v15+s3+$0x0], $0xffff;
	v6 =	vsel vm5, v9, v6  }
0xc2: {  	v52 =	vor.u32 $0xC, v5;
	vm6 =	vgt.f32 v8, v6  }
0xc3: {  	v50 =	vld.idx.msk [tilespmem:v50+s3+$0x0], $0xffff;
	v6 =	vsel vm6, v8, v6  }
0xc4: {  	vm7 =	vgt.f32 v7, v6  }
0xc5: {  	v53 =	vor.u32 $0xD, v5;
	v51 =	vld.idx.msk [tilespmem:v51+s3+$0x0], $0xffff;
	v60 =	vsel vm7, v7, v6  }
0xc6: {  	vm8 =	vgt.f32 v59, v60  }
0xc7: {  	v54 =	vor.u32 $0xE, v5;
	v52 =	vld.idx.msk [tilespmem:v52+s3+$0x0], $0xffff;
	v59 =	vsel vm8, v59, v60  }
0xc8: {  	vm9 =	vgt.f32 v50, v59  }
0xc9: {  	v55 =	vor.u32 $0xF, v5;
	v50 =	vsel vm9, v50, v59  }
0xca: {  	v53 =	vld.idx.msk [tilespmem:v53+s3+$0x0], $0xffff;
	vm10 =	vgt.f32 v51, v50  }
0xcb: {  	v56 =	vor.u32 $0x10, v5;
	v61 =	vimm.s32 $0x0;
	v50 =	vsel vm10, v51, v50  }
0xcc: {  	v62 =	vimm.s32 $0x0;
	v54 =	vld.idx.msk [tilespmem:v54+s3+$0x0], $0xffff;
	v59 =	vsel vm10, $0xFFFFFFFF, v61;
	vm10 =	vgt.f32 v52, v50  }
0xcd: {  	v57 =	vor.u32 $0x11, v5;
	v51 =	vsel vm10, $0xFFFFFFFF, v62  }
0xce: {  	v50 =	vsel vm10, v52, v50;
	[tilespmem:$0x1FD60] =	vst v51;
	v51 =	vld.idx.msk [tilespmem:v55+s3+$0x0], $0xffff  }
0xcf: {  	v58 =	vor.u32 $0x12, v5;
	vm10 =	vgt.f32 v53, v50  }
0xd0: {  	v63 =	vimm.s32 $0x0;
	[tilespmem:$0x1FD50] =	vst v59;
	v59 =	vld.idx.msk [tilespmem:v56+s3+$0x0], $0xffff;
	v50 =	vsel vm10, v53, v50  }
0xd1: {  	v49 =	vor.u32 $0x13, v5;
	v52 =	vsel vm10, $0xFFFFFFFF, v63;
	vm10 =	vgt.f32 v54, v50  }
0xd2: {  	v60 =	vimm.s32 $0x0;
	v61 =	vld.idx.msk [tilespmem:v57+s3+$0x0], $0xffff;
	v50 =	vsel vm10, v54, v50  }
0xd3: {  	v48 =	vor.u32 $0x14, v5;
	v53 =	vsel vm10, $0xFFFFFFFF, v60;
	vm10 =	vgt.f32 v51, v50  }
0xd4: {  	v62 =	vimm.s32 $0x0;
	v63 =	vld.idx.msk [tilespmem:v58+s3+$0x0], $0xffff;
	v50 =	vsel vm10, v51, v50  }
0xd5: {  	v47 =	vor.u32 $0x15, v5;
	v54 =	vsel vm10, $0xFFFFFFFF, v62;
	vm10 =	vgt.f32 v59, v50  }
0xd6: {  	v49 =	vld.idx.msk [tilespmem:v49+s3+$0x0], $0xffff;
	v55 =	vimm.s32 $0x0;
	v50 =	vsel vm10, v59, v50  }
0xd7: {  	v46 =	vor.u32 $0x16, v5;
	v51 =	vsel vm10, $0xFFFFFFFF, v55;
	vm10 =	vgt.f32 v61, v50  }
0xd8: {  	v48 =	vld.idx.msk [tilespmem:v48+s3+$0x0], $0xffff;
	v56 =	vimm.s32 $0x0;
	v50 =	vsel vm10, v61, v50  }
0xd9: {  	v45 =	vor.u32 $0x17, v5;
	[tilespmem:$0x1FDA0] =	vst v51;
	v51 =	vsel vm10, $0xFFFFFFFF, v56;
	vm10 =	vgt.f32 v63, v50  }
0xda: {  	v47 =	vld.idx.msk [tilespmem:v47+s3+$0x0], $0xffff;
	v57 =	vimm.s32 $0x0;
	v50 =	vsel vm10, v63, v50  }
0xdb: {  	v44 =	vor.u32 $0x18, v5;
	[tilespmem:$0x1FDB0] =	vst v51;
	v51 =	vsel vm10, $0xFFFFFFFF, v57;
	vm10 =	vgt.f32 v49, v50  }
0xdc: {  	v46 =	vld.idx.msk [tilespmem:v46+s3+$0x0], $0xffff;
	v58 =	vimm.s32 $0x0;
	v49 =	vsel vm10, v49, v50  }
0xdd: {  	v43 =	vor.u32 $0x19, v5;
	[tilespmem:$0x1FDC0] =	vst v51;
	v51 =	vsel vm10, $0xFFFFFFFF, v58;
	vm10 =	vgt.f32 v48, v49  }
0xde: {  	v45 =	vld.idx.msk [tilespmem:v45+s3+$0x0], $0xffff;
	v59 =	vimm.s32 $0x0;
	v48 =	vsel vm10, v48, v49  }
0xdf: {  	v42 =	vor.u32 $0x1A, v5;
	v50 =	vsel vm10, $0xFFFFFFFF, v59;
	vm10 =	vgt.f32 v47, v48  }
0xe0: {  	v44 =	vld.idx.msk [tilespmem:v44+s3+$0x0], $0xffff;
	v60 =	vimm.s32 $0x0;
	v47 =	vsel vm10, v47, v48  }
0xe1: {  	v41 =	vor.u32 $0x1B, v5;
	v49 =	vsel vm10, $0xFFFFFFFF, v60;
	vm10 =	vgt.f32 v46, v47  }
0xe2: {  	v40 =	vor.u32 $0x1C, v5;
	v43 =	vld.idx.msk [tilespmem:v43+s3+$0x0], $0xffff;
	v61 =	vimm.s32 $0x0;
	v46 =	vsel vm10, v46, v47  }
0xe3: {  	v39 =	vor.u32 $0x1D, v5;
	v48 =	vsel vm10, $0xFFFFFFFF, v61;
	vm10 =	vgt.f32 v45, v46  }
0xe4: {  	v38 =	vor.u32 $0x1E, v5;
	v42 =	vld.idx.msk [tilespmem:v42+s3+$0x0], $0xffff;
	v45 =	vsel vm10, v45, v46  }
0xe5: {  	v37 =	vor.u32 $0x1F, v5;
	vm1 =	vgt.f32 v44, v45  }
0xe6: {  	v36 =	vor.u32 $0x20, v5;
	v41 =	vld.idx.msk [tilespmem:v41+s3+$0x0], $0xffff;
	v63 =	vimm.s32 $0x0;
	v44 =	vsel vm1, v44, v45  }
0xe7: {  	v35 =	vor.u32 $0x21, v5;
	v40 =	vld.idx.msk [tilespmem:v40+s3+$0x0], $0xffff;
	v46 =	vsel vm1, $0xFFFFFFFF, v63;
	vm1 =	vgt.f32 v43, v44  }
0xe8: {  	v34 =	vor.u32 $0x22, v5;
	v39 =	vld.idx.msk [tilespmem:v39+s3+$0x0], $0xffff;
	[tilespmem:$0x1FE00] =	vst v48;
	v48 =	vimm.s32 $0x0;
	v43 =	vsel vm1, v43, v44  }
0xe9: {  	v33 =	vor.u32 $0x23, v5;
	v38 =	vld.idx.msk [tilespmem:v38+s3+$0x0], $0xffff;
	v45 =	vsel vm1, $0xFFFFFFFF, v48;
	vm1 =	vgt.f32 v42, v43  }
0xea: {  	v32 =	vor.u32 $0x24, v5;
	v37 =	vld.idx.msk [tilespmem:v37+s3+$0x0], $0xffff;
	[tilespmem:$0x1FDF0] =	vst v49;
	v49 =	vimm.s32 $0x0;
	v42 =	vsel vm1, v42, v43  }
0xeb: {  	v31 =	vor.u32 $0x25, v5;
	v36 =	vld.idx.msk [tilespmem:v36+s3+$0x0], $0xffff;
	v44 =	vsel vm1, $0xFFFFFFFF, v49;
	vm1 =	vgt.f32 v41, v42  }
0xec: {  	v30 =	vor.u32 $0x26, v5;
	v35 =	vld.idx.msk [tilespmem:v35+s3+$0x0], $0xffff;
	[tilespmem:$0x1FDE0] =	vst v50;
	v50 =	vimm.s32 $0x0;
	v41 =	vsel vm1, v41, v42  }
0xed: {  	v29 =	vor.u32 $0x27, v5;
	v34 =	vld.idx.msk [tilespmem:v34+s3+$0x0], $0xffff;
	v43 =	vsel vm1, $0xFFFFFFFF, v50;
	vm1 =	vgt.f32 v40, v41  }
0xee: {  	v28 =	vor.u32 $0x28, v5;
	v33 =	vld.idx.msk [tilespmem:v33+s3+$0x0], $0xffff;
	v40 =	vsel vm1, v40, v41  }
0xef: {  	v27 =	vor.u32 $0x29, v5;
	v32 =	vld.idx.msk [tilespmem:v32+s3+$0x0], $0xffff;
	vm15 =	vgt.f32 v39, v40  }
0xf0: {  	v26 =	vor.u32 $0x2A, v5;
	v31 =	vld.idx.msk [tilespmem:v31+s3+$0x0], $0xffff;
	v62 =	vimm.s32 $0x0;
	v39 =	vsel vm15, v39, v40  }
0xf1: {  	v25 =	vor.u32 $0x2B, v5;
	v30 =	vld.idx.msk [tilespmem:v30+s3+$0x0], $0xffff;
	v47 =	vsel vm10, $0xFFFFFFFF, v62;
	vm10 =	vgt.f32 v38, v39  }
0xf2: {  	v24 =	vor.u32 $0x2C, v5;
	v29 =	vld.idx.msk [tilespmem:v29+s3+$0x0], $0xffff;
	[tilespmem:$0x1FD70] =	vst v52;
	v52 =	vimm.s32 $0x0;
	v38 =	vsel vm10, v38, v39  }
0xf3: {  	v23 =	vor.u32 $0x2D, v5;
	v28 =	vld.idx.msk [tilespmem:v28+s3+$0x0], $0xffff;
	v40 =	vsel vm10, $0xFFFFFFFF, v52;
	vm10 =	vgt.f32 v37, v38  }
0xf4: {  	v22 =	vor.u32 $0x2E, v5;
	v27 =	vld.idx.msk [tilespmem:v27+s3+$0x0], $0xffff;
	[tilespmem:$0x1FD80] =	vst v53;
	v53 =	vimm.s32 $0x0;
	v37 =	vsel vm10, v37, v38  }
0xf5: {  	v26 =	vld.idx.msk [tilespmem:v26+s3+$0x0], $0xffff;
	v39 =	vsel vm10, $0xFFFFFFFF, v53;
	vm10 =	vgt.f32 v36, v37  }
0xf6: {  	v21 =	vor.u32 $0x2F, v5;
	v25 =	vld.idx.msk [tilespmem:v25+s3+$0x0], $0xffff;
	v55 =	vsel vm0, $0x1, v2;
	v36 =	vsel vm10, v36, v37  }
0xf7: {  	v20 =	vor.u32 $0x30, v5;
	v24 =	vld.idx.msk [tilespmem:v24+s3+$0x0], $0xffff;
	v56 =	vsel vm11, $0x2, v55;
	vm14 =	vgt.f32 v35, v36  }
0xf8: {  	v19 =	vor.u32 $0x31, v5;
	v23 =	vld.idx.msk [tilespmem:v23+s3+$0x0], $0xffff;
	v37 =	vsel vm2, $0x3, v56;
	v35 =	vsel vm14, v35, v36  }
0xf9: {  	v18 =	vor.u32 $0x32, v5;
	v22 =	vld.idx.msk [tilespmem:v22+s3+$0x0], $0xffff;
	v57 =	vsel vm3, $0x4, v37;
	vm13 =	vgt.f32 v34, v35  }
0xfa: {  	v17 =	vor.u32 $0x33, v5;
	v61 =	vld [tilespmem:$0x1FD50];
	v36 =	vsel vm4, $0x5, v57;
	v34 =	vsel vm13, v34, v35  }
0xfb: {  	[tilespmem:$0x1FD90] =	vst v54;
	v54 =	vimm.s32 $0x0;
	v62 =	vld [tilespmem:$0x1FD60];
	v58 =	vsel vm5, $0x6, v36;
	vm12 =	vgt.f32 v33, v34  }
0xfc: {  	[tilespmem:$0x1FDD0] =	vst v51;
	v51 =	vimm.s32 $0x0;
	v63 =	vld [tilespmem:$0x1FD70];
	v35 =	vsel vm6, $0x7, v58;
	v33 =	vsel vm12, v33, v34  }
0xfd: {  	v41 =	vsel vm15, $0xFFFFFFFF, v51;
	v59 =	vsel vm7, $0x8, v35;
	v35 =	vld [tilespmem:$0x1FD80];
	vm11 =	vgt.f32 v32, v33  }
0xfe: {  	v38 =	vsel vm10, $0xFFFFFFFF, v54;
	v36 =	vld [tilespmem:$0x1FD90];
	v34 =	vsel vm8, $0x9, v59;
	v32 =	vsel vm11, v32, v33  }
0xff: {  	[tilespmem:$0x1FE10] =	vst v47;
	v37 =	vld [tilespmem:$0x1FDA0];
	vm6 =	vnez.u8 v61;
	v60 =	vsel vm9, $0xA, v34;
	vm10 =	vgt.f32 v31, v32  }
0x100: {  	[tilespmem:$0x1FE90] =	vst v38;
	v38 =	vld [tilespmem:$0x1FDB0];
	vm7 =	vnez.u8 v62;
	v33 =	vsel vm6, $0xB, v60;
	v31 =	vsel vm10, v31, v32  }
0x101: {  	[tilespmem:$0x1FE80] =	vst v39;
	v39 =	vld [tilespmem:$0x1FDC0];
	vm8 =	vnez.u8 v63;
	v32 =	vsel vm7, $0xC, v33;
	vm9 =	vgt.f32 v30, v31  }
0x102: {  	[tilespmem:$0x1FE70] =	vst v40;
	v40 =	vld [tilespmem:$0x1FDD0];
	vm15 =	vnez.u8 v35;
	v32 =	vsel vm8, $0xD, v32;
	v30 =	vsel vm9, v30, v31  }
0x103: {  	[tilespmem:$0x1FE60] =	vst v41;
	v41 =	vld [tilespmem:$0x1FDE0];
	vm4 =	vnez.u8 v36;
	v31 =	vsel vm15, $0xE, v32;
	vm8 =	vgt.f32 v29, v30  }
0x104: {  	[tilespmem:$0x1FE20] =	vst v46;
	v42 =	vld [tilespmem:$0x1FDF0];
	vm5 =	vnez.u8 v37;
	v31 =	vsel vm4, $0xF, v31;
	v29 =	vsel vm8, v29, v30  }
0x105: {  	[tilespmem:$0x1FE50] =	vst v43;
	v43 =	vld [tilespmem:$0x1FE00];
	vm6 =	vnez.u8 v38;
	v30 =	vsel vm5, $0x10, v31;
	vm7 =	vgt.f32 v28, v29  }
0x106: {  	[tilespmem:$0x1FE40] =	vst v44;
	v44 =	vld [tilespmem:$0x1FE10];
	vm15 =	vnez.u8 v39;
	v30 =	vsel vm6, $0x11, v30;
	v28 =	vsel vm7, v28, v29  }
0x107: {  	[tilespmem:$0x1FE30] =	vst v45;
	v45 =	vld [tilespmem:$0x1FE20];
	vm4 =	vnez.u8 v40;
	v29 =	vsel vm15, $0x12, v30;
	vm6 =	vgt.f32 v27, v28  }
0x108: {  	v46 =	vld [tilespmem:$0x1FE30];
	vm5 =	vnez.u8 v41;
	v29 =	vsel vm4, $0x13, v29;
	v27 =	vsel vm6, v27, v28  }
0x109: {  	v47 =	vld [tilespmem:$0x1FE40];
	vm15 =	vnez.u8 v42;
	v28 =	vsel vm5, $0x14, v29;
	vm5 =	vgt.f32 v26, v27  }
0x10a: {  	v48 =	vld [tilespmem:$0x1FE50];
	vm4 =	vnez.u8 v43;
	v28 =	vsel vm15, $0x15, v28;
	v26 =	vsel vm5, v26, v27  }
0x10b: {  	v21 =	vld.idx.msk [tilespmem:v21+s3+$0x0], $0xffff;
	vm15 =	vnez.u8 v44;
	v27 =	vsel vm4, $0x16, v28;
	vm4 =	vgt.f32 v25, v26  }
0x10c: {  	v50 =	vld [tilespmem:$0x1FE60];
	v27 =	vsel vm15, $0x17, v27;
	vm15 =	vnez.u8 v45;
	v25 =	vsel vm4, v25, v26  }
0x10d: {  	v51 =	vld [tilespmem:$0x1FE70];
	v26 =	vsel vm15, $0x18, v27;
	vm15 =	vnez.u8 v46;
	vm3 =	vgt.f32 v24, v25  }
0x10e: {  	v52 =	vld [tilespmem:$0x1FE80];
	v26 =	vsel vm15, $0x19, v26;
	vm15 =	vnez.u8 v47;
	v24 =	vsel vm3, v24, v25  }
0x10f: {  	v53 =	vld [tilespmem:$0x1FE90];
	v25 =	vsel vm15, $0x1A, v26;
	vm15 =	vnez.u8 v48;
	vm2 =	vgt.f32 v23, v24  }
0x110: {  	v16 =	vor.u32 $0x34, v5;
	v20 =	vld.idx.msk [tilespmem:v20+s3+$0x0], $0xffff;
	v25 =	vsel vm15, $0x1B, v25;
	v23 =	vsel vm2, v23, v24  }
0x111: {  	vm15 =	vnez.u8 v50;
	v49 =	vsel vm1, $0x1C, v25;
	vm1 =	vgt.f32 v22, v23  }
0x112: {  	v19 =	vld.idx.msk [tilespmem:v19+s3+$0x0], $0xffff;
	v24 =	vsel vm15, $0x1D, v49;
	vm15 =	vnez.u8 v51;
	v22 =	vsel vm1, v22, v23  }
0x113: {  	v23 =	vsel vm15, $0x1E, v24;
	vm15 =	vnez.u8 v52;
	vm0 =	vgt.f32 v21, v22  }
0x114: {  	v18 =	vld.idx.msk [tilespmem:v18+s3+$0x0], $0xffff;
	v23 =	vsel vm15, $0x1F, v23;
	vm15 =	vnez.u8 v53;
	v21 =	vsel vm0, v21, v22  }
0x115: {  	v15 =	vor.u32 $0x35, v5;
	v22 =	vsel vm15, $0x20, v23;
	vm15 =	vgt.f32 v20, v21  }
0x116: {  	v17 =	vld.idx.msk [tilespmem:v17+s3+$0x0], $0xffff;
	v22 =	vsel vm14, $0x21, v22;
	v20 =	vsel vm15, v20, v21  }
0x117: {  	v14 =	vor.u32 $0x36, v5;
	v54 =	vsel vm13, $0x22, v22;
	vm13 =	vgt.f32 v19, v20  }
0x118: {  	v16 =	vld.idx.msk [tilespmem:v16+s3+$0x0], $0xffff;
	v21 =	vsel vm12, $0x23, v54;
	v19 =	vsel vm13, v19, v20  }
0x119: {  	v13 =	vor.u32 $0x37, v5;
	v55 =	vsel vm11, $0x24, v21;
	vm11 =	vgt.f32 v18, v19  }
0x11a: {  	v15 =	vld.idx.msk [tilespmem:v15+s3+$0x0], $0xffff;
	v20 =	vsel vm10, $0x25, v55;
	v18 =	vsel vm11, v18, v19  }
0x11b: {  	v12 =	vor.u32 $0x38, v5;
	v56 =	vsel vm9, $0x26, v20;
	vm9 =	vgt.f32 v17, v18  }
0x11c: {  	v14 =	vld.idx.msk [tilespmem:v14+s3+$0x0], $0xffff;
	v19 =	vsel vm8, $0x27, v56;
	v17 =	vsel vm9, v17, v18  }
0x11d: {  	v11 =	vor.u32 $0x39, v5;
	v57 =	vsel vm7, $0x28, v19;
	vm10 =	vgt.f32 v16, v17  }
0x11e: {  	v13 =	vld.idx.msk [tilespmem:v13+s3+$0x0], $0xffff;
	v18 =	vsel vm6, $0x29, v57;
	v16 =	vsel vm10, v16, v17  }
0x11f: {  	v10 =	vor.u32 $0x3A, v5;
	v58 =	vsel vm5, $0x2A, v18;
	vm5 =	vgt.f32 v15, v16  }
0x120: {  	v12 =	vld.idx.msk [tilespmem:v12+s3+$0x0], $0xffff;
	v17 =	vsel vm4, $0x2B, v58;
	v15 =	vsel vm5, v15, v16  }
0x121: {  	v9 =	vor.u32 $0x3B, v5;
	v59 =	vsel vm3, $0x2C, v17;
	vm12 =	vgt.f32 v14, v15  }
0x122: {  	v11 =	vld.idx.msk [tilespmem:v11+s3+$0x0], $0xffff;
	v16 =	vsel vm2, $0x2D, v59;
	v14 =	vsel vm12, v14, v15  }
0x123: {  	v8 =	vor.u32 $0x3C, v5;
	v60 =	vsel vm1, $0x2E, v16;
	vm14 =	vgt.f32 v13, v14  }
0x124: {  	v10 =	vld.idx.msk [tilespmem:v10+s3+$0x0], $0xffff;
	v15 =	vsel vm0, $0x2F, v60;
	v13 =	vsel vm14, v13, v14  }
0x125: {  	v7 =	vor.u32 $0x3D, v5;
	v61 =	vsel vm15, $0x30, v15;
	vm15 =	vgt.f32 v12, v13  }
0x126: {  	v9 =	vld.idx.msk [tilespmem:v9+s3+$0x0], $0xffff;
	v14 =	vsel vm13, $0x31, v61;
	v12 =	vsel vm15, v12, v13  }
0x127: {  	v6 =	vor.u32 $0x3E, v5;
	v62 =	vsel vm11, $0x32, v14;
	vm8 =	vgt.f32 v11, v12  }
0x128: {  	v8 =	vld.idx.msk [tilespmem:v8+s3+$0x0], $0xffff;
	v13 =	vsel vm9, $0x33, v62;
	v11 =	vsel vm8, v11, v12  }
0x129: {  	v5 =	vor.u32 $0x3F, v5;
	v63 =	vsel vm10, $0x34, v13;
	vm10 =	vgt.f32 v10, v11  }
0x12a: {  	v7 =	vld.idx.msk [tilespmem:v7+s3+$0x0], $0xffff;
	v12 =	vsel vm5, $0x35, v63;
	v10 =	vsel vm10, v10, v11  }
0x12b: {  	v11 =	vsel vm12, $0x36, v12;
	vm11 =	vgt.f32 v9, v10  }
0x12c: {  	v6 =	vld.idx.msk [tilespmem:v6+s3+$0x0], $0xffff;
	v11 =	vsel vm14, $0x37, v11;
	v9 =	vsel vm11, v9, v10  }
0x12d: {  	v10 =	vsel vm15, $0x38, v11;
	vm12 =	vgt.f32 v8, v9  }
0x12e: {  	s22 =	smov.u32 s21;
	v11 =	vld.idx.msk [tilespmem:v5+s3+$0x0], $0xffff;
	v5 =	vsel vm8, $0x39, v10;
	v8 =	vsel vm12, v8, v9  }
0x12f: {  	p0 =	sne.s32 s21, $0xF0;
	v9 =	vmov s22;
	v5 =	vsel vm10, $0x3A, v5;
	vm13 =	vgt.f32 v7, v8  }
.Ltmp0:
0x130: {  	v9 =	vshll.u32 v9, $0x7;
	v10 =	vsel vm11, $0x3B, v5;
	v7 =	vsel vm13, v7, v8;
	(pc) =	sbr.rel @p0 .LBB2_2-.Ltmp0, $4  }
0x131: {  	v5 =	vor.u32 v1, v9;
	v8 =	vsel vm12, $0x3C, v10;
	vm14 =	vgt.f32 v6, v7  }
0x132: {  	v9 =	vor.u32 $0x1, v5;
	v10 =	vsel vm13, $0x3D, v8;
	v6 =	vsel vm14, v6, v7  }
0x133: {  	v8 =	vor.u32 $0x2, v5;
	v10 =	vsel vm14, $0x3E, v10;
	vm15 =	vgt.f32 v11, v6  }
0x134: {  	s20 =	sadd.s32 $0x10, s20;
	s21 =	sadd.s32 $0x10, s21;
	v7 =	vor.u32 $0x3, v5;
	v6 =	vor.u32 $0x4, v5;
	v10 =	vsel vm15, $0x3F, v10  }
0x135: {  	_ =	sdelay $0x2  }
0x136: {  	[tilespmem:s20+$0x0] =	vst v10  }
0x137: {  	v10 =	vld.idx.msk [tilespmem:v5+s3+$0x0], $0xffff;
	_ =	sdelay $0x1  }
0x138: {  	v9 =	vld.idx.msk [tilespmem:v9+s3+$0x0], $0xffff;
	_ =	sdelay $0x1  }
0x139: {  	v8 =	vld.idx.msk [tilespmem:v8+s3+$0x0], $0xffff  }
0x13a: {  	v11 =	vor.u32 $0x5, v5;
	vm0 =	vgt.f32 v10, $-Inf  }
0x13b: {  	v7 =	vld.idx.msk [tilespmem:v7+s3+$0x0], $0xffff;
	v10 =	vnsel vm0, $0xFF800000, v10  }
0x13c: {  	v12 =	vor.u32 $0x6, v5;
	vm0 =	vgt.f32 v9, v10  }
0x13d: {  	v6 =	vld.idx.msk [tilespmem:v6+s3+$0x0], $0xffff;
	v9 =	vsel vm0, v9, v10  }
0x13e: {  	v62 =	vor.u32 $0x7, v5;
	vm1 =	vgt.f32 v8, v9  }
0x13f: {  	v11 =	vld.idx.msk [tilespmem:v11+s3+$0x0], $0xffff;
	v8 =	vsel vm1, v8, v9  }
0x140: {  	v63 =	vor.u32 $0x8, v5;
	vm2 =	vgt.f32 v7, v8  }
0x141: {  	v12 =	vld.idx.msk [tilespmem:v12+s3+$0x0], $0xffff;
	v7 =	vsel vm2, v7, v8  }
0x142: {  	v16 =	vor.u32 $0x9, v5;
	vm3 =	vgt.f32 v6, v7  }
0x143: {  	v10 =	vld.idx.msk [tilespmem:v62+s3+$0x0], $0xffff;
	v6 =	vsel vm3, v6, v7  }
0x144: {  	v7 =	vor.u32 $0xA, v5;
	vm4 =	vgt.f32 v11, v6  }
0x145: {  	v9 =	vld.idx.msk [tilespmem:v63+s3+$0x0], $0xffff;
	v6 =	vsel vm4, v11, v6  }
0x146: {  	v17 =	vor.u32 $0xB, v5;
	vm5 =	vgt.f32 v12, v6  }
0x147: {  	v8 =	vld.idx.msk [tilespmem:v16+s3+$0x0], $0xffff;
	v6 =	vsel vm5, v12, v6  }
0x148: {  	v18 =	vor.u32 $0xC, v5;
	vm6 =	vgt.f32 v10, v6  }
0x149: {  	v7 =	vld.idx.msk [tilespmem:v7+s3+$0x0], $0xffff;
	v6 =	vsel vm6, v10, v6  }
0x14a: {  	v19 =	vor.u32 $0xD, v5;
	vm7 =	vgt.f32 v9, v6  }
0x14b: {  	v11 =	vld.idx.msk [tilespmem:v17+s3+$0x0], $0xffff;
	v6 =	vsel vm7, v9, v6  }
0x14c: {  	v20 =	vor.u32 $0xE, v5;
	vm8 =	vgt.f32 v8, v6  }
0x14d: {  	v12 =	vld.idx.msk [tilespmem:v18+s3+$0x0], $0xffff;
	v6 =	vsel vm8, v8, v6  }
0x14e: {  	v21 =	vor.u32 $0xF, v5;
	vm9 =	vgt.f32 v7, v6  }
0x14f: {  	v10 =	vld.idx.msk [tilespmem:v19+s3+$0x0], $0xffff;
	v6 =	vsel vm9, v7, v6  }
0x150: {  	v7 =	vor.u32 $0x10, v5;
	vm10 =	vgt.f32 v11, v6  }
0x151: {  	v13 =	vimm.s32 $0x0;
	v9 =	vld.idx.msk [tilespmem:v20+s3+$0x0], $0xffff;
	v6 =	vsel vm10, v11, v6  }
0x152: {  	v22 =	vor.u32 $0x11, v5;
	v13 =	vsel vm10, $0xFFFFFFFF, v13;
	vm10 =	vgt.f32 v12, v6  }
0x153: {  	v23 =	vimm.s32 $0x0;
	v8 =	vld.idx.msk [tilespmem:v21+s3+$0x0], $0xffff;
	v6 =	vsel vm10, v12, v6  }
0x154: {  	v24 =	vor.u32 $0x12, v5;
	[tilespmem:$0x1FBF0] =	vst v13;
	v13 =	vsel vm10, $0xFFFFFFFF, v23;
	vm10 =	vgt.f32 v10, v6  }
0x155: {  	v25 =	vimm.s32 $0x0;
	v7 =	vld.idx.msk [tilespmem:v7+s3+$0x0], $0xffff;
	v6 =	vsel vm10, v10, v6  }
0x156: {  	v26 =	vor.u32 $0x13, v5;
	[tilespmem:$0x1FC00] =	vst v13;
	v13 =	vsel vm10, $0xFFFFFFFF, v25;
	vm10 =	vgt.f32 v9, v6  }
0x157: {  	v27 =	vimm.s32 $0x0;
	v11 =	vld.idx.msk [tilespmem:v22+s3+$0x0], $0xffff;
	v6 =	vsel vm10, v9, v6  }
0x158: {  	v28 =	vor.u32 $0x14, v5;
	[tilespmem:$0x1FC10] =	vst v13;
	v13 =	vsel vm10, $0xFFFFFFFF, v27;
	vm10 =	vgt.f32 v8, v6  }
0x159: {  	v29 =	vimm.s32 $0x0;
	v12 =	vld.idx.msk [tilespmem:v24+s3+$0x0], $0xffff;
	v6 =	vsel vm10, v8, v6  }
0x15a: {  	v30 =	vor.u32 $0x15, v5;
	[tilespmem:$0x1FC20] =	vst v13;
	v13 =	vsel vm10, $0xFFFFFFFF, v29;
	vm10 =	vgt.f32 v7, v6  }
0x15b: {  	v31 =	vimm.s32 $0x0;
	v10 =	vld.idx.msk [tilespmem:v26+s3+$0x0], $0xffff;
	v6 =	vsel vm10, v7, v6  }
0x15c: {  	[tilespmem:$0x1FC30] =	vst v13;
	v13 =	vsel vm10, $0xFFFFFFFF, v31;
	v7 =	vor.u32 $0x16, v5;
	vm10 =	vgt.f32 v11, v6  }
0x15d: {  	v32 =	vimm.s32 $0x0;
	v9 =	vld.idx.msk [tilespmem:v28+s3+$0x0], $0xffff;
	v6 =	vsel vm10, v11, v6  }
0x15e: {  	v33 =	vor.u32 $0x17, v5;
	[tilespmem:$0x1FC40] =	vst v13;
	v13 =	vsel vm10, $0xFFFFFFFF, v32;
	vm10 =	vgt.f32 v12, v6  }
0x15f: {  	v34 =	vimm.s32 $0x0;
	v8 =	vld.idx.msk [tilespmem:v30+s3+$0x0], $0xffff;
	v6 =	vsel vm10, v12, v6  }
0x160: {  	v35 =	vor.u32 $0x18, v5;
	[tilespmem:$0x1FC50] =	vst v13;
	v13 =	vsel vm10, $0xFFFFFFFF, v34;
	vm10 =	vgt.f32 v10, v6  }
0x161: {  	v36 =	vimm.s32 $0x0;
	v7 =	vld.idx.msk [tilespmem:v7+s3+$0x0], $0xffff;
	v6 =	vsel vm10, v10, v6  }
0x162: {  	v37 =	vor.u32 $0x19, v5;
	[tilespmem:$0x1FC60] =	vst v13;
	v13 =	vsel vm10, $0xFFFFFFFF, v36;
	vm10 =	vgt.f32 v9, v6  }
0x163: {  	v38 =	vimm.s32 $0x0;
	v11 =	vld.idx.msk [tilespmem:v33+s3+$0x0], $0xffff;
	v6 =	vsel vm10, v9, v6  }
0x164: {  	v39 =	vor.u32 $0x1A, v5;
	[tilespmem:$0x1FC70] =	vst v13;
	v13 =	vsel vm10, $0xFFFFFFFF, v38;
	vm10 =	vgt.f32 v8, v6  }
0x165: {  	v40 =	vimm.s32 $0x0;
	v12 =	vld.idx.msk [tilespmem:v35+s3+$0x0], $0xffff;
	v6 =	vsel vm10, v8, v6  }
0x166: {  	v41 =	vor.u32 $0x1B, v5;
	[tilespmem:$0x1FC80] =	vst v13;
	v13 =	vsel vm10, $0xFFFFFFFF, v40;
	vm10 =	vgt.f32 v7, v6  }
0x167: {  	v42 =	vimm.s32 $0x0;
	v10 =	vld.idx.msk [tilespmem:v37+s3+$0x0], $0xffff;
	v6 =	vsel vm10, v7, v6  }
0x168: {  	[tilespmem:$0x1FC90] =	vst v13;
	v13 =	vsel vm10, $0xFFFFFFFF, v42;
	v7 =	vor.u32 $0x1C, v5;
	vm10 =	vgt.f32 v11, v6  }
0x169: {  	v43 =	vimm.s32 $0x0;
	v9 =	vld.idx.msk [tilespmem:v39+s3+$0x0], $0xffff;
	v6 =	vsel vm10, v11, v6  }
0x16a: {  	v44 =	vor.u32 $0x1D, v5;
	v14 =	vld [tilespmem:$0x1FBF0];
	[tilespmem:$0x1FCA0] =	vst v13;
	v13 =	vsel vm10, $0xFFFFFFFF, v43;
	vm10 =	vgt.f32 v12, v6  }
0x16b: {  	v45 =	vimm.s32 $0x0;
	v46 =	vor.u32 $0x1E, v5;
	v8 =	vld.idx.msk [tilespmem:v41+s3+$0x0], $0xffff;
	v6 =	vsel vm10, v12, v6  }
0x16c: {  	v47 =	vimm.s32 $0x0;
	v21 =	vld [tilespmem:$0x1FC00];
	[tilespmem:$0x1FCB0] =	vst v13;
	v13 =	vsel vm10, $0xFFFFFFFF, v45;
	vm10 =	vgt.f32 v10, v6  }
0x16d: {  	v48 =	vor.u32 $0x1F, v5;
	v49 =	vimm.s32 $0x0;
	v7 =	vld.idx.msk [tilespmem:v7+s3+$0x0], $0xffff;
	v6 =	vsel vm10, v10, v6  }
0x16e: {  	v50 =	vor.u32 $0x20, v5;
	v23 =	vld [tilespmem:$0x1FC10];
	[tilespmem:$0x1FCC0] =	vst v13;
	v13 =	vsel vm10, $0xFFFFFFFF, v47;
	vm10 =	vgt.f32 v9, v6  }
0x16f: {  	v51 =	vimm.s32 $0x0;
	v52 =	vor.u32 $0x21, v5;
	v11 =	vld.idx.msk [tilespmem:v44+s3+$0x0], $0xffff;
	v6 =	vsel vm10, v9, v6  }
0x170: {  	v53 =	vimm.s32 $0x0;
	v24 =	vld [tilespmem:$0x1FC20];
	[tilespmem:$0x1FCD0] =	vst v13;
	v13 =	vsel vm10, $0xFFFFFFFF, v49;
	vm10 =	vgt.f32 v8, v6  }
0x171: {  	v54 =	vimm.s32 $0x0;
	v55 =	vor.u32 $0x23, v5;
	v12 =	vld.idx.msk [tilespmem:v46+s3+$0x0], $0xffff;
	v6 =	vsel vm10, v8, v6  }
0x172: {  	v56 =	vimm.s32 $0x0;
	v26 =	vld [tilespmem:$0x1FC30];
	[tilespmem:$0x1FCE0] =	vst v13;
	v13 =	vsel vm10, $0xFFFFFFFF, v51;
	vm10 =	vgt.f32 v7, v6  }
0x173: {  	v57 =	vor.u32 $0x24, v5;
	v58 =	vimm.s32 $0x0;
	v10 =	vld.idx.msk [tilespmem:v48+s3+$0x0], $0xffff;
	v6 =	vsel vm10, v7, v6  }
0x174: {  	v27 =	vld [tilespmem:$0x1FC40];
	[tilespmem:$0x1FCF0] =	vst v13;
	v13 =	vsel vm10, $0xFFFFFFFF, v53;
	v7 =	vor.u32 $0x22, v5;
	vm10 =	vgt.f32 v11, v6  }
0x175: {  	v59 =	vor.u32 $0x25, v5;
	v60 =	vimm.s32 $0x0;
	v9 =	vld.idx.msk [tilespmem:v50+s3+$0x0], $0xffff;
	v6 =	vsel vm10, v11, v6  }
0x176: {  	v61 =	vsel vm0, $0x1, v2;
	v29 =	vld [tilespmem:$0x1FC50];
	[tilespmem:$0x1FD00] =	vst v13;
	v13 =	vsel vm10, $0xFFFFFFFF, v54;
	vm10 =	vgt.f32 v12, v6  }
0x177: {  	v62 =	vsel vm1, $0x2, v61;
	v63 =	vor.u32 $0x26, v5;
	v8 =	vld.idx.msk [tilespmem:v52+s3+$0x0], $0xffff;
	v6 =	vsel vm10, v12, v6  }
0x178: {  	v17 =	vor.u32 $0x27, v5;
	v30 =	vld [tilespmem:$0x1FC60];
	[tilespmem:$0x1FD10] =	vst v13;
	v13 =	vsel vm10, $0xFFFFFFFF, v56;
	vm10 =	vgt.f32 v10, v6  }
0x179: {  	v18 =	vor.u32 $0x28, v5;
	v19 =	vor.u32 $0x29, v5;
	v7 =	vld.idx.msk [tilespmem:v7+s3+$0x0], $0xffff;
	v6 =	vsel vm10, v10, v6  }
0x17a: {  	v20 =	vor.u32 $0x2A, v5;
	v32 =	vld [tilespmem:$0x1FC70];
	[tilespmem:$0x1FD20] =	vst v13;
	v13 =	vsel vm10, $0xFFFFFFFF, v58;
	vm10 =	vgt.f32 v9, v6  }
0x17b: {  	v22 =	vor.u32 $0x2B, v5;
	v25 =	vor.u32 $0x2C, v5;
	v11 =	vld.idx.msk [tilespmem:v55+s3+$0x0], $0xffff;
	v6 =	vsel vm10, v9, v6  }
0x17c: {  	v28 =	vor.u32 $0x2D, v5;
	v31 =	vor.u32 $0x2E, v5;
	v33 =	vld [tilespmem:$0x1FC80];
	vm14 =	vgt.f32 v8, v6  }
0x17d: {  	vm15 =	vnez.u8 v24;
	v12 =	vld.idx.msk [tilespmem:v57+s3+$0x0], $0xffff;
	v9 =	vsel vm2, $0x3, v62;
	v6 =	vsel vm14, v8, v6  }
0x17e: {  	v34 =	vor.u32 $0x2F, v5;
	v35 =	vld [tilespmem:$0x1FC90];
	v16 =	vsel vm3, $0x4, v9;
	vm13 =	vgt.f32 v7, v6  }
0x17f: {  	v37 =	vor.u32 $0x30, v5;
	v10 =	vld.idx.msk [tilespmem:v59+s3+$0x0], $0xffff;
	v8 =	vsel vm4, $0x5, v16;
	v6 =	vsel vm13, v7, v6  }
0x180: {  	v36 =	vld [tilespmem:$0x1FCA0];
	[tilespmem:$0x1FD30] =	vst v13;
	v13 =	vsel vm10, $0xFFFFFFFF, v60;
	v7 =	vsel vm5, $0x6, v8;
	vm12 =	vgt.f32 v11, v6  }
0x181: {  	v40 =	vor.u32 $0x31, v5;
	[tilespmem:$0x1FD40] =	vst v13;
	v13 =	vld.idx.msk [tilespmem:v63+s3+$0x0], $0xffff;
	v7 =	vsel vm6, $0x7, v7;
	v6 =	vsel vm12, v11, v6  }
0x182: {  	v43 =	vor.u32 $0x32, v5;
	v38 =	vld [tilespmem:$0x1FCB0];
	v7 =	vsel vm7, $0x8, v7;
	vm11 =	vgt.f32 v12, v6  }
0x183: {  	v46 =	vor.u32 $0x33, v5;
	v9 =	vld.idx.msk [tilespmem:v17+s3+$0x0], $0xffff;
	v7 =	vsel vm8, $0x9, v7;
	v6 =	vsel vm11, v12, v6  }
0x184: {  	v39 =	vld [tilespmem:$0x1FCC0];
	vm6 =	vnez.u8 v14;
	v7 =	vsel vm9, $0xA, v7;
	vm10 =	vgt.f32 v10, v6  }
0x185: {  	v8 =	vld.idx.msk [tilespmem:v18+s3+$0x0], $0xffff;
	vm7 =	vnez.u8 v21;
	v7 =	vsel vm6, $0xB, v7;
	v6 =	vsel vm10, v10, v6  }
0x186: {  	v41 =	vld [tilespmem:$0x1FCD0];
	vm8 =	vnez.u8 v23;
	v7 =	vsel vm7, $0xC, v7;
	vm9 =	vgt.f32 v13, v6  }
0x187: {  	v49 =	vor.u32 $0x34, v5;
	v11 =	vld.idx.msk [tilespmem:v19+s3+$0x0], $0xffff;
	v7 =	vsel vm8, $0xD, v7;
	v6 =	vsel vm9, v13, v6  }
0x188: {  	v42 =	vld [tilespmem:$0x1FCE0];
	vm4 =	vnez.u8 v26;
	v7 =	vsel vm15, $0xE, v7;
	vm8 =	vgt.f32 v9, v6  }
0x189: {  	vm5 =	vnez.u8 v27;
	v12 =	vld.idx.msk [tilespmem:v20+s3+$0x0], $0xffff;
	v7 =	vsel vm4, $0xF, v7;
	v6 =	vsel vm8, v9, v6  }
0x18a: {  	v44 =	vld [tilespmem:$0x1FCF0];
	vm6 =	vnez.u8 v29;
	v7 =	vsel vm5, $0x10, v7;
	vm7 =	vgt.f32 v8, v6  }
0x18b: {  	v10 =	vld.idx.msk [tilespmem:v22+s3+$0x0], $0xffff;
	vm15 =	vnez.u8 v30;
	v7 =	vsel vm6, $0x11, v7;
	v6 =	vsel vm7, v8, v6  }
0x18c: {  	v45 =	vld [tilespmem:$0x1FD00];
	vm4 =	vnez.u8 v32;
	v7 =	vsel vm15, $0x12, v7;
	vm6 =	vgt.f32 v11, v6  }
0x18d: {  	v13 =	vld.idx.msk [tilespmem:v25+s3+$0x0], $0xffff;
	vm5 =	vnez.u8 v33;
	v7 =	vsel vm4, $0x13, v7;
	v6 =	vsel vm6, v11, v6  }
0x18e: {  	v47 =	vld [tilespmem:$0x1FD10];
	vm15 =	vnez.u8 v35;
	v7 =	vsel vm5, $0x14, v7;
	vm5 =	vgt.f32 v12, v6  }
0x18f: {  	v9 =	vld.idx.msk [tilespmem:v28+s3+$0x0], $0xffff;
	vm4 =	vnez.u8 v36;
	v7 =	vsel vm15, $0x15, v7;
	v6 =	vsel vm5, v12, v6  }
0x190: {  	v48 =	vld [tilespmem:$0x1FD20];
	vm15 =	vnez.u8 v38;
	v7 =	vsel vm4, $0x16, v7;
	vm4 =	vgt.f32 v10, v6  }
0x191: {  	v8 =	vld.idx.msk [tilespmem:v31+s3+$0x0], $0xffff;
	v7 =	vsel vm15, $0x17, v7;
	vm15 =	vnez.u8 v39;
	v6 =	vsel vm4, v10, v6  }
0x192: {  	v50 =	vld [tilespmem:$0x1FD30];
	v7 =	vsel vm15, $0x18, v7;
	vm15 =	vnez.u8 v41;
	vm3 =	vgt.f32 v13, v6  }
0x193: {  	v11 =	vld.idx.msk [tilespmem:v34+s3+$0x0], $0xffff;
	v7 =	vsel vm15, $0x19, v7;
	vm15 =	vnez.u8 v42;
	v6 =	vsel vm3, v13, v6  }
0x194: {  	v52 =	vld [tilespmem:$0x1FD40];
	v7 =	vsel vm15, $0x1A, v7;
	vm15 =	vnez.u8 v44;
	vm2 =	vgt.f32 v9, v6  }
0x195: {  	v12 =	vld.idx.msk [tilespmem:v37+s3+$0x0], $0xffff;
	v7 =	vsel vm15, $0x1B, v7;
	vm15 =	vnez.u8 v45;
	v6 =	vsel vm2, v9, v6  }
0x196: {  	v7 =	vsel vm15, $0x1C, v7;
	vm15 =	vnez.u8 v47;
	vm1 =	vgt.f32 v8, v6  }
0x197: {  	v10 =	vld.idx.msk [tilespmem:v40+s3+$0x0], $0xffff;
	v7 =	vsel vm15, $0x1D, v7;
	vm15 =	vnez.u8 v48;
	v6 =	vsel vm1, v8, v6  }
0x198: {  	v7 =	vsel vm15, $0x1E, v7;
	vm15 =	vnez.u8 v50;
	vm0 =	vgt.f32 v11, v6  }
0x199: {  	v13 =	vld.idx.msk [tilespmem:v43+s3+$0x0], $0xffff;
	v7 =	vsel vm15, $0x1F, v7;
	vm15 =	vnez.u8 v52;
	v6 =	vsel vm0, v11, v6  }
0x19a: {  	v51 =	vor.u32 $0x35, v5;
	v7 =	vsel vm15, $0x20, v7;
	vm15 =	vgt.f32 v12, v6  }
0x19b: {  	v9 =	vld.idx.msk [tilespmem:v46+s3+$0x0], $0xffff;
	v7 =	vsel vm14, $0x21, v7;
	v6 =	vsel vm15, v12, v6  }
0x19c: {  	v53 =	vor.u32 $0x36, v5;
	v7 =	vsel vm13, $0x22, v7;
	vm13 =	vgt.f32 v10, v6  }
0x19d: {  	v8 =	vld.idx.msk [tilespmem:v49+s3+$0x0], $0xffff;
	v7 =	vsel vm12, $0x23, v7;
	v6 =	vsel vm13, v10, v6  }
0x19e: {  	v54 =	vor.u32 $0x37, v5;
	v7 =	vsel vm11, $0x24, v7;
	vm11 =	vgt.f32 v13, v6  }
0x19f: {  	v11 =	vld.idx.msk [tilespmem:v51+s3+$0x0], $0xffff;
	v7 =	vsel vm10, $0x25, v7;
	v6 =	vsel vm11, v13, v6  }
0x1a0: {  	v55 =	vor.u32 $0x38, v5;
	v7 =	vsel vm9, $0x26, v7;
	vm9 =	vgt.f32 v9, v6  }
0x1a1: {  	v12 =	vld.idx.msk [tilespmem:v53+s3+$0x0], $0xffff;
	v7 =	vsel vm8, $0x27, v7;
	v6 =	vsel vm9, v9, v6  }
0x1a2: {  	v56 =	vor.u32 $0x39, v5;
	v7 =	vsel vm7, $0x28, v7;
	vm10 =	vgt.f32 v8, v6  }
0x1a3: {  	v10 =	vld.idx.msk [tilespmem:v54+s3+$0x0], $0xffff;
	v7 =	vsel vm6, $0x29, v7;
	v6 =	vsel vm10, v8, v6  }
0x1a4: {  	v57 =	vor.u32 $0x3A, v5;
	v7 =	vsel vm5, $0x2A, v7;
	vm5 =	vgt.f32 v11, v6  }
0x1a5: {  	v13 =	vld.idx.msk [tilespmem:v55+s3+$0x0], $0xffff;
	v7 =	vsel vm4, $0x2B, v7;
	v6 =	vsel vm5, v11, v6  }
0x1a6: {  	v58 =	vor.u32 $0x3B, v5;
	v7 =	vsel vm3, $0x2C, v7;
	vm12 =	vgt.f32 v12, v6  }
0x1a7: {  	v9 =	vld.idx.msk [tilespmem:v56+s3+$0x0], $0xffff;
	v7 =	vsel vm2, $0x2D, v7;
	v6 =	vsel vm12, v12, v6  }
0x1a8: {  	v59 =	vor.u32 $0x3C, v5;
	v7 =	vsel vm1, $0x2E, v7;
	vm14 =	vgt.f32 v10, v6  }
0x1a9: {  	v8 =	vld.idx.msk [tilespmem:v57+s3+$0x0], $0xffff;
	v7 =	vsel vm0, $0x2F, v7;
	v6 =	vsel vm14, v10, v6  }
0x1aa: {  	v60 =	vor.u32 $0x3D, v5;
	v7 =	vsel vm15, $0x30, v7;
	vm15 =	vgt.f32 v13, v6  }
0x1ab: {  	v11 =	vld.idx.msk [tilespmem:v58+s3+$0x0], $0xffff;
	v7 =	vsel vm13, $0x31, v7;
	v6 =	vsel vm15, v13, v6  }
0x1ac: {  	v61 =	vor.u32 $0x3E, v5;
	v7 =	vsel vm11, $0x32, v7;
	vm8 =	vgt.f32 v9, v6  }
0x1ad: {  	v12 =	vld.idx.msk [tilespmem:v59+s3+$0x0], $0xffff;
	v7 =	vsel vm9, $0x33, v7;
	v6 =	vsel vm8, v9, v6  }
0x1ae: {  	v5 =	vor.u32 $0x3F, v5;
	v7 =	vsel vm10, $0x34, v7;
	vm10 =	vgt.f32 v8, v6  }
0x1af: {  	v62 =	vld.idx.msk [tilespmem:v60+s3+$0x0], $0xffff;
	v7 =	vsel vm5, $0x35, v7;
	v6 =	vsel vm10, v8, v6  }
0x1b0: {  	v7 =	vsel vm12, $0x36, v7;
	vm11 =	vgt.f32 v11, v6  }
0x1b1: {  	v63 =	vld.idx.msk [tilespmem:v61+s3+$0x0], $0xffff;
	v7 =	vsel vm14, $0x37, v7;
	v6 =	vsel vm11, v11, v6  }
0x1b2: {  	v7 =	vsel vm15, $0x38, v7;
	vm12 =	vgt.f32 v12, v6  }
0x1b3: {  	v5 =	vld.idx.msk [tilespmem:v5+s3+$0x0], $0xffff;
	v7 =	vsel vm8, $0x39, v7;
	v6 =	vsel vm12, v12, v6  }
0x1b4: {  	v7 =	vsel vm10, $0x3A, v7;
	vm13 =	vgt.f32 v62, v6  }
0x1b5: {  	v7 =	vsel vm11, $0x3B, v7;
	v6 =	vsel vm13, v62, v6  }
0x1b6: {  	v7 =	vsel vm12, $0x3C, v7;
	vm14 =	vgt.f32 v63, v6  }
0x1b7: {  	v7 =	vsel vm13, $0x3D, v7;
	v6 =	vsel vm14, v63, v6  }
0x1b8: {  	v7 =	vsel vm14, $0x3E, v7;
	vm15 =	vgt.f32 v5, v6  }
0x1b9: {  	s31 =	sadd.s32 $0x10, s20;
	v5 =	vsel vm15, $0x3F, v7  }
0x1ba: {  	[tilespmem:s31+$0x0] =	vst v5  }
0x1bb: {  	[spmem:s7] =	stream.linear.scatter [tilespmem:s13], [sflag:$0x3], $0x100, $0x38;
	[tilespmem:$0x13E00] =	vst v63  }
0x1bc: {  	_ =	swait.ge [sflag:s12], $0x100  }
0x1bd: {  	[sflag:s12] =	ssyncset.done $0x0  }
0x1be: {  	[sflag:s12] =	ssyncadd.s32 $0xFFFFFF00  }
0x1bf: {  	[bflag:$0x0] =	sbarrier.arrive $0xFFFF  }
0x1c0: {  	[tilespmem:s14], [sflag:$0x3] =	stream.linear.gather [spmem:s2], $0x1000, $0x38;
	[tilespmem:$0x13E00] =	vst v63  }
0x1c1: {  	_ =	swait.ge [sflag:s12], $0x1000  }
0x1c2: {  	[sflag:s12] =	ssyncset.done $0x0  }
0x1c3: {  	[sflag:s12] =	ssyncadd.s32 $0xFFFFF000  }
0x1c4: {  	[tilespmem:$0xD100] =	vst v3  }
0x1c5: {  	[tilespmem:$0xD110] =	vst v3  }
0x1c6: {  	[tilespmem:$0xD120] =	vst v3  }
0x1c7: {  	[tilespmem:$0xD130] =	vst v3  }
0x1c8: {  	[tilespmem:$0xD140] =	vst v3  }
0x1c9: {  	[tilespmem:$0xD150] =	vst v3  }
0x1ca: {  	[tilespmem:$0xD160] =	vst v3  }
0x1cb: {  	[tilespmem:$0xD170] =	vst v3  }
0x1cc: {  	[tilespmem:$0xD180] =	vst v3  }
0x1cd: {  	[tilespmem:$0xD190] =	vst v3  }
0x1ce: {  	[tilespmem:$0xD1A0] =	vst v3  }
0x1cf: {  	[tilespmem:$0xD1B0] =	vst v3  }
0x1d0: {  	[tilespmem:$0xD1C0] =	vst v3  }
0x1d1: {  	[tilespmem:$0xD1D0] =	vst v3  }
0x1d2: {  	[tilespmem:$0xD1E0] =	vst v3  }
0x1d3: {  	[tilespmem:$0xD1F0] =	vst v3  }
0x1d4: {  	[tilespmem:$0xD200] =	vst v3  }
0x1d5: {  	[tilespmem:$0xD210] =	vst v3  }
0x1d6: {  	[tilespmem:$0xD220] =	vst v3  }
0x1d7: {  	[tilespmem:$0xD230] =	vst v3  }
0x1d8: {  	[tilespmem:$0xD240] =	vst v3  }
0x1d9: {  	[tilespmem:$0xD250] =	vst v3  }
0x1da: {  	[tilespmem:$0xD260] =	vst v3  }
0x1db: {  	[tilespmem:$0xD270] =	vst v3  }
0x1dc: {  	[tilespmem:$0xD280] =	vst v3  }
0x1dd: {  	[tilespmem:$0xD290] =	vst v3  }
0x1de: {  	[tilespmem:$0xD2A0] =	vst v3  }
0x1df: {  	[tilespmem:$0xD2B0] =	vst v3  }
0x1e0: {  	[tilespmem:$0xD2C0] =	vst v3  }
0x1e1: {  	[tilespmem:$0xD2D0] =	vst v3  }
0x1e2: {  	[tilespmem:$0xD2E0] =	vst v3  }
0x1e3: {  	[tilespmem:$0xD2F0] =	vst v3  }
0x1e4: {  	[tilespmem:$0xD300] =	vst v3  }
0x1e5: {  	[tilespmem:$0xD310] =	vst v3  }
0x1e6: {  	[tilespmem:$0xD320] =	vst v3  }
0x1e7: {  	[tilespmem:$0xD330] =	vst v3  }
0x1e8: {  	[tilespmem:$0xD340] =	vst v3  }
0x1e9: {  	[tilespmem:$0xD350] =	vst v3  }
0x1ea: {  	[tilespmem:$0xD360] =	vst v3  }
0x1eb: {  	[tilespmem:$0xD370] =	vst v3  }
0x1ec: {  	[tilespmem:$0xD380] =	vst v3  }
0x1ed: {  	[tilespmem:$0xD390] =	vst v3  }
0x1ee: {  	[tilespmem:$0xD3A0] =	vst v3  }
0x1ef: {  	[tilespmem:$0xD3B0] =	vst v3  }
0x1f0: {  	[tilespmem:$0xD3C0] =	vst v3  }
0x1f1: {  	[tilespmem:$0xD3D0] =	vst v3  }
0x1f2: {  	[tilespmem:$0xD3E0] =	vst v3  }
0x1f3: {  	[tilespmem:$0xD3F0] =	vst v3  }
0x1f4: {  	[tilespmem:$0xD400] =	vst v3  }
0x1f5: {  	[tilespmem:$0xD410] =	vst v3  }
0x1f6: {  	[tilespmem:$0xD420] =	vst v3  }
0x1f7: {  	[tilespmem:$0xD430] =	vst v3  }
0x1f8: {  	[tilespmem:$0xD440] =	vst v3  }
0x1f9: {  	[tilespmem:$0xD450] =	vst v3  }
0x1fa: {  	[tilespmem:$0xD460] =	vst v3  }
0x1fb: {  	[tilespmem:$0xD470] =	vst v3  }
0x1fc: {  	[tilespmem:$0xD480] =	vst v3  }
0x1fd: {  	[tilespmem:$0xD490] =	vst v3  }
0x1fe: {  	[tilespmem:$0xD4A0] =	vst v3  }
0x1ff: {  	[tilespmem:$0xD4B0] =	vst v3  }
0x200: {  	[tilespmem:$0xD4C0] =	vst v3  }
0x201: {  	[tilespmem:$0xD4D0] =	vst v3  }
0x202: {  	[tilespmem:$0xD4E0] =	vst v3  }
0x203: {  	[tilespmem:$0xD4F0] =	vst v3  }
0x204: {  	[tilespmem:$0xD500] =	vst v3  }
0x205: {  	[tilespmem:$0xD510] =	vst v3  }
0x206: {  	[tilespmem:$0xD520] =	vst v3  }
0x207: {  	[tilespmem:$0xD530] =	vst v3  }
0x208: {  	[tilespmem:$0xD540] =	vst v3  }
0x209: {  	[tilespmem:$0xD550] =	vst v3  }
0x20a: {  	[tilespmem:$0xD560] =	vst v3  }
0x20b: {  	[tilespmem:$0xD570] =	vst v3  }
0x20c: {  	[tilespmem:$0xD580] =	vst v3  }
0x20d: {  	[tilespmem:$0xD590] =	vst v3  }
0x20e: {  	[tilespmem:$0xD5A0] =	vst v3  }
0x20f: {  	[tilespmem:$0xD5B0] =	vst v3  }
0x210: {  	[tilespmem:$0xD5C0] =	vst v3  }
0x211: {  	[tilespmem:$0xD5D0] =	vst v3  }
0x212: {  	[tilespmem:$0xD5E0] =	vst v3  }
0x213: {  	[tilespmem:$0xD5F0] =	vst v3  }
0x214: {  	[tilespmem:$0xD600] =	vst v3  }
0x215: {  	[tilespmem:$0xD610] =	vst v3  }
0x216: {  	[tilespmem:$0xD620] =	vst v3  }
0x217: {  	[tilespmem:$0xD630] =	vst v3  }
0x218: {  	[tilespmem:$0xD640] =	vst v3  }
0x219: {  	[tilespmem:$0xD650] =	vst v3  }
0x21a: {  	[tilespmem:$0xD660] =	vst v3  }
0x21b: {  	[tilespmem:$0xD670] =	vst v3  }
0x21c: {  	[tilespmem:$0xD680] =	vst v3  }
0x21d: {  	[tilespmem:$0xD690] =	vst v3  }
0x21e: {  	[tilespmem:$0xD6A0] =	vst v3  }
0x21f: {  	[tilespmem:$0xD6B0] =	vst v3  }
0x220: {  	[tilespmem:$0xD6C0] =	vst v3  }
0x221: {  	[tilespmem:$0xD6D0] =	vst v3  }
0x222: {  	[tilespmem:$0xD6E0] =	vst v3  }
0x223: {  	[tilespmem:$0xD6F0] =	vst v3  }
0x224: {  	[tilespmem:$0xD700] =	vst v3  }
0x225: {  	[tilespmem:$0xD710] =	vst v3  }
0x226: {  	[tilespmem:$0xD720] =	vst v3  }
0x227: {  	[tilespmem:$0xD730] =	vst v3  }
0x228: {  	[tilespmem:$0xD740] =	vst v3  }
0x229: {  	[tilespmem:$0xD750] =	vst v3  }
0x22a: {  	[tilespmem:$0xD760] =	vst v3  }
0x22b: {  	[tilespmem:$0xD770] =	vst v3  }
0x22c: {  	[tilespmem:$0xD780] =	vst v3  }
0x22d: {  	[tilespmem:$0xD790] =	vst v3  }
0x22e: {  	[tilespmem:$0xD7A0] =	vst v3  }
0x22f: {  	[tilespmem:$0xD7B0] =	vst v3  }
0x230: {  	[tilespmem:$0xD7C0] =	vst v3  }
0x231: {  	[tilespmem:$0xD7D0] =	vst v3  }
0x232: {  	[tilespmem:$0xD7E0] =	vst v3  }
0x233: {  	[tilespmem:$0xD7F0] =	vst v3  }
0x234: {  	[tilespmem:$0xD800] =	vst v3  }
0x235: {  	[tilespmem:$0xD810] =	vst v3  }
0x236: {  	[tilespmem:$0xD820] =	vst v3  }
0x237: {  	[tilespmem:$0xD830] =	vst v3  }
0x238: {  	[tilespmem:$0xD840] =	vst v3  }
0x239: {  	[tilespmem:$0xD850] =	vst v3  }
0x23a: {  	[tilespmem:$0xD860] =	vst v3  }
0x23b: {  	[tilespmem:$0xD870] =	vst v3  }
0x23c: {  	[tilespmem:$0xD880] =	vst v3  }
0x23d: {  	[tilespmem:$0xD890] =	vst v3  }
0x23e: {  	[tilespmem:$0xD8A0] =	vst v3  }
0x23f: {  	[tilespmem:$0xD8B0] =	vst v3  }
0x240: {  	[tilespmem:$0xD8C0] =	vst v3  }
0x241: {  	[tilespmem:$0xD8D0] =	vst v3  }
0x242: {  	[tilespmem:$0xD8E0] =	vst v3  }
0x243: {  	[tilespmem:$0xD8F0] =	vst v3  }
0x244: {  	[tilespmem:$0xD900] =	vst v3  }
0x245: {  	[tilespmem:$0xD910] =	vst v3  }
0x246: {  	[tilespmem:$0xD920] =	vst v3  }
0x247: {  	[tilespmem:$0xD930] =	vst v3  }
0x248: {  	[tilespmem:$0xD940] =	vst v3  }
0x249: {  	[tilespmem:$0xD950] =	vst v3  }
0x24a: {  	[tilespmem:$0xD960] =	vst v3  }
0x24b: {  	[tilespmem:$0xD970] =	vst v3  }
0x24c: {  	[tilespmem:$0xD980] =	vst v3  }
0x24d: {  	[tilespmem:$0xD990] =	vst v3  }
0x24e: {  	[tilespmem:$0xD9A0] =	vst v3  }
0x24f: {  	[tilespmem:$0xD9B0] =	vst v3  }
0x250: {  	[tilespmem:$0xD9C0] =	vst v3  }
0x251: {  	[tilespmem:$0xD9D0] =	vst v3  }
0x252: {  	[tilespmem:$0xD9E0] =	vst v3  }
0x253: {  	[tilespmem:$0xD9F0] =	vst v3  }
0x254: {  	[tilespmem:$0xDA00] =	vst v3  }
0x255: {  	[tilespmem:$0xDA10] =	vst v3  }
0x256: {  	[tilespmem:$0xDA20] =	vst v3  }
0x257: {  	[tilespmem:$0xDA30] =	vst v3  }
0x258: {  	[tilespmem:$0xDA40] =	vst v3  }
0x259: {  	[tilespmem:$0xDA50] =	vst v3  }
0x25a: {  	[tilespmem:$0xDA60] =	vst v3  }
0x25b: {  	[tilespmem:$0xDA70] =	vst v3  }
0x25c: {  	[tilespmem:$0xDA80] =	vst v3  }
0x25d: {  	[tilespmem:$0xDA90] =	vst v3  }
0x25e: {  	[tilespmem:$0xDAA0] =	vst v3  }
0x25f: {  	[tilespmem:$0xDAB0] =	vst v3  }
0x260: {  	[tilespmem:$0xDAC0] =	vst v3  }
0x261: {  	[tilespmem:$0xDAD0] =	vst v3  }
0x262: {  	[tilespmem:$0xDAE0] =	vst v3  }
0x263: {  	[tilespmem:$0xDAF0] =	vst v3  }
0x264: {  	[tilespmem:$0xDB00] =	vst v3  }
0x265: {  	[tilespmem:$0xDB10] =	vst v3  }
0x266: {  	[tilespmem:$0xDB20] =	vst v3  }
0x267: {  	[tilespmem:$0xDB30] =	vst v3  }
0x268: {  	[tilespmem:$0xDB40] =	vst v3  }
0x269: {  	[tilespmem:$0xDB50] =	vst v3  }
0x26a: {  	[tilespmem:$0xDB60] =	vst v3  }
0x26b: {  	[tilespmem:$0xDB70] =	vst v3  }
0x26c: {  	[tilespmem:$0xDB80] =	vst v3  }
0x26d: {  	[tilespmem:$0xDB90] =	vst v3  }
0x26e: {  	[tilespmem:$0xDBA0] =	vst v3  }
0x26f: {  	[tilespmem:$0xDBB0] =	vst v3  }
0x270: {  	[tilespmem:$0xDBC0] =	vst v3  }
0x271: {  	[tilespmem:$0xDBD0] =	vst v3  }
0x272: {  	[tilespmem:$0xDBE0] =	vst v3  }
0x273: {  	[tilespmem:$0xDBF0] =	vst v3  }
0x274: {  	[tilespmem:$0xDC00] =	vst v3  }
0x275: {  	[tilespmem:$0xDC10] =	vst v3  }
0x276: {  	[tilespmem:$0xDC20] =	vst v3  }
0x277: {  	[tilespmem:$0xDC30] =	vst v3  }
0x278: {  	[tilespmem:$0xDC40] =	vst v3  }
0x279: {  	[tilespmem:$0xDC50] =	vst v3  }
0x27a: {  	[tilespmem:$0xDC60] =	vst v3  }
0x27b: {  	[tilespmem:$0xDC70] =	vst v3  }
0x27c: {  	[tilespmem:$0xDC80] =	vst v3  }
0x27d: {  	[tilespmem:$0xDC90] =	vst v3  }
0x27e: {  	[tilespmem:$0xDCA0] =	vst v3  }
0x27f: {  	[tilespmem:$0xDCB0] =	vst v3  }
0x280: {  	[tilespmem:$0xDCC0] =	vst v3  }
0x281: {  	[tilespmem:$0xDCD0] =	vst v3  }
0x282: {  	[tilespmem:$0xDCE0] =	vst v3  }
0x283: {  	[tilespmem:$0xDCF0] =	vst v3  }
0x284: {  	_ =	swait.ge [sflag:s15], $0x2000  }
0x285: {  	[sflag:s15] =	ssyncset.done $0x0  }
0x286: {  	[sflag:s15] =	ssyncadd.s32 $0xFFFFE000  }
0x287: {  	_ =	swait.ge [sflag:s16], $0x2000  }
0x288: {  	[sflag:s16] =	ssyncset.done $0x0  }
0x289: {  	s20 =	simm.s32 $0x0;
	s21 =	simm.s32 $0x0;
	[sflag:s16] =	ssyncadd.s32 $0xFFFFE000  }
.LBB2_4:
0x28a: {  	s22 =	sand.u32 $0x1000, s21;
	s23 =	sand.u32 $0x380, s20  }
0x28b: {  	s22 =	sor.u32 s23, s22  }
0x28c: {  	v5 =	vld [tilespmem:s22+$0x9100];
	_ =	sdelay $0x6  }
0x28d: {  	v7 =	vld [tilespmem:s22+$0xB100]  }
0x28e: {  	v8 =	vld.idx.msk [tilespmem:v5+s14+$0x0], $0xffff;
	_ =	sdelay $0x3  }
0x28f: {  	v9 =	vshll.u32 v7, $0x4  }
0x290: {  	v10 =	vor.u32 v0, v9;
	v5 =	vor.u32 $0x400, v0;
	v6 =	vshll.u32 v8, $0x4  }
0x291: {  	vm0 =	veq.s32 v8, v7;
	v11 =	vadd.s32 v5, v6;
	v6 =	vor.u32 $0x800, v0  }
0x292: {  	v7 =	vadd.s32 v6, v9;
	_ =	sdelay $0x2  }
0x293: {  	[tilespmem:v10+s17+$0x0] =	vst.idx.add.f32.msk $0xffff, v4  }
0x294: {  	[tilespmem:v11+s17+$0x0] =	vst.idx.add.f32.msk $0xffff, v4  }
0x295: {  	[tilespmem:v7+s17+$0x0] =	vst.idx.add.f32.msk vm0, v4  }
0x296: {  	v7 =	vld [tilespmem:s22+$0x9110];
	_ =	sdelay $0x6  }
0x297: {  	v44 =	vld [tilespmem:s22+$0xB110]  }
0x298: {  	v7 =	vld.idx.msk [tilespmem:v7+s14+$0x0], $0xffff;
	_ =	sdelay $0x3  }
0x299: {  	v45 =	vshll.u32 v44, $0x4  }
0x29a: {  	v46 =	vor.u32 v0, v45;
	v47 =	vshll.u32 v7, $0x4  }
0x29b: {  	vm9 =	veq.s32 v7, v44;
	v11 =	vadd.s32 v5, v47  }
0x29c: {  	v7 =	vadd.s32 v6, v45;
	_ =	sdelay $0x2  }
0x29d: {  	[tilespmem:v46+s17+$0x0] =	vst.idx.add.f32.msk $0xffff, v4  }
0x29e: {  	[tilespmem:v11+s17+$0x0] =	vst.idx.add.f32.msk $0xffff, v4  }
0x29f: {  	[tilespmem:v7+s17+$0x0] =	vst.idx.add.f32.msk vm9, v4  }
0x2a0: {  	v7 =	vld [tilespmem:s22+$0x9120];
	_ =	sdelay $0x6  }
0x2a1: {  	v48 =	vld [tilespmem:s22+$0xB120]  }
0x2a2: {  	v7 =	vld.idx.msk [tilespmem:v7+s14+$0x0], $0xffff;
	_ =	sdelay $0x3  }
0x2a3: {  	v49 =	vshll.u32 v48, $0x4  }
0x2a4: {  	v50 =	vor.u32 v0, v49;
	v51 =	vshll.u32 v7, $0x4  }
0x2a5: {  	vm10 =	veq.s32 v7, v48;
	v11 =	vadd.s32 v5, v51  }
0x2a6: {  	v7 =	vadd.s32 v6, v49;
	_ =	sdelay $0x2  }
0x2a7: {  	[tilespmem:v50+s17+$0x0] =	vst.idx.add.f32.msk $0xffff, v4  }
0x2a8: {  	[tilespmem:v11+s17+$0x0] =	vst.idx.add.f32.msk $0xffff, v4  }
0x2a9: {  	[tilespmem:v7+s17+$0x0] =	vst.idx.add.f32.msk vm10, v4  }
0x2aa: {  	v7 =	vld [tilespmem:s22+$0x9130];
	_ =	sdelay $0x6  }
0x2ab: {  	v52 =	vld [tilespmem:s22+$0xB130]  }
0x2ac: {  	v7 =	vld.idx.msk [tilespmem:v7+s14+$0x0], $0xffff;
	_ =	sdelay $0x3  }
0x2ad: {  	v53 =	vshll.u32 v52, $0x4  }
0x2ae: {  	v54 =	vor.u32 v0, v53;
	v55 =	vshll.u32 v7, $0x4  }
0x2af: {  	vm11 =	veq.s32 v7, v52;
	v11 =	vadd.s32 v5, v55  }
0x2b0: {  	v7 =	vadd.s32 v6, v53;
	_ =	sdelay $0x2  }
0x2b1: {  	[tilespmem:v54+s17+$0x0] =	vst.idx.add.f32.msk $0xffff, v4  }
0x2b2: {  	[tilespmem:v11+s17+$0x0] =	vst.idx.add.f32.msk $0xffff, v4  }
0x2b3: {  	[tilespmem:v7+s17+$0x0] =	vst.idx.add.f32.msk vm11, v4  }
0x2b4: {  	v7 =	vld [tilespmem:s22+$0x9140];
	_ =	sdelay $0x6  }
0x2b5: {  	v56 =	vld [tilespmem:s22+$0xB140]  }
0x2b6: {  	v7 =	vld.idx.msk [tilespmem:v7+s14+$0x0], $0xffff;
	_ =	sdelay $0x3  }
0x2b7: {  	v57 =	vshll.u32 v56, $0x4  }
0x2b8: {  	v58 =	vor.u32 v0, v57;
	v59 =	vshll.u32 v7, $0x4  }
0x2b9: {  	vm12 =	veq.s32 v7, v56;
	v11 =	vadd.s32 v5, v59  }
0x2ba: {  	v7 =	vadd.s32 v6, v57;
	_ =	sdelay $0x2  }
0x2bb: {  	[tilespmem:v58+s17+$0x0] =	vst.idx.add.f32.msk $0xffff, v4  }
0x2bc: {  	[tilespmem:v11+s17+$0x0] =	vst.idx.add.f32.msk $0xffff, v4  }
0x2bd: {  	[tilespmem:v7+s17+$0x0] =	vst.idx.add.f32.msk vm12, v4  }
0x2be: {  	v7 =	vld [tilespmem:s22+$0x9150];
	_ =	sdelay $0x6  }
0x2bf: {  	v60 =	vld [tilespmem:s22+$0xB150]  }
0x2c0: {  	v7 =	vld.idx.msk [tilespmem:v7+s14+$0x0], $0xffff;
	_ =	sdelay $0x3  }
0x2c1: {  	v61 =	vshll.u32 v60, $0x4  }
0x2c2: {  	v62 =	vor.u32 v0, v61;
	v63 =	vshll.u32 v7, $0x4  }
0x2c3: {  	vm13 =	veq.s32 v7, v60;
	v11 =	vadd.s32 v5, v63  }
0x2c4: {  	v7 =	vadd.s32 v6, v61;
	_ =	sdelay $0x2  }
0x2c5: {  	[tilespmem:v62+s17+$0x0] =	vst.idx.add.f32.msk $0xffff, v4  }
0x2c6: {  	[tilespmem:v11+s17+$0x0] =	vst.idx.add.f32.msk $0xffff, v4  }
0x2c7: {  	[tilespmem:v7+s17+$0x0] =	vst.idx.add.f32.msk vm13, v4  }
0x2c8: {  	v7 =	vld [tilespmem:s22+$0x9160];
	_ =	sdelay $0x6  }
0x2c9: {  	v12 =	vld [tilespmem:s22+$0xB160]  }
0x2ca: {  	v7 =	vld.idx.msk [tilespmem:v7+s14+$0x0], $0xffff;
	_ =	sdelay $0x3  }
0x2cb: {  	v13 =	vshll.u32 v12, $0x4  }
0x2cc: {  	v14 =	vor.u32 v0, v13;
	v15 =	vshll.u32 v7, $0x4  }
0x2cd: {  	vm14 =	veq.s32 v7, v12;
	v11 =	vadd.s32 v5, v15  }
0x2ce: {  	v7 =	vadd.s32 v6, v13;
	_ =	sdelay $0x2  }
0x2cf: {  	[tilespmem:v14+s17+$0x0] =	vst.idx.add.f32.msk $0xffff, v4  }
0x2d0: {  	[tilespmem:v11+s17+$0x0] =	vst.idx.add.f32.msk $0xffff, v4  }
0x2d1: {  	[tilespmem:v7+s17+$0x0] =	vst.idx.add.f32.msk vm14, v4  }
0x2d2: {  	v7 =	vld [tilespmem:s22+$0x9170];
	_ =	sdelay $0x6  }
0x2d3: {  	v16 =	vld [tilespmem:s22+$0xB170]  }
0x2d4: {  	v7 =	vld.idx.msk [tilespmem:v7+s14+$0x0], $0xffff;
	_ =	sdelay $0x3  }
0x2d5: {  	v17 =	vshll.u32 v16, $0x4  }
0x2d6: {  	v18 =	vor.u32 v0, v17;
	v19 =	vshll.u32 v7, $0x4  }
0x2d7: {  	vm15 =	veq.s32 v7, v16;
	v11 =	vadd.s32 v5, v19  }
0x2d8: {  	v7 =	vadd.s32 v6, v17;
	_ =	sdelay $0x2  }
0x2d9: {  	[tilespmem:v18+s17+$0x0] =	vst.idx.add.f32.msk $0xffff, v4  }
0x2da: {  	[tilespmem:v11+s17+$0x0] =	vst.idx.add.f32.msk $0xffff, v4  }
0x2db: {  	[tilespmem:v7+s17+$0x0] =	vst.idx.add.f32.msk vm15, v4  }
0x2dc: {  	v7 =	vld [tilespmem:s22+$0x9500];
	_ =	sdelay $0x6  }
0x2dd: {  	v20 =	vld [tilespmem:s22+$0xB500]  }
0x2de: {  	v7 =	vld.idx.msk [tilespmem:v7+s14+$0x0], $0xffff;
	_ =	sdelay $0x3  }
0x2df: {  	v21 =	vshll.u32 v20, $0x4  }
0x2e0: {  	v22 =	vor.u32 v0, v21;
	v23 =	vshll.u32 v7, $0x4  }
0x2e1: {  	vm4 =	veq.s32 v7, v20;
	v11 =	vadd.s32 v5, v23  }
0x2e2: {  	v7 =	vadd.s32 v6, v21;
	_ =	sdelay $0x2  }
0x2e3: {  	[tilespmem:v22+s17+$0x0] =	vst.idx.add.f32.msk $0xffff, v4  }
0x2e4: {  	[tilespmem:v11+s17+$0x0] =	vst.idx.add.f32.msk $0xffff, v4  }
0x2e5: {  	[tilespmem:v7+s17+$0x0] =	vst.idx.add.f32.msk vm4, v4  }
0x2e6: {  	v7 =	vld [tilespmem:s22+$0x9510];
	_ =	sdelay $0x6  }
0x2e7: {  	v24 =	vld [tilespmem:s22+$0xB510]  }
0x2e8: {  	v7 =	vld.idx.msk [tilespmem:v7+s14+$0x0], $0xffff;
	_ =	sdelay $0x3  }
0x2e9: {  	v25 =	vshll.u32 v24, $0x4  }
0x2ea: {  	v26 =	vor.u32 v0, v25;
	v27 =	vshll.u32 v7, $0x4  }
0x2eb: {  	vm5 =	veq.s32 v7, v24;
	v11 =	vadd.s32 v5, v27  }
0x2ec: {  	v7 =	vadd.s32 v6, v25;
	_ =	sdelay $0x2  }
0x2ed: {  	[tilespmem:v26+s17+$0x0] =	vst.idx.add.f32.msk $0xffff, v4  }
0x2ee: {  	[tilespmem:v11+s17+$0x0] =	vst.idx.add.f32.msk $0xffff, v4  }
0x2ef: {  	[tilespmem:v7+s17+$0x0] =	vst.idx.add.f32.msk vm5, v4  }
0x2f0: {  	v7 =	vld [tilespmem:s22+$0x9520];
	_ =	sdelay $0x6  }
0x2f1: {  	v28 =	vld [tilespmem:s22+$0xB520]  }
0x2f2: {  	v7 =	vld.idx.msk [tilespmem:v7+s14+$0x0], $0xffff;
	_ =	sdelay $0x3  }
0x2f3: {  	v29 =	vshll.u32 v28, $0x4  }
0x2f4: {  	v30 =	vor.u32 v0, v29;
	v31 =	vshll.u32 v7, $0x4  }
0x2f5: {  	vm6 =	veq.s32 v7, v28;
	v11 =	vadd.s32 v5, v31  }
0x2f6: {  	v7 =	vadd.s32 v6, v29;
	_ =	sdelay $0x2  }
0x2f7: {  	[tilespmem:v30+s17+$0x0] =	vst.idx.add.f32.msk $0xffff, v4  }
0x2f8: {  	[tilespmem:v11+s17+$0x0] =	vst.idx.add.f32.msk $0xffff, v4  }
0x2f9: {  	[tilespmem:v7+s17+$0x0] =	vst.idx.add.f32.msk vm6, v4  }
0x2fa: {  	v7 =	vld [tilespmem:s22+$0x9530];
	_ =	sdelay $0x6  }
0x2fb: {  	v32 =	vld [tilespmem:s22+$0xB530]  }
0x2fc: {  	v7 =	vld.idx.msk [tilespmem:v7+s14+$0x0], $0xffff;
	_ =	sdelay $0x3  }
0x2fd: {  	v33 =	vshll.u32 v32, $0x4  }
0x2fe: {  	v34 =	vor.u32 v0, v33;
	v35 =	vshll.u32 v7, $0x4  }
0x2ff: {  	vm7 =	veq.s32 v7, v32;
	v11 =	vadd.s32 v5, v35  }
0x300: {  	v7 =	vadd.s32 v6, v33;
	_ =	sdelay $0x2  }
0x301: {  	[tilespmem:v34+s17+$0x0] =	vst.idx.add.f32.msk $0xffff, v4  }
0x302: {  	[tilespmem:v11+s17+$0x0] =	vst.idx.add.f32.msk $0xffff, v4  }
0x303: {  	[tilespmem:v7+s17+$0x0] =	vst.idx.add.f32.msk vm7, v4  }
0x304: {  	v7 =	vld [tilespmem:s22+$0x9540];
	_ =	sdelay $0x6  }
0x305: {  	v36 =	vld [tilespmem:s22+$0xB540]  }
0x306: {  	v7 =	vld.idx.msk [tilespmem:v7+s14+$0x0], $0xffff;
	_ =	sdelay $0x3  }
0x307: {  	v37 =	vshll.u32 v36, $0x4  }
0x308: {  	v38 =	vor.u32 v0, v37;
	v39 =	vshll.u32 v7, $0x4  }
0x309: {  	vm8 =	veq.s32 v7, v36;
	v11 =	vadd.s32 v5, v39  }
0x30a: {  	v7 =	vadd.s32 v6, v37;
	_ =	sdelay $0x2  }
0x30b: {  	[tilespmem:v38+s17+$0x0] =	vst.idx.add.f32.msk $0xffff, v4  }
0x30c: {  	[tilespmem:v11+s17+$0x0] =	vst.idx.add.f32.msk $0xffff, v4  }
0x30d: {  	[tilespmem:v7+s17+$0x0] =	vst.idx.add.f32.msk vm8, v4  }
0x30e: {  	v7 =	vld [tilespmem:s22+$0x9550];
	_ =	sdelay $0x6  }
0x30f: {  	v40 =	vld [tilespmem:s22+$0xB550]  }
0x310: {  	v7 =	vld.idx.msk [tilespmem:v7+s14+$0x0], $0xffff;
	_ =	sdelay $0x3  }
0x311: {  	v41 =	vshll.u32 v40, $0x4  }
0x312: {  	v42 =	vor.u32 v0, v41;
	v43 =	vshll.u32 v7, $0x4  }
0x313: {  	vm9 =	veq.s32 v7, v40;
	v11 =	vadd.s32 v5, v43  }
0x314: {  	v7 =	vadd.s32 v6, v41;
	_ =	sdelay $0x2  }
0x315: {  	[tilespmem:v42+s17+$0x0] =	vst.idx.add.f32.msk $0xffff, v4  }
0x316: {  	[tilespmem:v11+s17+$0x0] =	vst.idx.add.f32.msk $0xffff, v4  }
0x317: {  	[tilespmem:v7+s17+$0x0] =	vst.idx.add.f32.msk vm9, v4  }
0x318: {  	v7 =	vld [tilespmem:s22+$0x9560];
	_ =	sdelay $0x6  }
0x319: {  	v44 =	vld [tilespmem:s22+$0xB560]  }
0x31a: {  	v7 =	vld.idx.msk [tilespmem:v7+s14+$0x0], $0xffff;
	_ =	sdelay $0x3  }
0x31b: {  	v45 =	vshll.u32 v44, $0x4  }
0x31c: {  	v46 =	vor.u32 v0, v45;
	v47 =	vshll.u32 v7, $0x4  }
0x31d: {  	vm10 =	veq.s32 v7, v44;
	v11 =	vadd.s32 v5, v47  }
0x31e: {  	v7 =	vadd.s32 v6, v45;
	_ =	sdelay $0x2  }
0x31f: {  	[tilespmem:v46+s17+$0x0] =	vst.idx.add.f32.msk $0xffff, v4  }
0x320: {  	[tilespmem:v11+s17+$0x0] =	vst.idx.add.f32.msk $0xffff, v4  }
0x321: {  	[tilespmem:v7+s17+$0x0] =	vst.idx.add.f32.msk vm10, v4  }
0x322: {  	v7 =	vld [tilespmem:s22+$0x9570];
	_ =	sdelay $0x6  }
0x323: {  	v48 =	vld [tilespmem:s22+$0xB570]  }
0x324: {  	v7 =	vld.idx.msk [tilespmem:v7+s14+$0x0], $0xffff;
	_ =	sdelay $0x3  }
0x325: {  	v49 =	vshll.u32 v48, $0x4  }
0x326: {  	v50 =	vor.u32 v0, v49;
	v51 =	vshll.u32 v7, $0x4  }
0x327: {  	vm11 =	veq.s32 v7, v48;
	v11 =	vadd.s32 v5, v51  }
0x328: {  	v7 =	vadd.s32 v6, v49;
	_ =	sdelay $0x2  }
0x329: {  	[tilespmem:v50+s17+$0x0] =	vst.idx.add.f32.msk $0xffff, v4  }
0x32a: {  	[tilespmem:v11+s17+$0x0] =	vst.idx.add.f32.msk $0xffff, v4  }
0x32b: {  	[tilespmem:v7+s17+$0x0] =	vst.idx.add.f32.msk vm11, v4  }
0x32c: {  	v7 =	vld [tilespmem:s22+$0x9900];
	_ =	sdelay $0x6  }
0x32d: {  	v52 =	vld [tilespmem:s22+$0xB900]  }
0x32e: {  	v7 =	vld.idx.msk [tilespmem:v7+s14+$0x0], $0xffff;
	_ =	sdelay $0x3  }
0x32f: {  	v53 =	vshll.u32 v52, $0x4  }
0x330: {  	v54 =	vor.u32 v0, v53;
	v55 =	vshll.u32 v7, $0x4  }
0x331: {  	vm12 =	veq.s32 v7, v52;
	v11 =	vadd.s32 v5, v55  }
0x332: {  	v7 =	vadd.s32 v6, v53;
	_ =	sdelay $0x2  }
0x333: {  	[tilespmem:v54+s17+$0x0] =	vst.idx.add.f32.msk $0xffff, v4  }
0x334: {  	[tilespmem:v11+s17+$0x0] =	vst.idx.add.f32.msk $0xffff, v4  }
0x335: {  	[tilespmem:v7+s17+$0x0] =	vst.idx.add.f32.msk vm12, v4  }
0x336: {  	v7 =	vld [tilespmem:s22+$0x9910];
	_ =	sdelay $0x6  }
0x337: {  	v56 =	vld [tilespmem:s22+$0xB910]  }
0x338: {  	v7 =	vld.idx.msk [tilespmem:v7+s14+$0x0], $0xffff;
	_ =	sdelay $0x3  }
0x339: {  	v57 =	vshll.u32 v56, $0x4  }
0x33a: {  	v58 =	vor.u32 v0, v57;
	v59 =	vshll.u32 v7, $0x4  }
0x33b: {  	vm13 =	veq.s32 v7, v56;
	v11 =	vadd.s32 v5, v59  }
0x33c: {  	v7 =	vadd.s32 v6, v57;
	_ =	sdelay $0x2  }
0x33d: {  	[tilespmem:v58+s17+$0x0] =	vst.idx.add.f32.msk $0xffff, v4  }
0x33e: {  	[tilespmem:v11+s17+$0x0] =	vst.idx.add.f32.msk $0xffff, v4  }
0x33f: {  	[tilespmem:v7+s17+$0x0] =	vst.idx.add.f32.msk vm13, v4  }
0x340: {  	v7 =	vld [tilespmem:s22+$0x9920];
	_ =	sdelay $0x6  }
0x341: {  	v60 =	vld [tilespmem:s22+$0xB920]  }
0x342: {  	v7 =	vld.idx.msk [tilespmem:v7+s14+$0x0], $0xffff;
	_ =	sdelay $0x3  }
0x343: {  	v61 =	vshll.u32 v60, $0x4  }
0x344: {  	v62 =	vor.u32 v0, v61;
	v63 =	vshll.u32 v7, $0x4  }
0x345: {  	vm14 =	veq.s32 v7, v60;
	v11 =	vadd.s32 v5, v63  }
0x346: {  	v7 =	vadd.s32 v6, v61;
	_ =	sdelay $0x2  }
0x347: {  	[tilespmem:v62+s17+$0x0] =	vst.idx.add.f32.msk $0xffff, v4  }
0x348: {  	[tilespmem:v11+s17+$0x0] =	vst.idx.add.f32.msk $0xffff, v4  }
0x349: {  	[tilespmem:v7+s17+$0x0] =	vst.idx.add.f32.msk vm14, v4  }
0x34a: {  	v7 =	vld [tilespmem:s22+$0x9930];
	_ =	sdelay $0x6  }
0x34b: {  	v12 =	vld [tilespmem:s22+$0xB930]  }
0x34c: {  	v7 =	vld.idx.msk [tilespmem:v7+s14+$0x0], $0xffff;
	_ =	sdelay $0x3  }
0x34d: {  	v13 =	vshll.u32 v12, $0x4  }
0x34e: {  	v14 =	vor.u32 v0, v13;
	v15 =	vshll.u32 v7, $0x4  }
0x34f: {  	vm15 =	veq.s32 v7, v12;
	v11 =	vadd.s32 v5, v15  }
0x350: {  	v7 =	vadd.s32 v6, v13;
	_ =	sdelay $0x2  }
0x351: {  	[tilespmem:v14+s17+$0x0] =	vst.idx.add.f32.msk $0xffff, v4  }
0x352: {  	[tilespmem:v11+s17+$0x0] =	vst.idx.add.f32.msk $0xffff, v4  }
0x353: {  	[tilespmem:v7+s17+$0x0] =	vst.idx.add.f32.msk vm15, v4  }
0x354: {  	v7 =	vld [tilespmem:s22+$0x9940];
	_ =	sdelay $0x6  }
0x355: {  	v16 =	vld [tilespmem:s22+$0xB940]  }
0x356: {  	v7 =	vld.idx.msk [tilespmem:v7+s14+$0x0], $0xffff;
	_ =	sdelay $0x3  }
0x357: {  	v17 =	vshll.u32 v16, $0x4  }
0x358: {  	v18 =	vor.u32 v0, v17;
	v19 =	vshll.u32 v7, $0x4  }
0x359: {  	vm4 =	veq.s32 v7, v16;
	v11 =	vadd.s32 v5, v19  }
0x35a: {  	v7 =	vadd.s32 v6, v17;
	_ =	sdelay $0x2  }
0x35b: {  	[tilespmem:v18+s17+$0x0] =	vst.idx.add.f32.msk $0xffff, v4  }
0x35c: {  	[tilespmem:v11+s17+$0x0] =	vst.idx.add.f32.msk $0xffff, v4  }
0x35d: {  	[tilespmem:v7+s17+$0x0] =	vst.idx.add.f32.msk vm4, v4  }
0x35e: {  	v7 =	vld [tilespmem:s22+$0x9950];
	_ =	sdelay $0x6  }
0x35f: {  	v20 =	vld [tilespmem:s22+$0xB950]  }
0x360: {  	v7 =	vld.idx.msk [tilespmem:v7+s14+$0x0], $0xffff;
	_ =	sdelay $0x3  }
0x361: {  	v21 =	vshll.u32 v20, $0x4  }
0x362: {  	v22 =	vor.u32 v0, v21;
	v23 =	vshll.u32 v7, $0x4  }
0x363: {  	vm5 =	veq.s32 v7, v20;
	v11 =	vadd.s32 v5, v23  }
0x364: {  	v7 =	vadd.s32 v6, v21;
	_ =	sdelay $0x2  }
0x365: {  	[tilespmem:v22+s17+$0x0] =	vst.idx.add.f32.msk $0xffff, v4  }
0x366: {  	[tilespmem:v11+s17+$0x0] =	vst.idx.add.f32.msk $0xffff, v4  }
0x367: {  	[tilespmem:v7+s17+$0x0] =	vst.idx.add.f32.msk vm5, v4  }
0x368: {  	v7 =	vld [tilespmem:s22+$0x9960];
	_ =	sdelay $0x6  }
0x369: {  	v24 =	vld [tilespmem:s22+$0xB960]  }
0x36a: {  	v7 =	vld.idx.msk [tilespmem:v7+s14+$0x0], $0xffff;
	_ =	sdelay $0x3  }
0x36b: {  	v25 =	vshll.u32 v24, $0x4  }
0x36c: {  	v26 =	vor.u32 v0, v25;
	v27 =	vshll.u32 v7, $0x4  }
0x36d: {  	vm6 =	veq.s32 v7, v24;
	v11 =	vadd.s32 v5, v27  }
0x36e: {  	v7 =	vadd.s32 v6, v25;
	_ =	sdelay $0x2  }
0x36f: {  	[tilespmem:v26+s17+$0x0] =	vst.idx.add.f32.msk $0xffff, v4  }
0x370: {  	[tilespmem:v11+s17+$0x0] =	vst.idx.add.f32.msk $0xffff, v4  }
0x371: {  	[tilespmem:v7+s17+$0x0] =	vst.idx.add.f32.msk vm6, v4  }
0x372: {  	v7 =	vld [tilespmem:s22+$0x9970];
	_ =	sdelay $0x6  }
0x373: {  	v28 =	vld [tilespmem:s22+$0xB970]  }
0x374: {  	v7 =	vld.idx.msk [tilespmem:v7+s14+$0x0], $0xffff;
	_ =	sdelay $0x3  }
0x375: {  	v29 =	vshll.u32 v28, $0x4  }
0x376: {  	v30 =	vor.u32 v0, v29;
	v31 =	vshll.u32 v7, $0x4  }
0x377: {  	vm7 =	veq.s32 v7, v28;
	v11 =	vadd.s32 v5, v31  }
0x378: {  	v7 =	vadd.s32 v6, v29;
	_ =	sdelay $0x2  }
0x379: {  	[tilespmem:v30+s17+$0x0] =	vst.idx.add.f32.msk $0xffff, v4  }
0x37a: {  	[tilespmem:v11+s17+$0x0] =	vst.idx.add.f32.msk $0xffff, v4  }
0x37b: {  	[tilespmem:v7+s17+$0x0] =	vst.idx.add.f32.msk vm7, v4  }
0x37c: {  	v7 =	vld [tilespmem:s22+$0x9D00];
	_ =	sdelay $0x6  }
0x37d: {  	v32 =	vld [tilespmem:s22+$0xBD00]  }
0x37e: {  	v7 =	vld.idx.msk [tilespmem:v7+s14+$0x0], $0xffff;
	_ =	sdelay $0x3  }
0x37f: {  	v33 =	vshll.u32 v32, $0x4  }
0x380: {  	v34 =	vor.u32 v0, v33;
	v35 =	vshll.u32 v7, $0x4  }
0x381: {  	vm8 =	veq.s32 v7, v32;
	v11 =	vadd.s32 v5, v35  }
0x382: {  	v7 =	vadd.s32 v6, v33;
	_ =	sdelay $0x2  }
0x383: {  	[tilespmem:v34+s17+$0x0] =	vst.idx.add.f32.msk $0xffff, v4  }
0x384: {  	[tilespmem:v11+s17+$0x0] =	vst.idx.add.f32.msk $0xffff, v4  }
0x385: {  	[tilespmem:v7+s17+$0x0] =	vst.idx.add.f32.msk vm8, v4  }
0x386: {  	v7 =	vld [tilespmem:s22+$0x9D10];
	_ =	sdelay $0x6  }
0x387: {  	v36 =	vld [tilespmem:s22+$0xBD10]  }
0x388: {  	v7 =	vld.idx.msk [tilespmem:v7+s14+$0x0], $0xffff;
	_ =	sdelay $0x3  }
0x389: {  	v37 =	vshll.u32 v36, $0x4  }
0x38a: {  	v38 =	vor.u32 v0, v37;
	v39 =	vshll.u32 v7, $0x4  }
0x38b: {  	vm9 =	veq.s32 v7, v36;
	v11 =	vadd.s32 v5, v39  }
0x38c: {  	v7 =	vadd.s32 v6, v37;
	_ =	sdelay $0x2  }
0x38d: {  	[tilespmem:v38+s17+$0x0] =	vst.idx.add.f32.msk $0xffff, v4  }
0x38e: {  	[tilespmem:v11+s17+$0x0] =	vst.idx.add.f32.msk $0xffff, v4  }
0x38f: {  	[tilespmem:v7+s17+$0x0] =	vst.idx.add.f32.msk vm9, v4  }
0x390: {  	v7 =	vld [tilespmem:s22+$0x9D20];
	_ =	sdelay $0x6  }
0x391: {  	v40 =	vld [tilespmem:s22+$0xBD20]  }
0x392: {  	v7 =	vld.idx.msk [tilespmem:v7+s14+$0x0], $0xffff;
	_ =	sdelay $0x3  }
0x393: {  	v41 =	vshll.u32 v40, $0x4  }
0x394: {  	v42 =	vor.u32 v0, v41;
	v43 =	vshll.u32 v7, $0x4  }
0x395: {  	vm10 =	veq.s32 v7, v40;
	v11 =	vadd.s32 v5, v43  }
0x396: {  	v7 =	vadd.s32 v6, v41;
	_ =	sdelay $0x2  }
0x397: {  	[tilespmem:v42+s17+$0x0] =	vst.idx.add.f32.msk $0xffff, v4  }
0x398: {  	[tilespmem:v11+s17+$0x0] =	vst.idx.add.f32.msk $0xffff, v4  }
0x399: {  	[tilespmem:v7+s17+$0x0] =	vst.idx.add.f32.msk vm10, v4  }
0x39a: {  	v7 =	vld [tilespmem:s22+$0x9D30];
	_ =	sdelay $0x6  }
0x39b: {  	v44 =	vld [tilespmem:s22+$0xBD30]  }
0x39c: {  	v7 =	vld.idx.msk [tilespmem:v7+s14+$0x0], $0xffff;
	_ =	sdelay $0x3  }
0x39d: {  	v45 =	vshll.u32 v44, $0x4  }
0x39e: {  	v46 =	vor.u32 v0, v45;
	v47 =	vshll.u32 v7, $0x4  }
0x39f: {  	vm11 =	veq.s32 v7, v44;
	v11 =	vadd.s32 v5, v47  }
0x3a0: {  	v7 =	vadd.s32 v6, v45;
	_ =	sdelay $0x2  }
0x3a1: {  	[tilespmem:v46+s17+$0x0] =	vst.idx.add.f32.msk $0xffff, v4  }
0x3a2: {  	[tilespmem:v11+s17+$0x0] =	vst.idx.add.f32.msk $0xffff, v4  }
0x3a3: {  	[tilespmem:v7+s17+$0x0] =	vst.idx.add.f32.msk vm11, v4  }
0x3a4: {  	v7 =	vld [tilespmem:s22+$0x9D40];
	_ =	sdelay $0x6  }
0x3a5: {  	v48 =	vld [tilespmem:s22+$0xBD40]  }
0x3a6: {  	v7 =	vld.idx.msk [tilespmem:v7+s14+$0x0], $0xffff;
	_ =	sdelay $0x3  }
0x3a7: {  	v49 =	vshll.u32 v48, $0x4  }
0x3a8: {  	v50 =	vor.u32 v0, v49;
	v51 =	vshll.u32 v7, $0x4  }
0x3a9: {  	vm12 =	veq.s32 v7, v48;
	v11 =	vadd.s32 v5, v51  }
0x3aa: {  	v7 =	vadd.s32 v6, v49;
	_ =	sdelay $0x2  }
0x3ab: {  	[tilespmem:v50+s17+$0x0] =	vst.idx.add.f32.msk $0xffff, v4  }
0x3ac: {  	[tilespmem:v11+s17+$0x0] =	vst.idx.add.f32.msk $0xffff, v4  }
0x3ad: {  	[tilespmem:v7+s17+$0x0] =	vst.idx.add.f32.msk vm12, v4  }
0x3ae: {  	v7 =	vld [tilespmem:s22+$0x9D50];
	_ =	sdelay $0x6  }
0x3af: {  	v52 =	vld [tilespmem:s22+$0xBD50]  }
0x3b0: {  	v7 =	vld.idx.msk [tilespmem:v7+s14+$0x0], $0xffff;
	_ =	sdelay $0x3  }
0x3b1: {  	v53 =	vshll.u32 v52, $0x4  }
0x3b2: {  	v54 =	vor.u32 v0, v53;
	v55 =	vshll.u32 v7, $0x4  }
0x3b3: {  	vm13 =	veq.s32 v7, v52;
	v11 =	vadd.s32 v5, v55  }
0x3b4: {  	v7 =	vadd.s32 v6, v53;
	_ =	sdelay $0x2  }
0x3b5: {  	[tilespmem:v54+s17+$0x0] =	vst.idx.add.f32.msk $0xffff, v4  }
0x3b6: {  	[tilespmem:v11+s17+$0x0] =	vst.idx.add.f32.msk $0xffff, v4  }
0x3b7: {  	[tilespmem:v7+s17+$0x0] =	vst.idx.add.f32.msk vm13, v4  }
0x3b8: {  	v7 =	vld [tilespmem:s22+$0x9D60];
	_ =	sdelay $0x6  }
0x3b9: {  	v56 =	vld [tilespmem:s22+$0xBD60]  }
0x3ba: {  	v7 =	vld.idx.msk [tilespmem:v7+s14+$0x0], $0xffff;
	_ =	sdelay $0x3  }
0x3bb: {  	v57 =	vshll.u32 v56, $0x4  }
0x3bc: {  	v58 =	vor.u32 v0, v57;
	v59 =	vshll.u32 v7, $0x4  }
0x3bd: {  	vm14 =	veq.s32 v7, v56;
	v11 =	vadd.s32 v5, v59  }
0x3be: {  	v7 =	vadd.s32 v6, v57;
	_ =	sdelay $0x2  }
0x3bf: {  	[tilespmem:v58+s17+$0x0] =	vst.idx.add.f32.msk $0xffff, v4  }
0x3c0: {  	[tilespmem:v11+s17+$0x0] =	vst.idx.add.f32.msk $0xffff, v4  }
0x3c1: {  	[tilespmem:v7+s17+$0x0] =	vst.idx.add.f32.msk vm14, v4  }
0x3c2: {  	v7 =	vld [tilespmem:s22+$0x9D70];
	_ =	sdelay $0x6  }
0x3c3: {  	v60 =	vld [tilespmem:s22+$0xBD70]  }
0x3c4: {  	v7 =	vld.idx.msk [tilespmem:v7+s14+$0x0], $0xffff;
	_ =	sdelay $0x3  }
0x3c5: {  	v61 =	vshll.u32 v60, $0x4  }
0x3c6: {  	v62 =	vor.u32 v0, v61;
	v63 =	vshll.u32 v7, $0x4  }
0x3c7: {  	vm15 =	veq.s32 v7, v60;
	v5 =	vadd.s32 v5, v63  }
0x3c8: {  	p0 =	sne.s32 s21, $0x1E00;
	v6 =	vadd.s32 v6, v61  }
.Ltmp1:
0x3c9: {  	_ = 	snop;
	(pc) =	sbr.rel @p0 .LBB2_4-.Ltmp1, $4  }
0x3ca: {  	_ = 	snop  }
0x3cb: {  	[tilespmem:v62+s17+$0x0] =	vst.idx.add.f32.msk $0xffff, v4  }
0x3cc: {  	[tilespmem:v5+s17+$0x0] =	vst.idx.add.f32.msk $0xffff, v4  }
0x3cd: {  	s20 =	sadd.s32 $0x80, s20;
	s21 =	sadd.s32 $0x200, s21;
	[tilespmem:v6+s17+$0x0] =	vst.idx.add.f32.msk vm15, v4  }
0x3ce: {  	s22 =	simm.s32 $0x0  }
0x3cf: {  	v5 =	vld [tilespmem:s22+$0xD100];
	_ =	sdelay $0x3  }
0x3d0: {  	s20 =	simm.s32 $0xDD00;
	s21 =	simm.s32 $0x40  }
.LBB2_6:
0x3d1: {  	s22 =	sshra.s32 s21, $0x2;
	p0 =	sne.s32 s21, $0x2FC0;
	s21 =	sadd.s32 $0x40, s21;
	[tilespmem:s20+$0x0] =	vst v5  }
.Ltmp2:
0x3d2: {  	v5 =	vld [tilespmem:s22+$0xD100];
	(pc) =	sbr.rel @p0 .LBB2_6-.Ltmp2, $2  }
0x3d3: {  	_ =	sdelay $0x2  }
0x3d4: {  	s20 =	sadd.s32 $0x80, s20  }
0x3d5: {  	s19 =	sadd.s32 $0x1, s19  }
0x3d6: {  	p0 =	sne.s32 s19, s9  }
.Ltmp3:
0x3d7: {  	[tilespmem:s20+$0x0] =	vst v5;
	(pc) =	sbr.rel @p0 .LBB2_1-.Ltmp3, $4  }
0x3d8: {  	[hbm4b:s8+s3] =	stream.linear.scatter [tilespmem:s18], [sflag:$0x3], $0x6000, $0x38;
	[tilespmem:$0x13E00] =	vst v63  }
0x3d9: {  	_ =	swait.ge [sflag:s12], $0x6000  }
0x3da: {  	[sflag:s12] =	ssyncset.done $0x0  }
0x3db: {  	[sflag:s12] =	ssyncadd.s32 $0xFFFFA000  }
0x3dc: {  	_ =	sfence.sel $0x180000  }
0x3dd: {  	[bflag:$0x0] =	sbarrier.arrive $0xFFFF  }
0x3de: {  	p0 =	sne.s32 s0, $0x0;
	_ =	strace $0x90000047  }
0x3df: {  	s0 =	sadd.s32 @!p0 $0x100000, s1;
	[bflag:$0x2] =	sbarrier.arrive $0xFFFF  }
0x3e0: {  	[sflag:s0] =	ssyncadd.tile.s32 @!p0 $0x1;
	_ =	shalt  }
.Lfunc_end2:
_tile_overlayer_lowered:
.L_overlay_start_2:
0x3e1: {  	(tag) =	ssettag $0x2  }
0x3e2: {  	s0 =	rddreg [dreg:$0x0];
	s2 =	stileid.u32  }
0x3e3: {  	s1 =	rddreg [dreg:$0x1];
	p0 =	sne.s32 s2, $0x0  }
0x3e4: {  	s3 =	rddreg [dreg:$0x2];
	[bflag:$0x3] =	sbarrier.arrive $0xFFFF;
	s2 =	simm.s32 @!p0 $0x1C03  }
0x3e5: {  	[timem:s3], [sflag:s2] =	dma.local @!p0 [hbm:s0], s1  }
0x3e6: {  	s0 =	simm.s32 @!p0 $0x3  }
0x3e7: {  	_ =	swait.ge @!p0 [sflag:s0], s1  }
0x3e8: {  	s1 =	ssub.s32 @!p0 $0x0, s1;
	[sflag:s0] =	ssyncset.done @!p0 $0x0  }
0x3e9: {  	[sflag:s0] =	ssyncadd.s32 @!p0 s1  }
0x3ea: {  	[bflag:$0x3] =	sbarrier.arrive $0xFFFF  }
0x3eb: {  	_ =	shalt  }

</sc_bundles>
